<compile_context>
chip_gen: v7x
topology: tpu7x:2x2x1
jax: 0.10.2.dev20260603
libtpu: 0.0.44.dev20260713+nightly
codegen_flags: <defaults>
</compile_context>

<pallas_src>
import functools

import jax
import jax.numpy as jnp
from jax import lax
from jax.experimental import pallas as pl
from jax.experimental.pallas import tpu as pltpu
from jax.experimental.pallas import tpu_sc as plsc

N = 10000
E = 320000
D_IN = 128
HID = 64
NUM_CLASSES = 10
NUM_GRAPHS = 64

NC, NS = 2, 16
NPAD = 10240
RPT = NPAD // NS
CH = 80
NCHT = E // (NC * NS * CH)
DW = 128

R = 1000
G = N // R

_mesh = plsc.VectorSubcoreMesh(
    core_axis_name="c", subcore_axis_name="s", num_cores=NC, num_subcores=NS)

f32 = jnp.float32
i32 = jnp.int32


def _deg_body(dstr_hbm, zeros_hbm, out0_hbm, out1_hbm, deg_sh, idst, ones_v,
              sem):
    c = lax.axis_index("c")
    s = lax.axis_index("s")
    t = c * NS + s
    pltpu.sync_copy(zeros_hbm, deg_sh.at[pl.ds(s * RPT, RPT)])
    pltpu.sync_copy(dstr_hbm.at[t], idst)
    for k in range(CH // 16):
        ones_v[pl.ds(k * 16, 16)] = jnp.full((16,), 1.0, f32)
    plsc.subcore_barrier()

    def body(jj, carry):
        for b in range(8):
            j = jj * 8 + b

            @pl.when(j < NCHT)
            def _():
                pltpu.async_copy(ones_v, deg_sh.at[idst.at[j]], sem, add=True)

        for b in range(8):
            j = jj * 8 + b

            @pl.when(j < NCHT)
            def _():
                pltpu.make_async_copy(
                    ones_v, deg_sh.at[idst.at[j]], sem).wait()

        return carry

    lax.fori_loop(0, (NCHT + 7) // 8, body, 0)
    plsc.subcore_barrier()

    @pl.when(c == 0)
    def _():
        pltpu.sync_copy(deg_sh.at[pl.ds(s * RPT, RPT)],
                        out0_hbm.at[pl.ds(s * RPT, RPT)])

    @pl.when(c == 1)
    def _():
        pltpu.sync_copy(deg_sh.at[pl.ds(s * RPT, RPT)],
                        out1_hbm.at[pl.ds(s * RPT, RPT)])


_deg_call = pl.kernel(
    _deg_body,
    out_type=(jax.ShapeDtypeStruct((NPAD,), f32),
              jax.ShapeDtypeStruct((NPAD,), f32)),
    mesh=_mesh,
    scratch_types=[
        pltpu.VMEM_SHARED((NPAD,), f32),
        pltpu.VMEM((NCHT, CH), i32),
        pltpu.VMEM((CH,), f32),
        pltpu.SemaphoreType.DMA,
    ],
)


def _agg_body(g_hbm, srcf_hbm, dstr_hbm, zeros_hbm,
              out0_hbm, out1_hbm, s_sh, isrc, idst, rows,
              sem0, sem1, sem2, sem3):
    c = lax.axis_index("c")
    s = lax.axis_index("s")
    t = c * NS + s
    ept = NCHT * CH

    @pl.when(c == 0)
    def _():
        @pl.when(s < NS - 1)
        def _():
            pltpu.sync_copy(g_hbm.at[pl.ds(s * RPT, RPT)],
                            s_sh.at[pl.ds(s * RPT, RPT)])

        @pl.when(s == NS - 1)
        def _():
            pltpu.sync_copy(g_hbm.at[pl.ds(s * RPT, N - (NS - 1) * RPT)],
                            s_sh.at[pl.ds(s * RPT, N - (NS - 1) * RPT)])
            pltpu.sync_copy(zeros_hbm.at[pl.ds(0, NPAD - N)],
                            s_sh.at[pl.ds(N, NPAD - N)])

    @pl.when(c == 1)
    def _():
        pltpu.sync_copy(zeros_hbm, s_sh.at[pl.ds(s * RPT, RPT)])

    pltpu.sync_copy(srcf_hbm.at[pl.ds(t * ept, ept)], isrc)
    pltpu.sync_copy(dstr_hbm.at[t], idst)
    plsc.subcore_barrier()

    sems_g = (sem0, sem1)
    sems_s = (sem2, sem3)
    pltpu.async_copy(g_hbm.at[isrc.at[pl.ds(0, CH)]], rows.at[0], sem0)

    def body(jj, carry):
        for b in range(2):
            j = jj * 2 + b
            nxt = j + 1

            @pl.when(nxt < NCHT)
            def _():
                @pl.when(nxt >= 2)
                def _():
                    pltpu.make_async_copy(
                        rows.at[1 - b], s_sh.at[idst.at[nxt - 2]],
                        sems_s[1 - b]).wait()

                pltpu.async_copy(g_hbm.at[isrc.at[pl.ds(nxt * CH, CH)]],
                                 rows.at[1 - b], sems_g[1 - b])

            @pl.when(j < NCHT)
            def _():
                pltpu.make_async_copy(
                    g_hbm.at[isrc.at[pl.ds(j * CH, CH)]],
                    rows.at[b], sems_g[b]).wait()
                pltpu.async_copy(rows.at[b], s_sh.at[idst.at[j]],
                                 sems_s[b], add=True)

        return carry

    lax.fori_loop(0, (NCHT + 1) // 2, body, 0)
    pltpu.make_async_copy(rows.at[(NCHT - 2) % 2],
                          s_sh.at[idst.at[NCHT - 2]],
                          sems_s[(NCHT - 2) % 2]).wait()
    pltpu.make_async_copy(rows.at[(NCHT - 1) % 2],
                          s_sh.at[idst.at[NCHT - 1]],
                          sems_s[(NCHT - 1) % 2]).wait()
    plsc.subcore_barrier()

    @pl.when(c == 0)
    def _():
        pltpu.sync_copy(s_sh.at[pl.ds(s * RPT, RPT)],
                        out0_hbm.at[pl.ds(s * RPT, RPT)])

    @pl.when(c == 1)
    def _():
        pltpu.sync_copy(s_sh.at[pl.ds(s * RPT, RPT)],
                        out1_hbm.at[pl.ds(s * RPT, RPT)])


_agg_call = pl.kernel(
    _agg_body,
    out_type=(jax.ShapeDtypeStruct((NPAD, DW), f32),
              jax.ShapeDtypeStruct((NPAD, DW), f32)),
    mesh=_mesh,
    scratch_types=[
        pltpu.VMEM_SHARED((NPAD, DW), f32),
        pltpu.VMEM((NCHT * CH,), i32),
        pltpu.VMEM((NCHT, CH), i32),
        pltpu.VMEM((2, CH, DW), f32),
        pltpu.SemaphoreType.DMA,
        pltpu.SemaphoreType.DMA,
        pltpu.SemaphoreType.DMA,
        pltpu.SemaphoreType.DMA,
    ],
)


def _k1_body(x_ref, d0_ref, d1_ref, w_ref, g_ref, dinv_ref):
    deg = d0_ref[...] + d1_ref[...] + 1.0
    dinv = lax.rsqrt(deg)
    h = jnp.dot(x_ref[...], w_ref[...], preferred_element_type=f32)
    g_ref[...] = h * dinv
    dinv_ref[...] = dinv


def _k1_call(x, d0, d1, w):
    return pl.pallas_call(
        _k1_body,
        grid=(G,),
        in_specs=[
            pl.BlockSpec((R, D_IN), lambda i: (i, 0)),
            pl.BlockSpec((R, 1), lambda i: (i, 0)),
            pl.BlockSpec((R, 1), lambda i: (i, 0)),
            pl.BlockSpec((D_IN, 2 * HID), lambda i: (0, 0)),
        ],
        out_specs=[
            pl.BlockSpec((R, DW), lambda i: (i, 0)),
            pl.BlockSpec((R, 1), lambda i: (i, 0)),
        ],
        out_shape=[
            jax.ShapeDtypeStruct((N, DW), f32),
            jax.ShapeDtypeStruct((N, 1), f32),
        ],
    )(x, d0, d1, w)


def _mid_body(dout, s0, s1, dinv, w, b, o_ref):
    dv = dinv[...]
    a = jnp.maximum(dv * (s0[...] + s1[...]) + b[...], 0.0)
    h = jnp.dot(a, w[...], preferred_element_type=f32)
    g_next = h * dv
    if dout < DW:
        g_next = jnp.concatenate(
            [g_next, jnp.zeros((R, DW - dout), f32)], axis=1)
    o_ref[...] = g_next


def _mid_call(s0, s1, dinv, w, b, dout):
    return pl.pallas_call(
        functools.partial(_mid_body, dout),
        grid=(G,),
        in_specs=[
            pl.BlockSpec((R, DW), lambda i: (i, 0)),
            pl.BlockSpec((R, DW), lambda i: (i, 0)),
            pl.BlockSpec((R, 1), lambda i: (i, 0)),
            pl.BlockSpec((DW, dout), lambda i: (0, 0)),
            pl.BlockSpec((1, DW), lambda i: (0, 0)),
        ],
        out_specs=pl.BlockSpec((R, DW), lambda i: (i, 0)),
        out_shape=jax.ShapeDtypeStruct((N, DW), f32),
    )(s0, s1, dinv, w, b.reshape(1, -1))


def _fin_body(s0, s1, dinv, b3, batch, w4, b4, out_ref, sums, cnts):
    i = pl.program_id(0)

    @pl.when(i == 0)
    def _():
        sums[...] = jnp.zeros((NUM_GRAPHS, HID), f32)
        cnts[...] = jnp.zeros((NUM_GRAPHS, 1), f32)

    dv = dinv[...]
    a = dv * (s0[...] + s1[...])[:, :HID] + b3[...]
    oh = (batch[...] == lax.broadcasted_iota(i32, (R, NUM_GRAPHS), 1))
    oh = oh.astype(f32)
    sums[...] += lax.dot_general(oh, a, (((0,), (0,)), ((), ())),
                                 preferred_element_type=f32)
    cnts[...] += lax.dot_general(oh, jnp.ones((R, 1), f32),
                                 (((0,), (0,)), ((), ())),
                                 preferred_element_type=f32)

    @pl.when(i == G - 1)
    def _():
        pooled = sums[...] / jnp.maximum(cnts[...], 1.0)
        out_ref[...] = jnp.dot(pooled, w4[...],
                               preferred_element_type=f32) + b4[...]


def _fin_call(s0, s1, dinv, b3, batch, w4, b4):
    return pl.pallas_call(
        _fin_body,
        grid=(G,),
        in_specs=[
            pl.BlockSpec((R, DW), lambda i: (i, 0)),
            pl.BlockSpec((R, DW), lambda i: (i, 0)),
            pl.BlockSpec((R, 1), lambda i: (i, 0)),
            pl.BlockSpec((1, HID), lambda i: (0, 0)),
            pl.BlockSpec((R, 1), lambda i: (i, 0)),
            pl.BlockSpec((HID, NUM_CLASSES), lambda i: (0, 0)),
            pl.BlockSpec((1, NUM_CLASSES), lambda i: (0, 0)),
        ],
        out_specs=pl.BlockSpec((NUM_GRAPHS, NUM_CLASSES), lambda i: (0, 0)),
        out_shape=jax.ShapeDtypeStruct((NUM_GRAPHS, NUM_CLASSES), f32),
        scratch_shapes=[
            pltpu.VMEM((NUM_GRAPHS, HID), f32),
            pltpu.VMEM((NUM_GRAPHS, 1), f32),
        ],
    )(s0, s1, dinv, b3.reshape(1, -1), batch, w4, b4.reshape(1, -1))


def kernel(x, edge_index, batch, W1, b1, W2, b2, W3, b3, W4, b4):
    src = edge_index[0].astype(i32)
    dst = edge_index[1].astype(i32).reshape(NC * NS, NCHT, CH)
    batch2 = batch.astype(i32).reshape(N, 1)
    z1 = jnp.zeros((RPT,), f32)
    zw = jnp.zeros((RPT, DW), f32)

    deg0, deg1 = _deg_call(dst, z1)
    g1, dinv = _k1_call(x, deg0.reshape(NPAD, 1),
                        deg1.reshape(NPAD, 1), W1)

    s1a, s1b = _agg_call(g1, src, dst, zw)
    g2 = _mid_call(s1a, s1b, dinv, W2, b1, 2 * HID)

    s2a, s2b = _agg_call(g2, src, dst, zw)
    g3 = _mid_call(s2a, s2b, dinv, W3, b2, HID)

    s3a, s3b = _agg_call(g3, src, dst, zw)
    out = _fin_call(s3a, s3b, dinv, b3, batch2, W4, b4)
    return out

# --- scband reference (transcript-rebuilt; emitter-appended) ---
"""Pipeline reference for scband-gcn-3650722201611 (READ-ONLY COPY).

The authoritative reference and input builder live on the scoring server;
editing this copy changes nothing except your own understanding.
"""

import jax, jax.numpy as jnp
import numpy as np

N = 10000
E = 320000
D_IN = 128
HID = 64
NUM_CLASSES = 10
NUM_GRAPHS = 64


def setup_inputs(seed: int = 0) -> dict:
    key = jax.random.key(seed)
    ks = jax.random.split(key, 16)
    x = jax.random.normal(ks[0], (N, D_IN), dtype=jnp.float32)
    edge_index = jax.random.randint(ks[1], (2, E), 0, N, dtype=jnp.int64)
    batch = jnp.sort(jax.random.randint(ks[2], (N,), 0, NUM_GRAPHS, dtype=jnp.int64))
    # GCNConv weights (in, out) + biases, Linear weight + bias
    W1 = jax.random.normal(ks[3], (D_IN, HID * 2), dtype=jnp.float32) * 0.05
    b1 = jnp.zeros((HID * 2,), dtype=jnp.float32)
    W2 = jax.random.normal(ks[4], (HID * 2, HID * 2), dtype=jnp.float32) * 0.05
    b2 = jnp.zeros((HID * 2,), dtype=jnp.float32)
    W3 = jax.random.normal(ks[5], (HID * 2, HID), dtype=jnp.float32) * 0.05
    b3 = jnp.zeros((HID,), dtype=jnp.float32)
    W4 = jax.random.normal(ks[6], (HID, NUM_CLASSES), dtype=jnp.float32) * 0.05
    b4 = jnp.zeros((NUM_CLASSES,), dtype=jnp.float32)
    return {"x": x, "edge_index": edge_index, "batch": batch,
            "W1": W1, "b1": b1, "W2": W2, "b2": b2,
            "W3": W3, "b3": b3, "W4": W4, "b4": b4}


def _gcn_conv(x, edge_index, W, b):
    # PyG GCNConv: add self-loops, symmetric normalization, linear transform,
    # scatter-add aggregation, bias.
    n = x.shape[0]
    loop = jnp.arange(n, dtype=edge_index.dtype)
    src = jnp.concatenate([edge_index[0], loop])
    dst = jnp.concatenate([edge_index[1], loop])
    deg = jnp.zeros((n,), dtype=x.dtype).at[dst].add(1.0)
    deg_inv_sqrt = jnp.where(deg > 0, deg ** -0.5, 0.0)
    norm = deg_inv_sqrt[src] * deg_inv_sqrt[dst]
    h = x @ W
    msg = jnp.take(h, src, axis=0) * norm[:, None]
    out = jnp.zeros((n, W.shape[1]), dtype=x.dtype).at[dst].add(msg)
    return out + b


def reference(x, edge_index, batch, W1, b1, W2, b2, W3, b3, W4, b4):
    h = _gcn_conv(x, edge_index, W1, b1)
    h = jax.nn.relu(h)
    h = _gcn_conv(h, edge_index, W2, b2)
    h = jax.nn.relu(h)
    h = _gcn_conv(h, edge_index, W3, b3)
    # global_mean_pool over batch assignment
    sums = jax.ops.segment_sum(h, batch, num_segments=NUM_GRAPHS)
    counts = jax.ops.segment_sum(jnp.ones((h.shape[0],), dtype=h.dtype), batch, num_segments=NUM_GRAPHS)
    pooled = sums / jnp.maximum(counts, 1.0)[:, None]
    # dropout p=0.3 is identity in eval mode
    out = pooled @ W4 + b4
    return out

if __name__ == "__main__":
    import jax
    _d = setup_inputs()
    print(jax.jit(kernel)(*tuple(_d.values())))

</pallas_src>

<mosaic_0001>
#map = affine_map<(d0, d1) -> (0, 0)>
#map1 = affine_map<(d0, d1) -> (0)>
#map2 = affine_map<(d0, d1) -> (0, 0, 0)>
module attributes {stable_mosaic.version = 14 : i64} {
  func.func @_agg_body(%arg0: i32, %arg1: i32, %arg2: memref<10000x128xf32, #tpu.memory_space<hbm>>, %arg3: memref<320000xi32, #tpu.memory_space<hbm>>, %arg4: memref<32x125x80xi32, #tpu.memory_space<hbm>>, %arg5: memref<640x128xf32, #tpu.memory_space<hbm>>, %arg6: memref<10240x128xf32, #tpu.memory_space<hbm>>, %arg7: memref<10240x128xf32, #tpu.memory_space<hbm>>, %arg8: memref<10240x128xf32, #tpu.memory_space<vmem_shared>>, %arg9: memref<10000xi32, #tpu.memory_space<vmem>>, %arg10: memref<125x80xi32, #tpu.memory_space<vmem>>, %arg11: memref<2x80x128xf32, #tpu.memory_space<vmem>>, %arg12: memref<!tpu.dma_semaphore, #tpu.memory_space<semaphore_mem>>, %arg13: memref<!tpu.dma_semaphore, #tpu.memory_space<semaphore_mem>>, %arg14: memref<!tpu.dma_semaphore, #tpu.memory_space<semaphore_mem>>, %arg15: memref<!tpu.dma_semaphore, #tpu.memory_space<semaphore_mem>>) attributes {dimension_semantics = [#tpu.dimension_semantics<core_parallel>, #tpu.dimension_semantics<subcore_parallel>], iteration_bounds = array<i64: 2, 16>, scalar_prefetch = 0 : i64, scratch_operands = 8 : i64, tpu.core_type = #tpu.core_type<sc_vector_subcore>, window_params = [{transform_indices = #map}, {transform_indices = #map1}, {transform_indices = #map2}, {transform_indices = #map}, {transform_indices = #map}, {transform_indices = #map}]} {
    %mul3A = arith.constant 16 : i32
    %mul3A_0 = arith.muli %arg0, %mul3A : i32
    %add3A = arith.addi %mul3A_0, %arg1 : i32
    %eq3A = arith.constant 0 : i32
    %eq3A_1 = arith.cmpi eq, %arg0, %eq3A : i32
    %convert_element_type3A = arith.extui %eq3A_1 : i1 to i32
    %cond3A = arith.constant 0 : i32
    %cond3A_2 = arith.cmpi ne, %convert_element_type3A, %cond3A : i32
    scf.if %cond3A_2 {
      %lt3A = arith.constant 15 : i32
      %lt3A_58 = arith.cmpi slt, %arg1, %lt3A : i32
      %convert_element_type3A_59 = arith.extui %lt3A_58 : i1 to i32
      %cond3A_60 = arith.constant 0 : i32
      %cond3A_61 = arith.cmpi ne, %convert_element_type3A_59, %cond3A_60 : i32
      scf.if %cond3A_61 {
        %mul3A_67 = arith.constant 640 : i32
        %mul3A_68 = arith.muli %arg1, %mul3A_67 : i32
        %mul3A_69 = arith.constant 640 : i32
        %mul3A_70 = arith.muli %arg1, %mul3A_69 : i32
        "tpu.region"() ({
          %run_scoped3A = tpu.sem_alloc : memref<!tpu.dma_semaphore, #tpu.memory_space<semaphore_mem>>
          %dma_start3A_71 = arith.constant 0 : i32
          %dma_start3A_72 = tpu.memref_slice %arg8[%mul3A_70, %dma_start3A_71] : memref<10240x128xf32, #tpu.memory_space<vmem_shared>> -> memref<640x128xf32, #tpu.memory_space<vmem_shared>>
          %dma_start3A_73 = arith.constant 0 : i32
          %dma_start3A_74 = tpu.memref_slice %arg2[%mul3A_68, %dma_start3A_73] : memref<10000x128xf32, #tpu.memory_space<hbm>> -> memref<640x128xf32, #tpu.memory_space<hbm>>
          tpu.enqueue_dma source(%dma_start3A_74 : memref<640x128xf32, #tpu.memory_space<hbm>>) target(%dma_start3A_72 : memref<640x128xf32, #tpu.memory_space<vmem_shared>>) target_semaphore(%run_scoped3A : memref<!tpu.dma_semaphore, #tpu.memory_space<semaphore_mem>>)
          %dma_wait3A_75 = arith.constant 0 : i32
          %dma_wait3A_76 = tpu.memref_slice %arg8[%mul3A_70, %dma_wait3A_75] : memref<10240x128xf32, #tpu.memory_space<vmem_shared>> -> memref<640x128xf32, #tpu.memory_space<vmem_shared>>
          %dma_wait3A_77 = arith.constant 0 : i32
          %dma_wait3A_78 = tpu.memref_slice %arg2[%mul3A_68, %dma_wait3A_77] : memref<10000x128xf32, #tpu.memory_space<hbm>> -> memref<640x128xf32, #tpu.memory_space<hbm>>
          tpu.wait_dma2 semaphore(%run_scoped3A : memref<!tpu.dma_semaphore, #tpu.memory_space<semaphore_mem>>) src(%dma_wait3A_78 : memref<640x128xf32, #tpu.memory_space<hbm>>) dst(%dma_wait3A_76 : memref<640x128xf32, #tpu.memory_space<vmem_shared>>)
          tpu.yield
        }) : () -> ()
      } else {
      }
      %eq3A_62 = arith.constant 15 : i32
      %eq3A_63 = arith.cmpi eq, %arg1, %eq3A_62 : i32
      %convert_element_type3A_64 = arith.extui %eq3A_63 : i1 to i32
      %cond3A_65 = arith.constant 0 : i32
      %cond3A_66 = arith.cmpi ne, %convert_element_type3A_64, %cond3A_65 : i32
      scf.if %cond3A_66 {
        %mul3A_67 = arith.constant 640 : i32
        %mul3A_68 = arith.muli %arg1, %mul3A_67 : i32
        %mul3A_69 = arith.constant 640 : i32
        %mul3A_70 = arith.muli %arg1, %mul3A_69 : i32
        "tpu.region"() ({
          %run_scoped3A = tpu.sem_alloc : memref<!tpu.dma_semaphore, #tpu.memory_space<semaphore_mem>>
          %dma_start3A_71 = arith.constant 0 : i32
          %dma_start3A_72 = tpu.memref_slice %arg8[%mul3A_70, %dma_start3A_71] : memref<10240x128xf32, #tpu.memory_space<vmem_shared>> -> memref<400x128xf32, #tpu.memory_space<vmem_shared>>
          %dma_start3A_73 = arith.constant 0 : i32
          %dma_start3A_74 = tpu.memref_slice %arg2[%mul3A_68, %dma_start3A_73] : memref<10000x128xf32, #tpu.memory_space<hbm>> -> memref<400x128xf32, #tpu.memory_space<hbm>>
          tpu.enqueue_dma source(%dma_start3A_74 : memref<400x128xf32, #tpu.memory_space<hbm>>) target(%dma_start3A_72 : memref<400x128xf32, #tpu.memory_space<vmem_shared>>) target_semaphore(%run_scoped3A : memref<!tpu.dma_semaphore, #tpu.memory_space<semaphore_mem>>)
          %dma_wait3A_75 = arith.constant 0 : i32
          %dma_wait3A_76 = tpu.memref_slice %arg8[%mul3A_70, %dma_wait3A_75] : memref<10240x128xf32, #tpu.memory_space<vmem_shared>> -> memref<400x128xf32, #tpu.memory_space<vmem_shared>>
          %dma_wait3A_77 = arith.constant 0 : i32
          %dma_wait3A_78 = tpu.memref_slice %arg2[%mul3A_68, %dma_wait3A_77] : memref<10000x128xf32, #tpu.memory_space<hbm>> -> memref<400x128xf32, #tpu.memory_space<hbm>>
          tpu.wait_dma2 semaphore(%run_scoped3A : memref<!tpu.dma_semaphore, #tpu.memory_space<semaphore_mem>>) src(%dma_wait3A_78 : memref<400x128xf32, #tpu.memory_space<hbm>>) dst(%dma_wait3A_76 : memref<400x128xf32, #tpu.memory_space<vmem_shared>>)
          tpu.yield
        }) : () -> ()
        "tpu.region"() ({
          %run_scoped3A = tpu.sem_alloc : memref<!tpu.dma_semaphore, #tpu.memory_space<semaphore_mem>>
          %dma_start3A_71 = arith.constant 10000 : i32
          %dma_start3A_72 = arith.constant 0 : i32
          %dma_start3A_73 = tpu.memref_slice %arg8[%dma_start3A_71, %dma_start3A_72] : memref<10240x128xf32, #tpu.memory_space<vmem_shared>> -> memref<240x128xf32, #tpu.memory_space<vmem_shared>>
          %dma_start3A_74 = arith.constant 0 : i32
          %dma_start3A_75 = arith.constant 0 : i32
          %dma_start3A_76 = tpu.memref_slice %arg5[%dma_start3A_74, %dma_start3A_75] : memref<640x128xf32, #tpu.memory_space<hbm>> -> memref<240x128xf32, #tpu.memory_space<hbm>>
          tpu.enqueue_dma source(%dma_start3A_76 : memref<240x128xf32, #tpu.memory_space<hbm>>) target(%dma_start3A_73 : memref<240x128xf32, #tpu.memory_space<vmem_shared>>) target_semaphore(%run_scoped3A : memref<!tpu.dma_semaphore, #tpu.memory_space<semaphore_mem>>)
          %dma_wait3A_77 = arith.constant 10000 : i32
          %dma_wait3A_78 = arith.constant 0 : i32
          %dma_wait3A_79 = tpu.memref_slice %arg8[%dma_wait3A_77, %dma_wait3A_78] : memref<10240x128xf32, #tpu.memory_space<vmem_shared>> -> memref<240x128xf32, #tpu.memory_space<vmem_shared>>
          %dma_wait3A_80 = arith.constant 0 : i32
          %dma_wait3A_81 = arith.constant 0 : i32
          %dma_wait3A_82 = tpu.memref_slice %arg5[%dma_wait3A_80, %dma_wait3A_81] : memref<640x128xf32, #tpu.memory_space<hbm>> -> memref<240x128xf32, #tpu.memory_space<hbm>>
          tpu.wait_dma2 semaphore(%run_scoped3A : memref<!tpu.dma_semaphore, #tpu.memory_space<semaphore_mem>>) src(%dma_wait3A_82 : memref<240x128xf32, #tpu.memory_space<hbm>>) dst(%dma_wait3A_79 : memref<240x128xf32, #tpu.memory_space<vmem_shared>>)
          tpu.yield
        }) : () -> ()
      } else {
      }
    } else {
    }
    %eq3A_3 = arith.constant 1 : i32
    %eq3A_4 = arith.cmpi eq, %arg0, %eq3A_3 : i32
    %convert_element_type3A_5 = arith.extui %eq3A_4 : i1 to i32
    %cond3A_6 = arith.constant 0 : i32
    %cond3A_7 = arith.cmpi ne, %convert_element_type3A_5, %cond3A_6 : i32
    scf.if %cond3A_7 {
      %mul3A_58 = arith.constant 640 : i32
      %mul3A_59 = arith.muli %arg1, %mul3A_58 : i32
      "tpu.region"() ({
        %run_scoped3A = tpu.sem_alloc : memref<!tpu.dma_semaphore, #tpu.memory_space<semaphore_mem>>
        %dma_start3A_60 = arith.constant 0 : i32
        %dma_start3A_61 = tpu.memref_slice %arg8[%mul3A_59, %dma_start3A_60] : memref<10240x128xf32, #tpu.memory_space<vmem_shared>> -> memref<640x128xf32, #tpu.memory_space<vmem_shared>>
        tpu.enqueue_dma source(%arg5 : memref<640x128xf32, #tpu.memory_space<hbm>>) target(%dma_start3A_61 : memref<640x128xf32, #tpu.memory_space<vmem_shared>>) target_semaphore(%run_scoped3A : memref<!tpu.dma_semaphore, #tpu.memory_space<semaphore_mem>>)
        %dma_wait3A_62 = arith.constant 0 : i32
        %dma_wait3A_63 = tpu.memref_slice %arg8[%mul3A_59, %dma_wait3A_62] : memref<10240x128xf32, #tpu.memory_space<vmem_shared>> -> memref<640x128xf32, #tpu.memory_space<vmem_shared>>
        tpu.wait_dma2 semaphore(%run_scoped3A : memref<!tpu.dma_semaphore, #tpu.memory_space<semaphore_mem>>) src(%arg5 : memref<640x128xf32, #tpu.memory_space<hbm>>) dst(%dma_wait3A_63 : memref<640x128xf32, #tpu.memory_space<vmem_shared>>)
        tpu.yield
      }) : () -> ()
    } else {
    }
    %mul3A_8 = arith.constant 10000 : i32
    %mul3A_9 = arith.muli %add3A, %mul3A_8 : i32
    "tpu.region"() ({
      %run_scoped3A = tpu.sem_alloc : memref<!tpu.dma_semaphore, #tpu.memory_space<semaphore_mem>>
      %dma_start3A_58 = tpu.memref_slice %arg3[%mul3A_9] : memref<320000xi32, #tpu.memory_space<hbm>> -> memref<10000xi32, #tpu.memory_space<hbm>>
      %dma_start3A_59 = tpu.memref_slice %arg3[%mul3A_9] : memref<320000xi32, #tpu.memory_space<hbm>> -> memref<10000xi32, #tpu.memory_space<hbm>>
      tpu.enqueue_dma source(%dma_start3A_59 : memref<10000xi32, #tpu.memory_space<hbm>>) target(%arg9 : memref<10000xi32, #tpu.memory_space<vmem>>) target_semaphore(%run_scoped3A : memref<!tpu.dma_semaphore, #tpu.memory_space<semaphore_mem>>)
      %dma_wait3A_60 = tpu.memref_slice %arg3[%mul3A_9] : memref<320000xi32, #tpu.memory_space<hbm>> -> memref<10000xi32, #tpu.memory_space<hbm>>
      %dma_wait3A_61 = tpu.memref_slice %arg3[%mul3A_9] : memref<320000xi32, #tpu.memory_space<hbm>> -> memref<10000xi32, #tpu.memory_space<hbm>>
      tpu.wait_dma2 semaphore(%run_scoped3A : memref<!tpu.dma_semaphore, #tpu.memory_space<semaphore_mem>>) src(%dma_wait3A_61 : memref<10000xi32, #tpu.memory_space<hbm>>) dst(%arg9 : memref<10000xi32, #tpu.memory_space<vmem>>)
      tpu.yield
    }) : () -> ()
    "tpu.region"() ({
      %run_scoped3A = tpu.sem_alloc : memref<!tpu.dma_semaphore, #tpu.memory_space<semaphore_mem>>
      %dma_start3A_58 = arith.constant 0 : i32
      %dma_start3A_59 = arith.constant 0 : i32
      %dma_start3A_60 = tpu.memref_slice %arg4[%add3A, %dma_start3A_58, %dma_start3A_59] : memref<32x125x80xi32, #tpu.memory_space<hbm>> -> memref<1x125x80xi32, #tpu.memory_space<hbm>>
      %dma_start3A_61 = tpu.memref_squeeze %dma_start3A_60 : memref<1x125x80xi32, #tpu.memory_space<hbm>> -> memref<125x80xi32, #tpu.memory_space<hbm>>
      %dma_start3A_62 = arith.constant 0 : i32
      %dma_start3A_63 = arith.constant 0 : i32
      %dma_start3A_64 = tpu.memref_slice %arg4[%add3A, %dma_start3A_62, %dma_start3A_63] : memref<32x125x80xi32, #tpu.memory_space<hbm>> -> memref<1x125x80xi32, #tpu.memory_space<hbm>>
      %dma_start3A_65 = tpu.memref_squeeze %dma_start3A_64 : memref<1x125x80xi32, #tpu.memory_space<hbm>> -> memref<125x80xi32, #tpu.memory_space<hbm>>
      tpu.enqueue_dma source(%dma_start3A_65 : memref<125x80xi32, #tpu.memory_space<hbm>>) target(%arg10 : memref<125x80xi32, #tpu.memory_space<vmem>>) target_semaphore(%run_scoped3A : memref<!tpu.dma_semaphore, #tpu.memory_space<semaphore_mem>>)
      %dma_wait3A_66 = arith.constant 0 : i32
      %dma_wait3A_67 = arith.constant 0 : i32
      %dma_wait3A_68 = tpu.memref_slice %arg4[%add3A, %dma_wait3A_66, %dma_wait3A_67] : memref<32x125x80xi32, #tpu.memory_space<hbm>> -> memref<1x125x80xi32, #tpu.memory_space<hbm>>
      %dma_wait3A_69 = tpu.memref_squeeze %dma_wait3A_68 : memref<1x125x80xi32, #tpu.memory_space<hbm>> -> memref<125x80xi32, #tpu.memory_space<hbm>>
      %dma_wait3A_70 = arith.constant 0 : i32
      %dma_wait3A_71 = arith.constant 0 : i32
      %dma_wait3A_72 = tpu.memref_slice %arg4[%add3A, %dma_wait3A_70, %dma_wait3A_71] : memref<32x125x80xi32, #tpu.memory_space<hbm>> -> memref<1x125x80xi32, #tpu.memory_space<hbm>>
      %dma_wait3A_73 = tpu.memref_squeeze %dma_wait3A_72 : memref<1x125x80xi32, #tpu.memory_space<hbm>> -> memref<125x80xi32, #tpu.memory_space<hbm>>
      tpu.wait_dma2 semaphore(%run_scoped3A : memref<!tpu.dma_semaphore, #tpu.memory_space<semaphore_mem>>) src(%dma_wait3A_73 : memref<125x80xi32, #tpu.memory_space<hbm>>) dst(%arg10 : memref<125x80xi32, #tpu.memory_space<vmem>>)
      tpu.yield
    }) : () -> ()
    %barrier3A = arith.constant 0 : index
    tpu.barrier barrier_id(%barrier3A)
    %dma_start3A = arith.constant 0 : i32
    %dma_start3A_10 = arith.constant 0 : i32
    %dma_start3A_11 = arith.constant 0 : i32
    %dma_start3A_12 = tpu.memref_slice %arg11[%dma_start3A, %dma_start3A_10, %dma_start3A_11] : memref<2x80x128xf32, #tpu.memory_space<vmem>> -> memref<1x80x128xf32, #tpu.memory_space<vmem>>
    %dma_start3A_13 = tpu.memref_squeeze %dma_start3A_12 : memref<1x80x128xf32, #tpu.memory_space<vmem>> -> memref<80x128xf32, #tpu.memory_space<vmem>>
    %dma_start3A_14 = arith.constant 0 : i32
    %dma_start3A_15 = tpu.memref_slice %arg9[%dma_start3A_14] : memref<10000xi32, #tpu.memory_space<vmem>> -> memref<80xi32, #tpu.memory_space<vmem>>
    %dma_start3A_16 = arith.constant 0 : i32
    %dma_start3A_17 = arith.constant 0 : i32
    %dma_start3A_18 = tpu.memref_slice %arg2[%dma_start3A_16, %dma_start3A_17] : memref<10000x128xf32, #tpu.memory_space<hbm>> -> memref<10000x128xf32, #tpu.memory_space<hbm>>
    tpu.enqueue_indirect_dma source(%dma_start3A_18 : memref<10000x128xf32, #tpu.memory_space<hbm>>) target(%dma_start3A_13 : memref<80x128xf32, #tpu.memory_space<vmem>>) offsets(%dma_start3A_15 : memref<80xi32, #tpu.memory_space<vmem>>) semaphore(%arg12 : memref<!tpu.dma_semaphore, #tpu.memory_space<semaphore_mem>>)
    %scan3A = arith.constant 0 : i32
    %scan3A_19 = arith.constant 0 : i32
    %scan3A_20 = arith.constant 63 : i32
    %scan3A_21 = arith.addi %scan3A_19, %scan3A_20 : i32
    %scan3A_22 = arith.constant 1 : i32
    scf.for %scan3A_58 = %scan3A_19 to %scan3A_21 step %scan3A_22  : i32 {
      %mul3A_59 = arith.constant 2 : i32
      %mul3A_60 = arith.muli %scan3A_58, %mul3A_59 : i32
      %add3A_61 = arith.constant 0 : i32
      %add3A_62 = arith.addi %mul3A_60, %add3A_61 : i32
      %add3A_63 = arith.constant 1 : i32
      %add3A_64 = arith.addi %add3A_62, %add3A_63 : i32
      %lt3A = arith.constant 125 : i32
      %lt3A_65 = arith.cmpi slt, %add3A_64, %lt3A : i32
      %convert_element_type3A_66 = arith.extui %lt3A_65 : i1 to i32
      %cond3A_67 = arith.constant 0 : i32
      %cond3A_68 = arith.cmpi ne, %convert_element_type3A_66, %cond3A_67 : i32
      scf.if %cond3A_68 {
        %ge3A = arith.constant 2 : i32
        %ge3A_90 = arith.cmpi sge, %add3A_64, %ge3A : i32
        %convert_element_type3A_91 = arith.extui %ge3A_90 : i1 to i32
        %cond3A_92 = arith.constant 0 : i32
        %cond3A_93 = arith.cmpi ne, %convert_element_type3A_91, %cond3A_92 : i32
        scf.if %cond3A_93 {
          %sub3A = arith.constant 2 : i32
          %sub3A_105 = arith.subi %add3A_64, %sub3A : i32
          %dma_wait3A_106 = arith.constant 1 : i32
          %dma_wait3A_107 = arith.constant 0 : i32
          %dma_wait3A_108 = arith.constant 0 : i32
          %dma_wait3A_109 = tpu.memref_slice %arg11[%dma_wait3A_106, %dma_wait3A_107, %dma_wait3A_108] : memref<2x80x128xf32, #tpu.memory_space<vmem>> -> memref<1x80x128xf32, #tpu.memory_space<vmem>>
          %dma_wait3A_110 = tpu.memref_squeeze %dma_wait3A_109 : memref<1x80x128xf32, #tpu.memory_space<vmem>> -> memref<80x128xf32, #tpu.memory_space<vmem>>
          %dma_wait3A_111 = arith.constant 0 : i32
          %dma_wait3A_112 = tpu.memref_slice %arg10[%sub3A_105, %dma_wait3A_111] : memref<125x80xi32, #tpu.memory_space<vmem>> -> memref<1x80xi32, #tpu.memory_space<vmem>>
          %dma_wait3A_113 = tpu.memref_squeeze %dma_wait3A_112 : memref<1x80xi32, #tpu.memory_space<vmem>> -> memref<80xi32, #tpu.memory_space<vmem>>
          %dma_wait3A_114 = arith.constant 0 : i32
          %dma_wait3A_115 = arith.constant 0 : i32
          %dma_wait3A_116 = tpu.memref_slice %arg8[%dma_wait3A_114, %dma_wait3A_115] : memref<10240x128xf32, #tpu.memory_space<vmem_shared>> -> memref<10240x128xf32, #tpu.memory_space<vmem_shared>>
          tpu.wait_indirect_dma semaphore(%arg15 : memref<!tpu.dma_semaphore, #tpu.memory_space<semaphore_mem>>) src(%dma_wait3A_110 : memref<80x128xf32, #tpu.memory_space<vmem>>) dst(%dma_wait3A_116 : memref<10240x128xf32, #tpu.memory_space<vmem_shared>>)
        } else {
        }
        %mul3A_94 = arith.constant 80 : i32
        %mul3A_95 = arith.muli %add3A_64, %mul3A_94 : i32
        %dma_start3A_96 = arith.constant 1 : i32
        %dma_start3A_97 = arith.constant 0 : i32
        %dma_start3A_98 = arith.constant 0 : i32
        %dma_start3A_99 = tpu.memref_slice %arg11[%dma_start3A_96, %dma_start3A_97, %dma_start3A_98] : memref<2x80x128xf32, #tpu.memory_space<vmem>> -> memref<1x80x128xf32, #tpu.memory_space<vmem>>
        %dma_start3A_100 = tpu.memref_squeeze %dma_start3A_99 : memref<1x80x128xf32, #tpu.memory_space<vmem>> -> memref<80x128xf32, #tpu.memory_space<vmem>>
        %dma_start3A_101 = tpu.memref_slice %arg9[%mul3A_95] : memref<10000xi32, #tpu.memory_space<vmem>> -> memref<80xi32, #tpu.memory_space<vmem>>
        %dma_start3A_102 = arith.constant 0 : i32
        %dma_start3A_103 = arith.constant 0 : i32
        %dma_start3A_104 = tpu.memref_slice %arg2[%dma_start3A_102, %dma_start3A_103] : memref<10000x128xf32, #tpu.memory_space<hbm>> -> memref<10000x128xf32, #tpu.memory_space<hbm>>
        tpu.enqueue_indirect_dma source(%dma_start3A_104 : memref<10000x128xf32, #tpu.memory_space<hbm>>) target(%dma_start3A_100 : memref<80x128xf32, #tpu.memory_space<vmem>>) offsets(%dma_start3A_101 : memref<80xi32, #tpu.memory_space<vmem>>) semaphore(%arg13 : memref<!tpu.dma_semaphore, #tpu.memory_space<semaphore_mem>>)
      } else {
      }
      %lt3A_69 = arith.constant 125 : i32
      %lt3A_70 = arith.cmpi slt, %add3A_62, %lt3A_69 : i32
      %convert_element_type3A_71 = arith.extui %lt3A_70 : i1 to i32
      %cond3A_72 = arith.constant 0 : i32
      %cond3A_73 = arith.cmpi ne, %convert_element_type3A_71, %cond3A_72 : i32
      scf.if %cond3A_73 {
        %mul3A_90 = arith.constant 80 : i32
        %mul3A_91 = arith.muli %add3A_62, %mul3A_90 : i32
        %dma_wait3A_92 = arith.constant 0 : i32
        %dma_wait3A_93 = arith.constant 0 : i32
        %dma_wait3A_94 = arith.constant 0 : i32
        %dma_wait3A_95 = tpu.memref_slice %arg11[%dma_wait3A_92, %dma_wait3A_93, %dma_wait3A_94] : memref<2x80x128xf32, #tpu.memory_space<vmem>> -> memref<1x80x128xf32, #tpu.memory_space<vmem>>
        %dma_wait3A_96 = tpu.memref_squeeze %dma_wait3A_95 : memref<1x80x128xf32, #tpu.memory_space<vmem>> -> memref<80x128xf32, #tpu.memory_space<vmem>>
        %dma_wait3A_97 = tpu.memref_slice %arg9[%mul3A_91] : memref<10000xi32, #tpu.memory_space<vmem>> -> memref<80xi32, #tpu.memory_space<vmem>>
        %dma_wait3A_98 = arith.constant 0 : i32
        %dma_wait3A_99 = arith.constant 0 : i32
        %dma_wait3A_100 = tpu.memref_slice %arg2[%dma_wait3A_98, %dma_wait3A_99] : memref<10000x128xf32, #tpu.memory_space<hbm>> -> memref<10000x128xf32, #tpu.memory_space<hbm>>
        tpu.wait_indirect_dma semaphore(%arg12 : memref<!tpu.dma_semaphore, #tpu.memory_space<semaphore_mem>>) src(%dma_wait3A_100 : memref<10000x128xf32, #tpu.memory_space<hbm>>) dst(%dma_wait3A_96 : memref<80x128xf32, #tpu.memory_space<vmem>>)
        %dma_start3A_101 = arith.constant 0 : i32
        %dma_start3A_102 = arith.constant 0 : i32
        %dma_start3A_103 = arith.constant 0 : i32
        %dma_start3A_104 = tpu.memref_slice %arg11[%dma_start3A_101, %dma_start3A_102, %dma_start3A_103] : memref<2x80x128xf32, #tpu.memory_space<vmem>> -> memref<1x80x128xf32, #tpu.memory_space<vmem>>
        %dma_start3A_105 = tpu.memref_squeeze %dma_start3A_104 : memref<1x80x128xf32, #tpu.memory_space<vmem>> -> memref<80x128xf32, #tpu.memory_space<vmem>>
        %dma_start3A_106 = arith.constant 0 : i32
        %dma_start3A_107 = tpu.memref_slice %arg10[%add3A_62, %dma_start3A_106] : memref<125x80xi32, #tpu.memory_space<vmem>> -> memref<1x80xi32, #tpu.memory_space<vmem>>
        %dma_start3A_108 = tpu.memref_squeeze %dma_start3A_107 : memref<1x80xi32, #tpu.memory_space<vmem>> -> memref<80xi32, #tpu.memory_space<vmem>>
        %dma_start3A_109 = arith.constant 0 : i32
        %dma_start3A_110 = arith.constant 0 : i32
        %dma_start3A_111 = tpu.memref_slice %arg8[%dma_start3A_109, %dma_start3A_110] : memref<10240x128xf32, #tpu.memory_space<vmem_shared>> -> memref<10240x128xf32, #tpu.memory_space<vmem_shared>>
        tpu.enqueue_indirect_dma source(%dma_start3A_105 : memref<80x128xf32, #tpu.memory_space<vmem>>) target(%dma_start3A_111 : memref<10240x128xf32, #tpu.memory_space<vmem_shared>>) offsets(%dma_start3A_108 : memref<80xi32, #tpu.memory_space<vmem>>) semaphore(%arg14 : memref<!tpu.dma_semaphore, #tpu.memory_space<semaphore_mem>>) {add = true}
      } else {
      }
      %mul3A_74 = arith.constant 2 : i32
      %mul3A_75 = arith.muli %scan3A_58, %mul3A_74 : i32
      %add3A_76 = arith.constant 1 : i32
      %add3A_77 = arith.addi %mul3A_75, %add3A_76 : i32
      %add3A_78 = arith.constant 1 : i32
      %add3A_79 = arith.addi %add3A_77, %add3A_78 : i32
      %lt3A_80 = arith.constant 125 : i32
      %lt3A_81 = arith.cmpi slt, %add3A_79, %lt3A_80 : i32
      %convert_element_type3A_82 = arith.extui %lt3A_81 : i1 to i32
      %cond3A_83 = arith.constant 0 : i32
      %cond3A_84 = arith.cmpi ne, %convert_element_type3A_82, %cond3A_83 : i32
      scf.if %cond3A_84 {
        %ge3A = arith.constant 2 : i32
        %ge3A_90 = arith.cmpi sge, %add3A_79, %ge3A : i32
        %convert_element_type3A_91 = arith.extui %ge3A_90 : i1 to i32
        %cond3A_92 = arith.constant 0 : i32
        %cond3A_93 = arith.cmpi ne, %convert_element_type3A_91, %cond3A_92 : i32
        scf.if %cond3A_93 {
          %sub3A = arith.constant 2 : i32
          %sub3A_105 = arith.subi %add3A_79, %sub3A : i32
          %dma_wait3A_106 = arith.constant 0 : i32
          %dma_wait3A_107 = arith.constant 0 : i32
          %dma_wait3A_108 = arith.constant 0 : i32
          %dma_wait3A_109 = tpu.memref_slice %arg11[%dma_wait3A_106, %dma_wait3A_107, %dma_wait3A_108] : memref<2x80x128xf32, #tpu.memory_space<vmem>> -> memref<1x80x128xf32, #tpu.memory_space<vmem>>
          %dma_wait3A_110 = tpu.memref_squeeze %dma_wait3A_109 : memref<1x80x128xf32, #tpu.memory_space<vmem>> -> memref<80x128xf32, #tpu.memory_space<vmem>>
          %dma_wait3A_111 = arith.constant 0 : i32
          %dma_wait3A_112 = tpu.memref_slice %arg10[%sub3A_105, %dma_wait3A_111] : memref<125x80xi32, #tpu.memory_space<vmem>> -> memref<1x80xi32, #tpu.memory_space<vmem>>
          %dma_wait3A_113 = tpu.memref_squeeze %dma_wait3A_112 : memref<1x80xi32, #tpu.memory_space<vmem>> -> memref<80xi32, #tpu.memory_space<vmem>>
          %dma_wait3A_114 = arith.constant 0 : i32
          %dma_wait3A_115 = arith.constant 0 : i32
          %dma_wait3A_116 = tpu.memref_slice %arg8[%dma_wait3A_114, %dma_wait3A_115] : memref<10240x128xf32, #tpu.memory_space<vmem_shared>> -> memref<10240x128xf32, #tpu.memory_space<vmem_shared>>
          tpu.wait_indirect_dma semaphore(%arg14 : memref<!tpu.dma_semaphore, #tpu.memory_space<semaphore_mem>>) src(%dma_wait3A_110 : memref<80x128xf32, #tpu.memory_space<vmem>>) dst(%dma_wait3A_116 : memref<10240x128xf32, #tpu.memory_space<vmem_shared>>)
        } else {
        }
        %mul3A_94 = arith.constant 80 : i32
        %mul3A_95 = arith.muli %add3A_79, %mul3A_94 : i32
        %dma_start3A_96 = arith.constant 0 : i32
        %dma_start3A_97 = arith.constant 0 : i32
        %dma_start3A_98 = arith.constant 0 : i32
        %dma_start3A_99 = tpu.memref_slice %arg11[%dma_start3A_96, %dma_start3A_97, %dma_start3A_98] : memref<2x80x128xf32, #tpu.memory_space<vmem>> -> memref<1x80x128xf32, #tpu.memory_space<vmem>>
        %dma_start3A_100 = tpu.memref_squeeze %dma_start3A_99 : memref<1x80x128xf32, #tpu.memory_space<vmem>> -> memref<80x128xf32, #tpu.memory_space<vmem>>
        %dma_start3A_101 = tpu.memref_slice %arg9[%mul3A_95] : memref<10000xi32, #tpu.memory_space<vmem>> -> memref<80xi32, #tpu.memory_space<vmem>>
        %dma_start3A_102 = arith.constant 0 : i32
        %dma_start3A_103 = arith.constant 0 : i32
        %dma_start3A_104 = tpu.memref_slice %arg2[%dma_start3A_102, %dma_start3A_103] : memref<10000x128xf32, #tpu.memory_space<hbm>> -> memref<10000x128xf32, #tpu.memory_space<hbm>>
        tpu.enqueue_indirect_dma source(%dma_start3A_104 : memref<10000x128xf32, #tpu.memory_space<hbm>>) target(%dma_start3A_100 : memref<80x128xf32, #tpu.memory_space<vmem>>) offsets(%dma_start3A_101 : memref<80xi32, #tpu.memory_space<vmem>>) semaphore(%arg12 : memref<!tpu.dma_semaphore, #tpu.memory_space<semaphore_mem>>)
      } else {
      }
      %lt3A_85 = arith.constant 125 : i32
      %lt3A_86 = arith.cmpi slt, %add3A_77, %lt3A_85 : i32
      %convert_element_type3A_87 = arith.extui %lt3A_86 : i1 to i32
      %cond3A_88 = arith.constant 0 : i32
      %cond3A_89 = arith.cmpi ne, %convert_element_type3A_87, %cond3A_88 : i32
      scf.if %cond3A_89 {
        %mul3A_90 = arith.constant 80 : i32
        %mul3A_91 = arith.muli %add3A_77, %mul3A_90 : i32
        %dma_wait3A_92 = arith.constant 1 : i32
        %dma_wait3A_93 = arith.constant 0 : i32
        %dma_wait3A_94 = arith.constant 0 : i32
        %dma_wait3A_95 = tpu.memref_slice %arg11[%dma_wait3A_92, %dma_wait3A_93, %dma_wait3A_94] : memref<2x80x128xf32, #tpu.memory_space<vmem>> -> memref<1x80x128xf32, #tpu.memory_space<vmem>>
        %dma_wait3A_96 = tpu.memref_squeeze %dma_wait3A_95 : memref<1x80x128xf32, #tpu.memory_space<vmem>> -> memref<80x128xf32, #tpu.memory_space<vmem>>
        %dma_wait3A_97 = tpu.memref_slice %arg9[%mul3A_91] : memref<10000xi32, #tpu.memory_space<vmem>> -> memref<80xi32, #tpu.memory_space<vmem>>
        %dma_wait3A_98 = arith.constant 0 : i32
        %dma_wait3A_99 = arith.constant 0 : i32
        %dma_wait3A_100 = tpu.memref_slice %arg2[%dma_wait3A_98, %dma_wait3A_99] : memref<10000x128xf32, #tpu.memory_space<hbm>> -> memref<10000x128xf32, #tpu.memory_space<hbm>>
        tpu.wait_indirect_dma semaphore(%arg13 : memref<!tpu.dma_semaphore, #tpu.memory_space<semaphore_mem>>) src(%dma_wait3A_100 : memref<10000x128xf32, #tpu.memory_space<hbm>>) dst(%dma_wait3A_96 : memref<80x128xf32, #tpu.memory_space<vmem>>)
        %dma_start3A_101 = arith.constant 1 : i32
        %dma_start3A_102 = arith.constant 0 : i32
        %dma_start3A_103 = arith.constant 0 : i32
        %dma_start3A_104 = tpu.memref_slice %arg11[%dma_start3A_101, %dma_start3A_102, %dma_start3A_103] : memref<2x80x128xf32, #tpu.memory_space<vmem>> -> memref<1x80x128xf32, #tpu.memory_space<vmem>>
        %dma_start3A_105 = tpu.memref_squeeze %dma_start3A_104 : memref<1x80x128xf32, #tpu.memory_space<vmem>> -> memref<80x128xf32, #tpu.memory_space<vmem>>
        %dma_start3A_106 = arith.constant 0 : i32
        %dma_start3A_107 = tpu.memref_slice %arg10[%add3A_77, %dma_start3A_106] : memref<125x80xi32, #tpu.memory_space<vmem>> -> memref<1x80xi32, #tpu.memory_space<vmem>>
        %dma_start3A_108 = tpu.memref_squeeze %dma_start3A_107 : memref<1x80xi32, #tpu.memory_space<vmem>> -> memref<80xi32, #tpu.memory_space<vmem>>
        %dma_start3A_109 = arith.constant 0 : i32
        %dma_start3A_110 = arith.constant 0 : i32
        %dma_start3A_111 = tpu.memref_slice %arg8[%dma_start3A_109, %dma_start3A_110] : memref<10240x128xf32, #tpu.memory_space<vmem_shared>> -> memref<10240x128xf32, #tpu.memory_space<vmem_shared>>
        tpu.enqueue_indirect_dma source(%dma_start3A_105 : memref<80x128xf32, #tpu.memory_space<vmem>>) target(%dma_start3A_111 : memref<10240x128xf32, #tpu.memory_space<vmem_shared>>) offsets(%dma_start3A_108 : memref<80xi32, #tpu.memory_space<vmem>>) semaphore(%arg15 : memref<!tpu.dma_semaphore, #tpu.memory_space<semaphore_mem>>) {add = true}
      } else {
      }
    }
    %scan3A_23 = arith.constant 63 : i32
    %dma_wait3A = arith.constant 1 : i32
    %dma_wait3A_24 = arith.constant 123 : i32
    %dma_wait3A_25 = arith.constant 0 : i32
    %dma_wait3A_26 = arith.constant 0 : i32
    %dma_wait3A_27 = tpu.memref_slice %arg11[%dma_wait3A, %dma_wait3A_25, %dma_wait3A_26] : memref<2x80x128xf32, #tpu.memory_space<vmem>> -> memref<1x80x128xf32, #tpu.memory_space<vmem>>
    %dma_wait3A_28 = tpu.memref_squeeze %dma_wait3A_27 : memref<1x80x128xf32, #tpu.memory_space<vmem>> -> memref<80x128xf32, #tpu.memory_space<vmem>>
    %dma_wait3A_29 = arith.constant 0 : i32
    %dma_wait3A_30 = tpu.memref_slice %arg10[%dma_wait3A_24, %dma_wait3A_29] : memref<125x80xi32, #tpu.memory_space<vmem>> -> memref<1x80xi32, #tpu.memory_space<vmem>>
    %dma_wait3A_31 = tpu.memref_squeeze %dma_wait3A_30 : memref<1x80xi32, #tpu.memory_space<vmem>> -> memref<80xi32, #tpu.memory_space<vmem>>
    %dma_wait3A_32 = arith.constant 0 : i32
    %dma_wait3A_33 = arith.constant 0 : i32
    %dma_wait3A_34 = tpu.memref_slice %arg8[%dma_wait3A_32, %dma_wait3A_33] : memref<10240x128xf32, #tpu.memory_space<vmem_shared>> -> memref<10240x128xf32, #tpu.memory_space<vmem_shared>>
    tpu.wait_indirect_dma semaphore(%arg15 : memref<!tpu.dma_semaphore, #tpu.memory_space<semaphore_mem>>) src(%dma_wait3A_28 : memref<80x128xf32, #tpu.memory_space<vmem>>) dst(%dma_wait3A_34 : memref<10240x128xf32, #tpu.memory_space<vmem_shared>>)
    %dma_wait3A_35 = arith.constant 0 : i32
    %dma_wait3A_36 = arith.constant 124 : i32
    %dma_wait3A_37 = arith.constant 0 : i32
    %dma_wait3A_38 = arith.constant 0 : i32
    %dma_wait3A_39 = tpu.memref_slice %arg11[%dma_wait3A_35, %dma_wait3A_37, %dma_wait3A_38] : memref<2x80x128xf32, #tpu.memory_space<vmem>> -> memref<1x80x128xf32, #tpu.memory_space<vmem>>
    %dma_wait3A_40 = tpu.memref_squeeze %dma_wait3A_39 : memref<1x80x128xf32, #tpu.memory_space<vmem>> -> memref<80x128xf32, #tpu.memory_space<vmem>>
    %dma_wait3A_41 = arith.constant 0 : i32
    %dma_wait3A_42 = tpu.memref_slice %arg10[%dma_wait3A_36, %dma_wait3A_41] : memref<125x80xi32, #tpu.memory_space<vmem>> -> memref<1x80xi32, #tpu.memory_space<vmem>>
    %dma_wait3A_43 = tpu.memref_squeeze %dma_wait3A_42 : memref<1x80xi32, #tpu.memory_space<vmem>> -> memref<80xi32, #tpu.memory_space<vmem>>
    %dma_wait3A_44 = arith.constant 0 : i32
    %dma_wait3A_45 = arith.constant 0 : i32
    %dma_wait3A_46 = tpu.memref_slice %arg8[%dma_wait3A_44, %dma_wait3A_45] : memref<10240x128xf32, #tpu.memory_space<vmem_shared>> -> memref<10240x128xf32, #tpu.memory_space<vmem_shared>>
    tpu.wait_indirect_dma semaphore(%arg14 : memref<!tpu.dma_semaphore, #tpu.memory_space<semaphore_mem>>) src(%dma_wait3A_40 : memref<80x128xf32, #tpu.memory_space<vmem>>) dst(%dma_wait3A_46 : memref<10240x128xf32, #tpu.memory_space<vmem_shared>>)
    %barrier3A_47 = arith.constant 0 : index
    tpu.barrier barrier_id(%barrier3A_47)
    %eq3A_48 = arith.constant 0 : i32
    %eq3A_49 = arith.cmpi eq, %arg0, %eq3A_48 : i32
    %convert_element_type3A_50 = arith.extui %eq3A_49 : i1 to i32
    %cond3A_51 = arith.constant 0 : i32
    %cond3A_52 = arith.cmpi ne, %convert_element_type3A_50, %cond3A_51 : i32
    scf.if %cond3A_52 {
      %mul3A_58 = arith.constant 640 : i32
      %mul3A_59 = arith.muli %arg1, %mul3A_58 : i32
      %mul3A_60 = arith.constant 640 : i32
      %mul3A_61 = arith.muli %arg1, %mul3A_60 : i32
      "tpu.region"() ({
        %run_scoped3A = tpu.sem_alloc : memref<!tpu.dma_semaphore, #tpu.memory_space<semaphore_mem>>
        %dma_start3A_62 = arith.constant 0 : i32
        %dma_start3A_63 = tpu.memref_slice %arg6[%mul3A_61, %dma_start3A_62] : memref<10240x128xf32, #tpu.memory_space<hbm>> -> memref<640x128xf32, #tpu.memory_space<hbm>>
        %dma_start3A_64 = arith.constant 0 : i32
        %dma_start3A_65 = tpu.memref_slice %arg8[%mul3A_59, %dma_start3A_64] : memref<10240x128xf32, #tpu.memory_space<vmem_shared>> -> memref<640x128xf32, #tpu.memory_space<vmem_shared>>
        tpu.enqueue_dma source(%dma_start3A_65 : memref<640x128xf32, #tpu.memory_space<vmem_shared>>) target(%dma_start3A_63 : memref<640x128xf32, #tpu.memory_space<hbm>>) target_semaphore(%run_scoped3A : memref<!tpu.dma_semaphore, #tpu.memory_space<semaphore_mem>>)
        %dma_wait3A_66 = arith.constant 0 : i32
        %dma_wait3A_67 = tpu.memref_slice %arg6[%mul3A_61, %dma_wait3A_66] : memref<10240x128xf32, #tpu.memory_space<hbm>> -> memref<640x128xf32, #tpu.memory_space<hbm>>
        %dma_wait3A_68 = arith.constant 0 : i32
        %dma_wait3A_69 = tpu.memref_slice %arg8[%mul3A_59, %dma_wait3A_68] : memref<10240x128xf32, #tpu.memory_space<vmem_shared>> -> memref<640x128xf32, #tpu.memory_space<vmem_shared>>
        tpu.wait_dma2 semaphore(%run_scoped3A : memref<!tpu.dma_semaphore, #tpu.memory_space<semaphore_mem>>) src(%dma_wait3A_69 : memref<640x128xf32, #tpu.memory_space<vmem_shared>>) dst(%dma_wait3A_67 : memref<640x128xf32, #tpu.memory_space<hbm>>)
        tpu.yield
      }) : () -> ()
    } else {
    }
    %eq3A_53 = arith.constant 1 : i32
    %eq3A_54 = arith.cmpi eq, %arg0, %eq3A_53 : i32
    %convert_element_type3A_55 = arith.extui %eq3A_54 : i1 to i32
    %cond3A_56 = arith.constant 0 : i32
    %cond3A_57 = arith.cmpi ne, %convert_element_type3A_55, %cond3A_56 : i32
    scf.if %cond3A_57 {
      %mul3A_58 = arith.constant 640 : i32
      %mul3A_59 = arith.muli %arg1, %mul3A_58 : i32
      %mul3A_60 = arith.constant 640 : i32
      %mul3A_61 = arith.muli %arg1, %mul3A_60 : i32
      "tpu.region"() ({
        %run_scoped3A = tpu.sem_alloc : memref<!tpu.dma_semaphore, #tpu.memory_space<semaphore_mem>>
        %dma_start3A_62 = arith.constant 0 : i32
        %dma_start3A_63 = tpu.memref_slice %arg7[%mul3A_61, %dma_start3A_62] : memref<10240x128xf32, #tpu.memory_space<hbm>> -> memref<640x128xf32, #tpu.memory_space<hbm>>
        %dma_start3A_64 = arith.constant 0 : i32
        %dma_start3A_65 = tpu.memref_slice %arg8[%mul3A_59, %dma_start3A_64] : memref<10240x128xf32, #tpu.memory_space<vmem_shared>> -> memref<640x128xf32, #tpu.memory_space<vmem_shared>>
        tpu.enqueue_dma source(%dma_start3A_65 : memref<640x128xf32, #tpu.memory_space<vmem_shared>>) target(%dma_start3A_63 : memref<640x128xf32, #tpu.memory_space<hbm>>) target_semaphore(%run_scoped3A : memref<!tpu.dma_semaphore, #tpu.memory_space<semaphore_mem>>)
        %dma_wait3A_66 = arith.constant 0 : i32
        %dma_wait3A_67 = tpu.memref_slice %arg7[%mul3A_61, %dma_wait3A_66] : memref<10240x128xf32, #tpu.memory_space<hbm>> -> memref<640x128xf32, #tpu.memory_space<hbm>>
        %dma_wait3A_68 = arith.constant 0 : i32
        %dma_wait3A_69 = tpu.memref_slice %arg8[%mul3A_59, %dma_wait3A_68] : memref<10240x128xf32, #tpu.memory_space<vmem_shared>> -> memref<640x128xf32, #tpu.memory_space<vmem_shared>>
        tpu.wait_dma2 semaphore(%run_scoped3A : memref<!tpu.dma_semaphore, #tpu.memory_space<semaphore_mem>>) src(%dma_wait3A_69 : memref<640x128xf32, #tpu.memory_space<vmem_shared>>) dst(%dma_wait3A_67 : memref<640x128xf32, #tpu.memory_space<hbm>>)
        tpu.yield
      }) : () -> ()
    } else {
    }
    return
  }
}

#map = affine_map<(d0, d1) -> (0, 0, 0)>
#map1 = affine_map<(d0, d1) -> (0)>
module attributes {stable_mosaic.version = 14 : i64} {
  func.func @_deg_body(%arg0: i32, %arg1: i32, %arg2: memref<32x125x80xi32, #tpu.memory_space<hbm>>, %arg3: memref<640xf32, #tpu.memory_space<hbm>>, %arg4: memref<10240xf32, #tpu.memory_space<hbm>>, %arg5: memref<10240xf32, #tpu.memory_space<hbm>>, %arg6: memref<10240xf32, #tpu.memory_space<vmem_shared>>, %arg7: memref<125x80xi32, #tpu.memory_space<vmem>>, %arg8: memref<80xf32, #tpu.memory_space<vmem>>, %arg9: memref<!tpu.dma_semaphore, #tpu.memory_space<semaphore_mem>>) attributes {dimension_semantics = [#tpu.dimension_semantics<core_parallel>, #tpu.dimension_semantics<subcore_parallel>], iteration_bounds = array<i64: 2, 16>, scalar_prefetch = 0 : i64, scratch_operands = 4 : i64, tpu.core_type = #tpu.core_type<sc_vector_subcore>, window_params = [{transform_indices = #map}, {transform_indices = #map1}, {transform_indices = #map1}, {transform_indices = #map1}]} {
    %mul3A = arith.constant 16 : i32
    %mul3A_0 = arith.muli %arg0, %mul3A : i32
    %add3A = arith.addi %mul3A_0, %arg1 : i32
    %mul3A_1 = arith.constant 640 : i32
    %mul3A_2 = arith.muli %arg1, %mul3A_1 : i32
    "tpu.region"() ({
      %run_scoped3A = tpu.sem_alloc : memref<!tpu.dma_semaphore, #tpu.memory_space<semaphore_mem>>
      %dma_start3A = tpu.memref_slice %arg6[%mul3A_2] : memref<10240xf32, #tpu.memory_space<vmem_shared>> -> memref<640xf32, #tpu.memory_space<vmem_shared>>
      tpu.enqueue_dma source(%arg3 : memref<640xf32, #tpu.memory_space<hbm>>) target(%dma_start3A : memref<640xf32, #tpu.memory_space<vmem_shared>>) target_semaphore(%run_scoped3A : memref<!tpu.dma_semaphore, #tpu.memory_space<semaphore_mem>>)
      %dma_wait3A = tpu.memref_slice %arg6[%mul3A_2] : memref<10240xf32, #tpu.memory_space<vmem_shared>> -> memref<640xf32, #tpu.memory_space<vmem_shared>>
      tpu.wait_dma2 semaphore(%run_scoped3A : memref<!tpu.dma_semaphore, #tpu.memory_space<semaphore_mem>>) src(%arg3 : memref<640xf32, #tpu.memory_space<hbm>>) dst(%dma_wait3A : memref<640xf32, #tpu.memory_space<vmem_shared>>)
      tpu.yield
    }) : () -> ()
    "tpu.region"() ({
      %run_scoped3A = tpu.sem_alloc : memref<!tpu.dma_semaphore, #tpu.memory_space<semaphore_mem>>
      %dma_start3A = arith.constant 0 : i32
      %dma_start3A_44 = arith.constant 0 : i32
      %dma_start3A_45 = tpu.memref_slice %arg2[%add3A, %dma_start3A, %dma_start3A_44] : memref<32x125x80xi32, #tpu.memory_space<hbm>> -> memref<1x125x80xi32, #tpu.memory_space<hbm>>
      %dma_start3A_46 = tpu.memref_squeeze %dma_start3A_45 : memref<1x125x80xi32, #tpu.memory_space<hbm>> -> memref<125x80xi32, #tpu.memory_space<hbm>>
      %dma_start3A_47 = arith.constant 0 : i32
      %dma_start3A_48 = arith.constant 0 : i32
      %dma_start3A_49 = tpu.memref_slice %arg2[%add3A, %dma_start3A_47, %dma_start3A_48] : memref<32x125x80xi32, #tpu.memory_space<hbm>> -> memref<1x125x80xi32, #tpu.memory_space<hbm>>
      %dma_start3A_50 = tpu.memref_squeeze %dma_start3A_49 : memref<1x125x80xi32, #tpu.memory_space<hbm>> -> memref<125x80xi32, #tpu.memory_space<hbm>>
      tpu.enqueue_dma source(%dma_start3A_50 : memref<125x80xi32, #tpu.memory_space<hbm>>) target(%arg7 : memref<125x80xi32, #tpu.memory_space<vmem>>) target_semaphore(%run_scoped3A : memref<!tpu.dma_semaphore, #tpu.memory_space<semaphore_mem>>)
      %dma_wait3A = arith.constant 0 : i32
      %dma_wait3A_51 = arith.constant 0 : i32
      %dma_wait3A_52 = tpu.memref_slice %arg2[%add3A, %dma_wait3A, %dma_wait3A_51] : memref<32x125x80xi32, #tpu.memory_space<hbm>> -> memref<1x125x80xi32, #tpu.memory_space<hbm>>
      %dma_wait3A_53 = tpu.memref_squeeze %dma_wait3A_52 : memref<1x125x80xi32, #tpu.memory_space<hbm>> -> memref<125x80xi32, #tpu.memory_space<hbm>>
      %dma_wait3A_54 = arith.constant 0 : i32
      %dma_wait3A_55 = arith.constant 0 : i32
      %dma_wait3A_56 = tpu.memref_slice %arg2[%add3A, %dma_wait3A_54, %dma_wait3A_55] : memref<32x125x80xi32, #tpu.memory_space<hbm>> -> memref<1x125x80xi32, #tpu.memory_space<hbm>>
      %dma_wait3A_57 = tpu.memref_squeeze %dma_wait3A_56 : memref<1x125x80xi32, #tpu.memory_space<hbm>> -> memref<125x80xi32, #tpu.memory_space<hbm>>
      tpu.wait_dma2 semaphore(%run_scoped3A : memref<!tpu.dma_semaphore, #tpu.memory_space<semaphore_mem>>) src(%dma_wait3A_57 : memref<125x80xi32, #tpu.memory_space<hbm>>) dst(%arg7 : memref<125x80xi32, #tpu.memory_space<vmem>>)
      tpu.yield
    }) : () -> ()
    %broadcast_in_dim3A = arith.constant 1.000000e+00 : f32
    %broadcast_in_dim3A_3 = vector.broadcast %broadcast_in_dim3A : f32 to vector<16xf32>
    %swap3A = arith.constant 0 : index
    %swap3A_4 = tpu.vector_load %arg8[%swap3A] {strides = array<i32>} : memref<80xf32, #tpu.memory_space<vmem>>, vector<16xf32>,
    %swap3A_5 = vector.shape_cast %swap3A_4 : vector<16xf32> to vector<16xf32>
    %swap3A_6 = vector.shape_cast %broadcast_in_dim3A_3 : vector<16xf32> to vector<16xf32>
    tpu.vector_store %arg8[%swap3A], %swap3A_6 {strides = array<i32>} : memref<80xf32, #tpu.memory_space<vmem>>, vector<16xf32>,
    %broadcast_in_dim3A_7 = arith.constant 1.000000e+00 : f32
    %broadcast_in_dim3A_8 = vector.broadcast %broadcast_in_dim3A_7 : f32 to vector<16xf32>
    %swap3A_9 = arith.constant 16 : index
    %swap3A_10 = tpu.vector_load %arg8[%swap3A_9] {strides = array<i32>} : memref<80xf32, #tpu.memory_space<vmem>>, vector<16xf32>,
    %swap3A_11 = vector.shape_cast %swap3A_10 : vector<16xf32> to vector<16xf32>
    %swap3A_12 = vector.shape_cast %broadcast_in_dim3A_8 : vector<16xf32> to vector<16xf32>
    tpu.vector_store %arg8[%swap3A_9], %swap3A_12 {strides = array<i32>} : memref<80xf32, #tpu.memory_space<vmem>>, vector<16xf32>,
    %broadcast_in_dim3A_13 = arith.constant 1.000000e+00 : f32
    %broadcast_in_dim3A_14 = vector.broadcast %broadcast_in_dim3A_13 : f32 to vector<16xf32>
    %swap3A_15 = arith.constant 32 : index
    %swap3A_16 = tpu.vector_load %arg8[%swap3A_15] {strides = array<i32>} : memref<80xf32, #tpu.memory_space<vmem>>, vector<16xf32>,
    %swap3A_17 = vector.shape_cast %swap3A_16 : vector<16xf32> to vector<16xf32>
    %swap3A_18 = vector.shape_cast %broadcast_in_dim3A_14 : vector<16xf32> to vector<16xf32>
    tpu.vector_store %arg8[%swap3A_15], %swap3A_18 {strides = array<i32>} : memref<80xf32, #tpu.memory_space<vmem>>, vector<16xf32>,
    %broadcast_in_dim3A_19 = arith.constant 1.000000e+00 : f32
    %broadcast_in_dim3A_20 = vector.broadcast %broadcast_in_dim3A_19 : f32 to vector<16xf32>
    %swap3A_21 = arith.constant 48 : index
    %swap3A_22 = tpu.vector_load %arg8[%swap3A_21] {strides = array<i32>} : memref<80xf32, #tpu.memory_space<vmem>>, vector<16xf32>,
    %swap3A_23 = vector.shape_cast %swap3A_22 : vector<16xf32> to vector<16xf32>
    %swap3A_24 = vector.shape_cast %broadcast_in_dim3A_20 : vector<16xf32> to vector<16xf32>
    tpu.vector_store %arg8[%swap3A_21], %swap3A_24 {strides = array<i32>} : memref<80xf32, #tpu.memory_space<vmem>>, vector<16xf32>,
    %broadcast_in_dim3A_25 = arith.constant 1.000000e+00 : f32
    %broadcast_in_dim3A_26 = vector.broadcast %broadcast_in_dim3A_25 : f32 to vector<16xf32>
    %swap3A_27 = arith.constant 64 : index
    %swap3A_28 = tpu.vector_load %arg8[%swap3A_27] {strides = array<i32>} : memref<80xf32, #tpu.memory_space<vmem>>, vector<16xf32>,
    %swap3A_29 = vector.shape_cast %swap3A_28 : vector<16xf32> to vector<16xf32>
    %swap3A_30 = vector.shape_cast %broadcast_in_dim3A_26 : vector<16xf32> to vector<16xf32>
    tpu.vector_store %arg8[%swap3A_27], %swap3A_30 {strides = array<i32>} : memref<80xf32, #tpu.memory_space<vmem>>, vector<16xf32>,
    %barrier3A = arith.constant 0 : index
    tpu.barrier barrier_id(%barrier3A)
    %scan3A = arith.constant 0 : i32
    %scan3A_31 = arith.constant 0 : i32
    %scan3A_32 = arith.constant 16 : i32
    %scan3A_33 = arith.addi %scan3A_31, %scan3A_32 : i32
    %scan3A_34 = arith.constant 1 : i32
    scf.for %scan3A_44 = %scan3A_31 to %scan3A_33 step %scan3A_34  : i32 {
      %mul3A_45 = arith.constant 8 : i32
      %mul3A_46 = arith.muli %scan3A_44, %mul3A_45 : i32
      %add3A_47 = arith.constant 0 : i32
      %add3A_48 = arith.addi %mul3A_46, %add3A_47 : i32
      %lt3A = arith.constant 125 : i32
      %lt3A_49 = arith.cmpi slt, %add3A_48, %lt3A : i32
      %convert_element_type3A_50 = arith.extui %lt3A_49 : i1 to i32
      %cond3A_51 = arith.constant 0 : i32
      %cond3A_52 = arith.cmpi ne, %convert_element_type3A_50, %cond3A_51 : i32
      scf.if %cond3A_52 {
        %dma_start3A = arith.constant 0 : i32
        %dma_start3A_188 = tpu.memref_slice %arg7[%add3A_48, %dma_start3A] : memref<125x80xi32, #tpu.memory_space<vmem>> -> memref<1x80xi32, #tpu.memory_space<vmem>>
        %dma_start3A_189 = tpu.memref_squeeze %dma_start3A_188 : memref<1x80xi32, #tpu.memory_space<vmem>> -> memref<80xi32, #tpu.memory_space<vmem>>
        %dma_start3A_190 = arith.constant 0 : i32
        %dma_start3A_191 = tpu.memref_slice %arg6[%dma_start3A_190] : memref<10240xf32, #tpu.memory_space<vmem_shared>> -> memref<10240xf32, #tpu.memory_space<vmem_shared>>
        tpu.enqueue_indirect_dma source(%arg8 : memref<80xf32, #tpu.memory_space<vmem>>) target(%dma_start3A_191 : memref<10240xf32, #tpu.memory_space<vmem_shared>>) offsets(%dma_start3A_189 : memref<80xi32, #tpu.memory_space<vmem>>) semaphore(%arg9 : memref<!tpu.dma_semaphore, #tpu.memory_space<semaphore_mem>>) {add = true}
      } else {
      }
      %mul3A_53 = arith.constant 8 : i32
      %mul3A_54 = arith.muli %scan3A_44, %mul3A_53 : i32
      %add3A_55 = arith.constant 1 : i32
      %add3A_56 = arith.addi %mul3A_54, %add3A_55 : i32
      %lt3A_57 = arith.constant 125 : i32
      %lt3A_58 = arith.cmpi slt, %add3A_56, %lt3A_57 : i32
      %convert_element_type3A_59 = arith.extui %lt3A_58 : i1 to i32
      %cond3A_60 = arith.constant 0 : i32
      %cond3A_61 = arith.cmpi ne, %convert_element_type3A_59, %cond3A_60 : i32
      scf.if %cond3A_61 {
        %dma_start3A = arith.constant 0 : i32
        %dma_start3A_188 = tpu.memref_slice %arg7[%add3A_56, %dma_start3A] : memref<125x80xi32, #tpu.memory_space<vmem>> -> memref<1x80xi32, #tpu.memory_space<vmem>>
        %dma_start3A_189 = tpu.memref_squeeze %dma_start3A_188 : memref<1x80xi32, #tpu.memory_space<vmem>> -> memref<80xi32, #tpu.memory_space<vmem>>
        %dma_start3A_190 = arith.constant 0 : i32
        %dma_start3A_191 = tpu.memref_slice %arg6[%dma_start3A_190] : memref<10240xf32, #tpu.memory_space<vmem_shared>> -> memref<10240xf32, #tpu.memory_space<vmem_shared>>
        tpu.enqueue_indirect_dma source(%arg8 : memref<80xf32, #tpu.memory_space<vmem>>) target(%dma_start3A_191 : memref<10240xf32, #tpu.memory_space<vmem_shared>>) offsets(%dma_start3A_189 : memref<80xi32, #tpu.memory_space<vmem>>) semaphore(%arg9 : memref<!tpu.dma_semaphore, #tpu.memory_space<semaphore_mem>>) {add = true}
      } else {
      }
      %mul3A_62 = arith.constant 8 : i32
      %mul3A_63 = arith.muli %scan3A_44, %mul3A_62 : i32
      %add3A_64 = arith.constant 2 : i32
      %add3A_65 = arith.addi %mul3A_63, %add3A_64 : i32
      %lt3A_66 = arith.constant 125 : i32
      %lt3A_67 = arith.cmpi slt, %add3A_65, %lt3A_66 : i32
      %convert_element_type3A_68 = arith.extui %lt3A_67 : i1 to i32
      %cond3A_69 = arith.constant 0 : i32
      %cond3A_70 = arith.cmpi ne, %convert_element_type3A_68, %cond3A_69 : i32
      scf.if %cond3A_70 {
        %dma_start3A = arith.constant 0 : i32
        %dma_start3A_188 = tpu.memref_slice %arg7[%add3A_65, %dma_start3A] : memref<125x80xi32, #tpu.memory_space<vmem>> -> memref<1x80xi32, #tpu.memory_space<vmem>>
        %dma_start3A_189 = tpu.memref_squeeze %dma_start3A_188 : memref<1x80xi32, #tpu.memory_space<vmem>> -> memref<80xi32, #tpu.memory_space<vmem>>
        %dma_start3A_190 = arith.constant 0 : i32
        %dma_start3A_191 = tpu.memref_slice %arg6[%dma_start3A_190] : memref<10240xf32, #tpu.memory_space<vmem_shared>> -> memref<10240xf32, #tpu.memory_space<vmem_shared>>
        tpu.enqueue_indirect_dma source(%arg8 : memref<80xf32, #tpu.memory_space<vmem>>) target(%dma_start3A_191 : memref<10240xf32, #tpu.memory_space<vmem_shared>>) offsets(%dma_start3A_189 : memref<80xi32, #tpu.memory_space<vmem>>) semaphore(%arg9 : memref<!tpu.dma_semaphore, #tpu.memory_space<semaphore_mem>>) {add = true}
      } else {
      }
      %mul3A_71 = arith.constant 8 : i32
      %mul3A_72 = arith.muli %scan3A_44, %mul3A_71 : i32
      %add3A_73 = arith.constant 3 : i32
      %add3A_74 = arith.addi %mul3A_72, %add3A_73 : i32
      %lt3A_75 = arith.constant 125 : i32
      %lt3A_76 = arith.cmpi slt, %add3A_74, %lt3A_75 : i32
      %convert_element_type3A_77 = arith.extui %lt3A_76 : i1 to i32
      %cond3A_78 = arith.constant 0 : i32
      %cond3A_79 = arith.cmpi ne, %convert_element_type3A_77, %cond3A_78 : i32
      scf.if %cond3A_79 {
        %dma_start3A = arith.constant 0 : i32
        %dma_start3A_188 = tpu.memref_slice %arg7[%add3A_74, %dma_start3A] : memref<125x80xi32, #tpu.memory_space<vmem>> -> memref<1x80xi32, #tpu.memory_space<vmem>>
        %dma_start3A_189 = tpu.memref_squeeze %dma_start3A_188 : memref<1x80xi32, #tpu.memory_space<vmem>> -> memref<80xi32, #tpu.memory_space<vmem>>
        %dma_start3A_190 = arith.constant 0 : i32
        %dma_start3A_191 = tpu.memref_slice %arg6[%dma_start3A_190] : memref<10240xf32, #tpu.memory_space<vmem_shared>> -> memref<10240xf32, #tpu.memory_space<vmem_shared>>
        tpu.enqueue_indirect_dma source(%arg8 : memref<80xf32, #tpu.memory_space<vmem>>) target(%dma_start3A_191 : memref<10240xf32, #tpu.memory_space<vmem_shared>>) offsets(%dma_start3A_189 : memref<80xi32, #tpu.memory_space<vmem>>) semaphore(%arg9 : memref<!tpu.dma_semaphore, #tpu.memory_space<semaphore_mem>>) {add = true}
      } else {
      }
      %mul3A_80 = arith.constant 8 : i32
      %mul3A_81 = arith.muli %scan3A_44, %mul3A_80 : i32
      %add3A_82 = arith.constant 4 : i32
      %add3A_83 = arith.addi %mul3A_81, %add3A_82 : i32
      %lt3A_84 = arith.constant 125 : i32
      %lt3A_85 = arith.cmpi slt, %add3A_83, %lt3A_84 : i32
      %convert_element_type3A_86 = arith.extui %lt3A_85 : i1 to i32
      %cond3A_87 = arith.constant 0 : i32
      %cond3A_88 = arith.cmpi ne, %convert_element_type3A_86, %cond3A_87 : i32
      scf.if %cond3A_88 {
        %dma_start3A = arith.constant 0 : i32
        %dma_start3A_188 = tpu.memref_slice %arg7[%add3A_83, %dma_start3A] : memref<125x80xi32, #tpu.memory_space<vmem>> -> memref<1x80xi32, #tpu.memory_space<vmem>>
        %dma_start3A_189 = tpu.memref_squeeze %dma_start3A_188 : memref<1x80xi32, #tpu.memory_space<vmem>> -> memref<80xi32, #tpu.memory_space<vmem>>
        %dma_start3A_190 = arith.constant 0 : i32
        %dma_start3A_191 = tpu.memref_slice %arg6[%dma_start3A_190] : memref<10240xf32, #tpu.memory_space<vmem_shared>> -> memref<10240xf32, #tpu.memory_space<vmem_shared>>
        tpu.enqueue_indirect_dma source(%arg8 : memref<80xf32, #tpu.memory_space<vmem>>) target(%dma_start3A_191 : memref<10240xf32, #tpu.memory_space<vmem_shared>>) offsets(%dma_start3A_189 : memref<80xi32, #tpu.memory_space<vmem>>) semaphore(%arg9 : memref<!tpu.dma_semaphore, #tpu.memory_space<semaphore_mem>>) {add = true}
      } else {
      }
      %mul3A_89 = arith.constant 8 : i32
      %mul3A_90 = arith.muli %scan3A_44, %mul3A_89 : i32
      %add3A_91 = arith.constant 5 : i32
      %add3A_92 = arith.addi %mul3A_90, %add3A_91 : i32
      %lt3A_93 = arith.constant 125 : i32
      %lt3A_94 = arith.cmpi slt, %add3A_92, %lt3A_93 : i32
      %convert_element_type3A_95 = arith.extui %lt3A_94 : i1 to i32
      %cond3A_96 = arith.constant 0 : i32
      %cond3A_97 = arith.cmpi ne, %convert_element_type3A_95, %cond3A_96 : i32
      scf.if %cond3A_97 {
        %dma_start3A = arith.constant 0 : i32
        %dma_start3A_188 = tpu.memref_slice %arg7[%add3A_92, %dma_start3A] : memref<125x80xi32, #tpu.memory_space<vmem>> -> memref<1x80xi32, #tpu.memory_space<vmem>>
        %dma_start3A_189 = tpu.memref_squeeze %dma_start3A_188 : memref<1x80xi32, #tpu.memory_space<vmem>> -> memref<80xi32, #tpu.memory_space<vmem>>
        %dma_start3A_190 = arith.constant 0 : i32
        %dma_start3A_191 = tpu.memref_slice %arg6[%dma_start3A_190] : memref<10240xf32, #tpu.memory_space<vmem_shared>> -> memref<10240xf32, #tpu.memory_space<vmem_shared>>
        tpu.enqueue_indirect_dma source(%arg8 : memref<80xf32, #tpu.memory_space<vmem>>) target(%dma_start3A_191 : memref<10240xf32, #tpu.memory_space<vmem_shared>>) offsets(%dma_start3A_189 : memref<80xi32, #tpu.memory_space<vmem>>) semaphore(%arg9 : memref<!tpu.dma_semaphore, #tpu.memory_space<semaphore_mem>>) {add = true}
      } else {
      }
      %mul3A_98 = arith.constant 8 : i32
      %mul3A_99 = arith.muli %scan3A_44, %mul3A_98 : i32
      %add3A_100 = arith.constant 6 : i32
      %add3A_101 = arith.addi %mul3A_99, %add3A_100 : i32
      %lt3A_102 = arith.constant 125 : i32
      %lt3A_103 = arith.cmpi slt, %add3A_101, %lt3A_102 : i32
      %convert_element_type3A_104 = arith.extui %lt3A_103 : i1 to i32
      %cond3A_105 = arith.constant 0 : i32
      %cond3A_106 = arith.cmpi ne, %convert_element_type3A_104, %cond3A_105 : i32
      scf.if %cond3A_106 {
        %dma_start3A = arith.constant 0 : i32
        %dma_start3A_188 = tpu.memref_slice %arg7[%add3A_101, %dma_start3A] : memref<125x80xi32, #tpu.memory_space<vmem>> -> memref<1x80xi32, #tpu.memory_space<vmem>>
        %dma_start3A_189 = tpu.memref_squeeze %dma_start3A_188 : memref<1x80xi32, #tpu.memory_space<vmem>> -> memref<80xi32, #tpu.memory_space<vmem>>
        %dma_start3A_190 = arith.constant 0 : i32
        %dma_start3A_191 = tpu.memref_slice %arg6[%dma_start3A_190] : memref<10240xf32, #tpu.memory_space<vmem_shared>> -> memref<10240xf32, #tpu.memory_space<vmem_shared>>
        tpu.enqueue_indirect_dma source(%arg8 : memref<80xf32, #tpu.memory_space<vmem>>) target(%dma_start3A_191 : memref<10240xf32, #tpu.memory_space<vmem_shared>>) offsets(%dma_start3A_189 : memref<80xi32, #tpu.memory_space<vmem>>) semaphore(%arg9 : memref<!tpu.dma_semaphore, #tpu.memory_space<semaphore_mem>>) {add = true}
      } else {
      }
      %mul3A_107 = arith.constant 8 : i32
      %mul3A_108 = arith.muli %scan3A_44, %mul3A_107 : i32
      %add3A_109 = arith.constant 7 : i32
      %add3A_110 = arith.addi %mul3A_108, %add3A_109 : i32
      %lt3A_111 = arith.constant 125 : i32
      %lt3A_112 = arith.cmpi slt, %add3A_110, %lt3A_111 : i32
      %convert_element_type3A_113 = arith.extui %lt3A_112 : i1 to i32
      %cond3A_114 = arith.constant 0 : i32
      %cond3A_115 = arith.cmpi ne, %convert_element_type3A_113, %cond3A_114 : i32
      scf.if %cond3A_115 {
        %dma_start3A = arith.constant 0 : i32
        %dma_start3A_188 = tpu.memref_slice %arg7[%add3A_110, %dma_start3A] : memref<125x80xi32, #tpu.memory_space<vmem>> -> memref<1x80xi32, #tpu.memory_space<vmem>>
        %dma_start3A_189 = tpu.memref_squeeze %dma_start3A_188 : memref<1x80xi32, #tpu.memory_space<vmem>> -> memref<80xi32, #tpu.memory_space<vmem>>
        %dma_start3A_190 = arith.constant 0 : i32
        %dma_start3A_191 = tpu.memref_slice %arg6[%dma_start3A_190] : memref<10240xf32, #tpu.memory_space<vmem_shared>> -> memref<10240xf32, #tpu.memory_space<vmem_shared>>
        tpu.enqueue_indirect_dma source(%arg8 : memref<80xf32, #tpu.memory_space<vmem>>) target(%dma_start3A_191 : memref<10240xf32, #tpu.memory_space<vmem_shared>>) offsets(%dma_start3A_189 : memref<80xi32, #tpu.memory_space<vmem>>) semaphore(%arg9 : memref<!tpu.dma_semaphore, #tpu.memory_space<semaphore_mem>>) {add = true}
      } else {
      }
      %mul3A_116 = arith.constant 8 : i32
      %mul3A_117 = arith.muli %scan3A_44, %mul3A_116 : i32
      %add3A_118 = arith.constant 0 : i32
      %add3A_119 = arith.addi %mul3A_117, %add3A_118 : i32
      %lt3A_120 = arith.constant 125 : i32
      %lt3A_121 = arith.cmpi slt, %add3A_119, %lt3A_120 : i32
      %convert_element_type3A_122 = arith.extui %lt3A_121 : i1 to i32
      %cond3A_123 = arith.constant 0 : i32
      %cond3A_124 = arith.cmpi ne, %convert_element_type3A_122, %cond3A_123 : i32
      scf.if %cond3A_124 {
        %dma_wait3A = arith.constant 0 : i32
        %dma_wait3A_188 = tpu.memref_slice %arg7[%add3A_119, %dma_wait3A] : memref<125x80xi32, #tpu.memory_space<vmem>> -> memref<1x80xi32, #tpu.memory_space<vmem>>
        %dma_wait3A_189 = tpu.memref_squeeze %dma_wait3A_188 : memref<1x80xi32, #tpu.memory_space<vmem>> -> memref<80xi32, #tpu.memory_space<vmem>>
        %dma_wait3A_190 = arith.constant 0 : i32
        %dma_wait3A_191 = tpu.memref_slice %arg6[%dma_wait3A_190] : memref<10240xf32, #tpu.memory_space<vmem_shared>> -> memref<10240xf32, #tpu.memory_space<vmem_shared>>
        tpu.wait_indirect_dma semaphore(%arg9 : memref<!tpu.dma_semaphore, #tpu.memory_space<semaphore_mem>>) src(%arg8 : memref<80xf32, #tpu.memory_space<vmem>>) dst(%dma_wait3A_191 : memref<10240xf32, #tpu.memory_space<vmem_shared>>)
      } else {
      }
      %mul3A_125 = arith.constant 8 : i32
      %mul3A_126 = arith.muli %scan3A_44, %mul3A_125 : i32
      %add3A_127 = arith.constant 1 : i32
      %add3A_128 = arith.addi %mul3A_126, %add3A_127 : i32
      %lt3A_129 = arith.constant 125 : i32
      %lt3A_130 = arith.cmpi slt, %add3A_128, %lt3A_129 : i32
      %convert_element_type3A_131 = arith.extui %lt3A_130 : i1 to i32
      %cond3A_132 = arith.constant 0 : i32
      %cond3A_133 = arith.cmpi ne, %convert_element_type3A_131, %cond3A_132 : i32
      scf.if %cond3A_133 {
        %dma_wait3A = arith.constant 0 : i32
        %dma_wait3A_188 = tpu.memref_slice %arg7[%add3A_128, %dma_wait3A] : memref<125x80xi32, #tpu.memory_space<vmem>> -> memref<1x80xi32, #tpu.memory_space<vmem>>
        %dma_wait3A_189 = tpu.memref_squeeze %dma_wait3A_188 : memref<1x80xi32, #tpu.memory_space<vmem>> -> memref<80xi32, #tpu.memory_space<vmem>>
        %dma_wait3A_190 = arith.constant 0 : i32
        %dma_wait3A_191 = tpu.memref_slice %arg6[%dma_wait3A_190] : memref<10240xf32, #tpu.memory_space<vmem_shared>> -> memref<10240xf32, #tpu.memory_space<vmem_shared>>
        tpu.wait_indirect_dma semaphore(%arg9 : memref<!tpu.dma_semaphore, #tpu.memory_space<semaphore_mem>>) src(%arg8 : memref<80xf32, #tpu.memory_space<vmem>>) dst(%dma_wait3A_191 : memref<10240xf32, #tpu.memory_space<vmem_shared>>)
      } else {
      }
      %mul3A_134 = arith.constant 8 : i32
      %mul3A_135 = arith.muli %scan3A_44, %mul3A_134 : i32
      %add3A_136 = arith.constant 2 : i32
      %add3A_137 = arith.addi %mul3A_135, %add3A_136 : i32
      %lt3A_138 = arith.constant 125 : i32
      %lt3A_139 = arith.cmpi slt, %add3A_137, %lt3A_138 : i32
      %convert_element_type3A_140 = arith.extui %lt3A_139 : i1 to i32
      %cond3A_141 = arith.constant 0 : i32
      %cond3A_142 = arith.cmpi ne, %convert_element_type3A_140, %cond3A_141 : i32
      scf.if %cond3A_142 {
        %dma_wait3A = arith.constant 0 : i32
        %dma_wait3A_188 = tpu.memref_slice %arg7[%add3A_137, %dma_wait3A] : memref<125x80xi32, #tpu.memory_space<vmem>> -> memref<1x80xi32, #tpu.memory_space<vmem>>
        %dma_wait3A_189 = tpu.memref_squeeze %dma_wait3A_188 : memref<1x80xi32, #tpu.memory_space<vmem>> -> memref<80xi32, #tpu.memory_space<vmem>>
        %dma_wait3A_190 = arith.constant 0 : i32
        %dma_wait3A_191 = tpu.memref_slice %arg6[%dma_wait3A_190] : memref<10240xf32, #tpu.memory_space<vmem_shared>> -> memref<10240xf32, #tpu.memory_space<vmem_shared>>
        tpu.wait_indirect_dma semaphore(%arg9 : memref<!tpu.dma_semaphore, #tpu.memory_space<semaphore_mem>>) src(%arg8 : memref<80xf32, #tpu.memory_space<vmem>>) dst(%dma_wait3A_191 : memref<10240xf32, #tpu.memory_space<vmem_shared>>)
      } else {
      }
      %mul3A_143 = arith.constant 8 : i32
      %mul3A_144 = arith.muli %scan3A_44, %mul3A_143 : i32
      %add3A_145 = arith.constant 3 : i32
      %add3A_146 = arith.addi %mul3A_144, %add3A_145 : i32
      %lt3A_147 = arith.constant 125 : i32
      %lt3A_148 = arith.cmpi slt, %add3A_146, %lt3A_147 : i32
      %convert_element_type3A_149 = arith.extui %lt3A_148 : i1 to i32
      %cond3A_150 = arith.constant 0 : i32
      %cond3A_151 = arith.cmpi ne, %convert_element_type3A_149, %cond3A_150 : i32
      scf.if %cond3A_151 {
        %dma_wait3A = arith.constant 0 : i32
        %dma_wait3A_188 = tpu.memref_slice %arg7[%add3A_146, %dma_wait3A] : memref<125x80xi32, #tpu.memory_space<vmem>> -> memref<1x80xi32, #tpu.memory_space<vmem>>
        %dma_wait3A_189 = tpu.memref_squeeze %dma_wait3A_188 : memref<1x80xi32, #tpu.memory_space<vmem>> -> memref<80xi32, #tpu.memory_space<vmem>>
        %dma_wait3A_190 = arith.constant 0 : i32
        %dma_wait3A_191 = tpu.memref_slice %arg6[%dma_wait3A_190] : memref<10240xf32, #tpu.memory_space<vmem_shared>> -> memref<10240xf32, #tpu.memory_space<vmem_shared>>
        tpu.wait_indirect_dma semaphore(%arg9 : memref<!tpu.dma_semaphore, #tpu.memory_space<semaphore_mem>>) src(%arg8 : memref<80xf32, #tpu.memory_space<vmem>>) dst(%dma_wait3A_191 : memref<10240xf32, #tpu.memory_space<vmem_shared>>)
      } else {
      }
      %mul3A_152 = arith.constant 8 : i32
      %mul3A_153 = arith.muli %scan3A_44, %mul3A_152 : i32
      %add3A_154 = arith.constant 4 : i32
      %add3A_155 = arith.addi %mul3A_153, %add3A_154 : i32
      %lt3A_156 = arith.constant 125 : i32
      %lt3A_157 = arith.cmpi slt, %add3A_155, %lt3A_156 : i32
      %convert_element_type3A_158 = arith.extui %lt3A_157 : i1 to i32
      %cond3A_159 = arith.constant 0 : i32
      %cond3A_160 = arith.cmpi ne, %convert_element_type3A_158, %cond3A_159 : i32
      scf.if %cond3A_160 {
        %dma_wait3A = arith.constant 0 : i32
        %dma_wait3A_188 = tpu.memref_slice %arg7[%add3A_155, %dma_wait3A] : memref<125x80xi32, #tpu.memory_space<vmem>> -> memref<1x80xi32, #tpu.memory_space<vmem>>
        %dma_wait3A_189 = tpu.memref_squeeze %dma_wait3A_188 : memref<1x80xi32, #tpu.memory_space<vmem>> -> memref<80xi32, #tpu.memory_space<vmem>>
        %dma_wait3A_190 = arith.constant 0 : i32
        %dma_wait3A_191 = tpu.memref_slice %arg6[%dma_wait3A_190] : memref<10240xf32, #tpu.memory_space<vmem_shared>> -> memref<10240xf32, #tpu.memory_space<vmem_shared>>
        tpu.wait_indirect_dma semaphore(%arg9 : memref<!tpu.dma_semaphore, #tpu.memory_space<semaphore_mem>>) src(%arg8 : memref<80xf32, #tpu.memory_space<vmem>>) dst(%dma_wait3A_191 : memref<10240xf32, #tpu.memory_space<vmem_shared>>)
      } else {
      }
      %mul3A_161 = arith.constant 8 : i32
      %mul3A_162 = arith.muli %scan3A_44, %mul3A_161 : i32
      %add3A_163 = arith.constant 5 : i32
      %add3A_164 = arith.addi %mul3A_162, %add3A_163 : i32
      %lt3A_165 = arith.constant 125 : i32
      %lt3A_166 = arith.cmpi slt, %add3A_164, %lt3A_165 : i32
      %convert_element_type3A_167 = arith.extui %lt3A_166 : i1 to i32
      %cond3A_168 = arith.constant 0 : i32
      %cond3A_169 = arith.cmpi ne, %convert_element_type3A_167, %cond3A_168 : i32
      scf.if %cond3A_169 {
        %dma_wait3A = arith.constant 0 : i32
        %dma_wait3A_188 = tpu.memref_slice %arg7[%add3A_164, %dma_wait3A] : memref<125x80xi32, #tpu.memory_space<vmem>> -> memref<1x80xi32, #tpu.memory_space<vmem>>
        %dma_wait3A_189 = tpu.memref_squeeze %dma_wait3A_188 : memref<1x80xi32, #tpu.memory_space<vmem>> -> memref<80xi32, #tpu.memory_space<vmem>>
        %dma_wait3A_190 = arith.constant 0 : i32
        %dma_wait3A_191 = tpu.memref_slice %arg6[%dma_wait3A_190] : memref<10240xf32, #tpu.memory_space<vmem_shared>> -> memref<10240xf32, #tpu.memory_space<vmem_shared>>
        tpu.wait_indirect_dma semaphore(%arg9 : memref<!tpu.dma_semaphore, #tpu.memory_space<semaphore_mem>>) src(%arg8 : memref<80xf32, #tpu.memory_space<vmem>>) dst(%dma_wait3A_191 : memref<10240xf32, #tpu.memory_space<vmem_shared>>)
      } else {
      }
      %mul3A_170 = arith.constant 8 : i32
      %mul3A_171 = arith.muli %scan3A_44, %mul3A_170 : i32
      %add3A_172 = arith.constant 6 : i32
      %add3A_173 = arith.addi %mul3A_171, %add3A_172 : i32
      %lt3A_174 = arith.constant 125 : i32
      %lt3A_175 = arith.cmpi slt, %add3A_173, %lt3A_174 : i32
      %convert_element_type3A_176 = arith.extui %lt3A_175 : i1 to i32
      %cond3A_177 = arith.constant 0 : i32
      %cond3A_178 = arith.cmpi ne, %convert_element_type3A_176, %cond3A_177 : i32
      scf.if %cond3A_178 {
        %dma_wait3A = arith.constant 0 : i32
        %dma_wait3A_188 = tpu.memref_slice %arg7[%add3A_173, %dma_wait3A] : memref<125x80xi32, #tpu.memory_space<vmem>> -> memref<1x80xi32, #tpu.memory_space<vmem>>
        %dma_wait3A_189 = tpu.memref_squeeze %dma_wait3A_188 : memref<1x80xi32, #tpu.memory_space<vmem>> -> memref<80xi32, #tpu.memory_space<vmem>>
        %dma_wait3A_190 = arith.constant 0 : i32
        %dma_wait3A_191 = tpu.memref_slice %arg6[%dma_wait3A_190] : memref<10240xf32, #tpu.memory_space<vmem_shared>> -> memref<10240xf32, #tpu.memory_space<vmem_shared>>
        tpu.wait_indirect_dma semaphore(%arg9 : memref<!tpu.dma_semaphore, #tpu.memory_space<semaphore_mem>>) src(%arg8 : memref<80xf32, #tpu.memory_space<vmem>>) dst(%dma_wait3A_191 : memref<10240xf32, #tpu.memory_space<vmem_shared>>)
      } else {
      }
      %mul3A_179 = arith.constant 8 : i32
      %mul3A_180 = arith.muli %scan3A_44, %mul3A_179 : i32
      %add3A_181 = arith.constant 7 : i32
      %add3A_182 = arith.addi %mul3A_180, %add3A_181 : i32
      %lt3A_183 = arith.constant 125 : i32
      %lt3A_184 = arith.cmpi slt, %add3A_182, %lt3A_183 : i32
      %convert_element_type3A_185 = arith.extui %lt3A_184 : i1 to i32
      %cond3A_186 = arith.constant 0 : i32
      %cond3A_187 = arith.cmpi ne, %convert_element_type3A_185, %cond3A_186 : i32
      scf.if %cond3A_187 {
        %dma_wait3A = arith.constant 0 : i32
        %dma_wait3A_188 = tpu.memref_slice %arg7[%add3A_182, %dma_wait3A] : memref<125x80xi32, #tpu.memory_space<vmem>> -> memref<1x80xi32, #tpu.memory_space<vmem>>
        %dma_wait3A_189 = tpu.memref_squeeze %dma_wait3A_188 : memref<1x80xi32, #tpu.memory_space<vmem>> -> memref<80xi32, #tpu.memory_space<vmem>>
        %dma_wait3A_190 = arith.constant 0 : i32
        %dma_wait3A_191 = tpu.memref_slice %arg6[%dma_wait3A_190] : memref<10240xf32, #tpu.memory_space<vmem_shared>> -> memref<10240xf32, #tpu.memory_space<vmem_shared>>
        tpu.wait_indirect_dma semaphore(%arg9 : memref<!tpu.dma_semaphore, #tpu.memory_space<semaphore_mem>>) src(%arg8 : memref<80xf32, #tpu.memory_space<vmem>>) dst(%dma_wait3A_191 : memref<10240xf32, #tpu.memory_space<vmem_shared>>)
      } else {
      }
    }
    %scan3A_35 = arith.constant 16 : i32
    %barrier3A_36 = arith.constant 0 : index
    tpu.barrier barrier_id(%barrier3A_36)
    %eq3A = arith.constant 0 : i32
    %eq3A_37 = arith.cmpi eq, %arg0, %eq3A : i32
    %convert_element_type3A = arith.extui %eq3A_37 : i1 to i32
    %cond3A = arith.constant 0 : i32
    %cond3A_38 = arith.cmpi ne, %convert_element_type3A, %cond3A : i32
    scf.if %cond3A_38 {
      %mul3A_44 = arith.constant 640 : i32
      %mul3A_45 = arith.muli %arg1, %mul3A_44 : i32
      %mul3A_46 = arith.constant 640 : i32
      %mul3A_47 = arith.muli %arg1, %mul3A_46 : i32
      "tpu.region"() ({
        %run_scoped3A = tpu.sem_alloc : memref<!tpu.dma_semaphore, #tpu.memory_space<semaphore_mem>>
        %dma_start3A = tpu.memref_slice %arg4[%mul3A_47] : memref<10240xf32, #tpu.memory_space<hbm>> -> memref<640xf32, #tpu.memory_space<hbm>>
        %dma_start3A_48 = tpu.memref_slice %arg6[%mul3A_45] : memref<10240xf32, #tpu.memory_space<vmem_shared>> -> memref<640xf32, #tpu.memory_space<vmem_shared>>
        tpu.enqueue_dma source(%dma_start3A_48 : memref<640xf32, #tpu.memory_space<vmem_shared>>) target(%dma_start3A : memref<640xf32, #tpu.memory_space<hbm>>) target_semaphore(%run_scoped3A : memref<!tpu.dma_semaphore, #tpu.memory_space<semaphore_mem>>)
        %dma_wait3A = tpu.memref_slice %arg4[%mul3A_47] : memref<10240xf32, #tpu.memory_space<hbm>> -> memref<640xf32, #tpu.memory_space<hbm>>
        %dma_wait3A_49 = tpu.memref_slice %arg6[%mul3A_45] : memref<10240xf32, #tpu.memory_space<vmem_shared>> -> memref<640xf32, #tpu.memory_space<vmem_shared>>
        tpu.wait_dma2 semaphore(%run_scoped3A : memref<!tpu.dma_semaphore, #tpu.memory_space<semaphore_mem>>) src(%dma_wait3A_49 : memref<640xf32, #tpu.memory_space<vmem_shared>>) dst(%dma_wait3A : memref<640xf32, #tpu.memory_space<hbm>>)
        tpu.yield
      }) : () -> ()
    } else {
    }
    %eq3A_39 = arith.constant 1 : i32
    %eq3A_40 = arith.cmpi eq, %arg0, %eq3A_39 : i32
    %convert_element_type3A_41 = arith.extui %eq3A_40 : i1 to i32
    %cond3A_42 = arith.constant 0 : i32
    %cond3A_43 = arith.cmpi ne, %convert_element_type3A_41, %cond3A_42 : i32
    scf.if %cond3A_43 {
      %mul3A_44 = arith.constant 640 : i32
      %mul3A_45 = arith.muli %arg1, %mul3A_44 : i32
      %mul3A_46 = arith.constant 640 : i32
      %mul3A_47 = arith.muli %arg1, %mul3A_46 : i32
      "tpu.region"() ({
        %run_scoped3A = tpu.sem_alloc : memref<!tpu.dma_semaphore, #tpu.memory_space<semaphore_mem>>
        %dma_start3A = tpu.memref_slice %arg5[%mul3A_47] : memref<10240xf32, #tpu.memory_space<hbm>> -> memref<640xf32, #tpu.memory_space<hbm>>
        %dma_start3A_48 = tpu.memref_slice %arg6[%mul3A_45] : memref<10240xf32, #tpu.memory_space<vmem_shared>> -> memref<640xf32, #tpu.memory_space<vmem_shared>>
        tpu.enqueue_dma source(%dma_start3A_48 : memref<640xf32, #tpu.memory_space<vmem_shared>>) target(%dma_start3A : memref<640xf32, #tpu.memory_space<hbm>>) target_semaphore(%run_scoped3A : memref<!tpu.dma_semaphore, #tpu.memory_space<semaphore_mem>>)
        %dma_wait3A = tpu.memref_slice %arg5[%mul3A_47] : memref<10240xf32, #tpu.memory_space<hbm>> -> memref<640xf32, #tpu.memory_space<hbm>>
        %dma_wait3A_49 = tpu.memref_slice %arg6[%mul3A_45] : memref<10240xf32, #tpu.memory_space<vmem_shared>> -> memref<640xf32, #tpu.memory_space<vmem_shared>>
        tpu.wait_dma2 semaphore(%run_scoped3A : memref<!tpu.dma_semaphore, #tpu.memory_space<semaphore_mem>>) src(%dma_wait3A_49 : memref<640xf32, #tpu.memory_space<vmem_shared>>) dst(%dma_wait3A : memref<640xf32, #tpu.memory_space<hbm>>)
        tpu.yield
      }) : () -> ()
    } else {
    }
    return
  }
}

#map = affine_map<(d0, d1) -> (0, 0)>
#map1 = affine_map<(d0, d1) -> (0)>
#map2 = affine_map<(d0, d1) -> (0, 0, 0)>
module attributes {stable_mosaic.version = 14 : i64} {
  func.func @_agg_body(%arg0: i32, %arg1: i32, %arg2: memref<10000x128xf32, #tpu.memory_space<hbm>>, %arg3: memref<320000xi32, #tpu.memory_space<hbm>>, %arg4: memref<32x125x80xi32, #tpu.memory_space<hbm>>, %arg5: memref<640x128xf32, #tpu.memory_space<hbm>>, %arg6: memref<10240x128xf32, #tpu.memory_space<hbm>>, %arg7: memref<10240x128xf32, #tpu.memory_space<hbm>>, %arg8: memref<10240x128xf32, #tpu.memory_space<vmem_shared>>, %arg9: memref<10000xi32, #tpu.memory_space<vmem>>, %arg10: memref<125x80xi32, #tpu.memory_space<vmem>>, %arg11: memref<2x80x128xf32, #tpu.memory_space<vmem>>, %arg12: memref<!tpu.dma_semaphore, #tpu.memory_space<semaphore_mem>>, %arg13: memref<!tpu.dma_semaphore, #tpu.memory_space<semaphore_mem>>, %arg14: memref<!tpu.dma_semaphore, #tpu.memory_space<semaphore_mem>>, %arg15: memref<!tpu.dma_semaphore, #tpu.memory_space<semaphore_mem>>) attributes {dimension_semantics = [#tpu.dimension_semantics<core_parallel>, #tpu.dimension_semantics<subcore_parallel>], iteration_bounds = array<i64: 2, 16>, scalar_prefetch = 0 : i64, scratch_operands = 8 : i64, tpu.core_type = #tpu.core_type<sc_vector_subcore>, window_params = [{transform_indices = #map}, {transform_indices = #map1}, {transform_indices = #map2}, {transform_indices = #map}, {transform_indices = #map}, {transform_indices = #map}]} {
    %mul3A = arith.constant 16 : i32
    %mul3A_0 = arith.muli %arg0, %mul3A : i32
    %add3A = arith.addi %mul3A_0, %arg1 : i32
    %eq3A = arith.constant 0 : i32
    %eq3A_1 = arith.cmpi eq, %arg0, %eq3A : i32
    %convert_element_type3A = arith.extui %eq3A_1 : i1 to i32
    %cond3A = arith.constant 0 : i32
    %cond3A_2 = arith.cmpi ne, %convert_element_type3A, %cond3A : i32
    scf.if %cond3A_2 {
      %lt3A = arith.constant 15 : i32
      %lt3A_58 = arith.cmpi slt, %arg1, %lt3A : i32
      %convert_element_type3A_59 = arith.extui %lt3A_58 : i1 to i32
      %cond3A_60 = arith.constant 0 : i32
      %cond3A_61 = arith.cmpi ne, %convert_element_type3A_59, %cond3A_60 : i32
      scf.if %cond3A_61 {
        %mul3A_67 = arith.constant 640 : i32
        %mul3A_68 = arith.muli %arg1, %mul3A_67 : i32
        %mul3A_69 = arith.constant 640 : i32
        %mul3A_70 = arith.muli %arg1, %mul3A_69 : i32
        "tpu.region"() ({
          %run_scoped3A = tpu.sem_alloc : memref<!tpu.dma_semaphore, #tpu.memory_space<semaphore_mem>>
          %dma_start3A_71 = arith.constant 0 : i32
          %dma_start3A_72 = tpu.memref_slice %arg8[%mul3A_70, %dma_start3A_71] : memref<10240x128xf32, #tpu.memory_space<vmem_shared>> -> memref<640x128xf32, #tpu.memory_space<vmem_shared>>
          %dma_start3A_73 = arith.constant 0 : i32
          %dma_start3A_74 = tpu.memref_slice %arg2[%mul3A_68, %dma_start3A_73] : memref<10000x128xf32, #tpu.memory_space<hbm>> -> memref<640x128xf32, #tpu.memory_space<hbm>>
          tpu.enqueue_dma source(%dma_start3A_74 : memref<640x128xf32, #tpu.memory_space<hbm>>) target(%dma_start3A_72 : memref<640x128xf32, #tpu.memory_space<vmem_shared>>) target_semaphore(%run_scoped3A : memref<!tpu.dma_semaphore, #tpu.memory_space<semaphore_mem>>)
          %dma_wait3A_75 = arith.constant 0 : i32
          %dma_wait3A_76 = tpu.memref_slice %arg8[%mul3A_70, %dma_wait3A_75] : memref<10240x128xf32, #tpu.memory_space<vmem_shared>> -> memref<640x128xf32, #tpu.memory_space<vmem_shared>>
          %dma_wait3A_77 = arith.constant 0 : i32
          %dma_wait3A_78 = tpu.memref_slice %arg2[%mul3A_68, %dma_wait3A_77] : memref<10000x128xf32, #tpu.memory_space<hbm>> -> memref<640x128xf32, #tpu.memory_space<hbm>>
          tpu.wait_dma2 semaphore(%run_scoped3A : memref<!tpu.dma_semaphore, #tpu.memory_space<semaphore_mem>>) src(%dma_wait3A_78 : memref<640x128xf32, #tpu.memory_space<hbm>>) dst(%dma_wait3A_76 : memref<640x128xf32, #tpu.memory_space<vmem_shared>>)
          tpu.yield
        }) : () -> ()
      } else {
      }
      %eq3A_62 = arith.constant 15 : i32
      %eq3A_63 = arith.cmpi eq, %arg1, %eq3A_62 : i32
      %convert_element_type3A_64 = arith.extui %eq3A_63 : i1 to i32
      %cond3A_65 = arith.constant 0 : i32
      %cond3A_66 = arith.cmpi ne, %convert_element_type3A_64, %cond3A_65 : i32
      scf.if %cond3A_66 {
        %mul3A_67 = arith.constant 640 : i32
        %mul3A_68 = arith.muli %arg1, %mul3A_67 : i32
        %mul3A_69 = arith.constant 640 : i32
        %mul3A_70 = arith.muli %arg1, %mul3A_69 : i32
        "tpu.region"() ({
          %run_scoped3A = tpu.sem_alloc : memref<!tpu.dma_semaphore, #tpu.memory_space<semaphore_mem>>
          %dma_start3A_71 = arith.constant 0 : i32
          %dma_start3A_72 = tpu.memref_slice %arg8[%mul3A_70, %dma_start3A_71] : memref<10240x128xf32, #tpu.memory_space<vmem_shared>> -> memref<400x128xf32, #tpu.memory_space<vmem_shared>>
          %dma_start3A_73 = arith.constant 0 : i32
          %dma_start3A_74 = tpu.memref_slice %arg2[%mul3A_68, %dma_start3A_73] : memref<10000x128xf32, #tpu.memory_space<hbm>> -> memref<400x128xf32, #tpu.memory_space<hbm>>
          tpu.enqueue_dma source(%dma_start3A_74 : memref<400x128xf32, #tpu.memory_space<hbm>>) target(%dma_start3A_72 : memref<400x128xf32, #tpu.memory_space<vmem_shared>>) target_semaphore(%run_scoped3A : memref<!tpu.dma_semaphore, #tpu.memory_space<semaphore_mem>>)
          %dma_wait3A_75 = arith.constant 0 : i32
          %dma_wait3A_76 = tpu.memref_slice %arg8[%mul3A_70, %dma_wait3A_75] : memref<10240x128xf32, #tpu.memory_space<vmem_shared>> -> memref<400x128xf32, #tpu.memory_space<vmem_shared>>
          %dma_wait3A_77 = arith.constant 0 : i32
          %dma_wait3A_78 = tpu.memref_slice %arg2[%mul3A_68, %dma_wait3A_77] : memref<10000x128xf32, #tpu.memory_space<hbm>> -> memref<400x128xf32, #tpu.memory_space<hbm>>
          tpu.wait_dma2 semaphore(%run_scoped3A : memref<!tpu.dma_semaphore, #tpu.memory_space<semaphore_mem>>) src(%dma_wait3A_78 : memref<400x128xf32, #tpu.memory_space<hbm>>) dst(%dma_wait3A_76 : memref<400x128xf32, #tpu.memory_space<vmem_shared>>)
          tpu.yield
        }) : () -> ()
        "tpu.region"() ({
          %run_scoped3A = tpu.sem_alloc : memref<!tpu.dma_semaphore, #tpu.memory_space<semaphore_mem>>
          %dma_start3A_71 = arith.constant 10000 : i32
          %dma_start3A_72 = arith.constant 0 : i32
          %dma_start3A_73 = tpu.memref_slice %arg8[%dma_start3A_71, %dma_start3A_72] : memref<10240x128xf32, #tpu.memory_space<vmem_shared>> -> memref<240x128xf32, #tpu.memory_space<vmem_shared>>
          %dma_start3A_74 = arith.constant 0 : i32
          %dma_start3A_75 = arith.constant 0 : i32
          %dma_start3A_76 = tpu.memref_slice %arg5[%dma_start3A_74, %dma_start3A_75] : memref<640x128xf32, #tpu.memory_space<hbm>> -> memref<240x128xf32, #tpu.memory_space<hbm>>
          tpu.enqueue_dma source(%dma_start3A_76 : memref<240x128xf32, #tpu.memory_space<hbm>>) target(%dma_start3A_73 : memref<240x128xf32, #tpu.memory_space<vmem_shared>>) target_semaphore(%run_scoped3A : memref<!tpu.dma_semaphore, #tpu.memory_space<semaphore_mem>>)
          %dma_wait3A_77 = arith.constant 10000 : i32
          %dma_wait3A_78 = arith.constant 0 : i32
          %dma_wait3A_79 = tpu.memref_slice %arg8[%dma_wait3A_77, %dma_wait3A_78] : memref<10240x128xf32, #tpu.memory_space<vmem_shared>> -> memref<240x128xf32, #tpu.memory_space<vmem_shared>>
          %dma_wait3A_80 = arith.constant 0 : i32
          %dma_wait3A_81 = arith.constant 0 : i32
          %dma_wait3A_82 = tpu.memref_slice %arg5[%dma_wait3A_80, %dma_wait3A_81] : memref<640x128xf32, #tpu.memory_space<hbm>> -> memref<240x128xf32, #tpu.memory_space<hbm>>
          tpu.wait_dma2 semaphore(%run_scoped3A : memref<!tpu.dma_semaphore, #tpu.memory_space<semaphore_mem>>) src(%dma_wait3A_82 : memref<240x128xf32, #tpu.memory_space<hbm>>) dst(%dma_wait3A_79 : memref<240x128xf32, #tpu.memory_space<vmem_shared>>)
          tpu.yield
        }) : () -> ()
      } else {
      }
    } else {
    }
    %eq3A_3 = arith.constant 1 : i32
    %eq3A_4 = arith.cmpi eq, %arg0, %eq3A_3 : i32
    %convert_element_type3A_5 = arith.extui %eq3A_4 : i1 to i32
    %cond3A_6 = arith.constant 0 : i32
    %cond3A_7 = arith.cmpi ne, %convert_element_type3A_5, %cond3A_6 : i32
    scf.if %cond3A_7 {
      %mul3A_58 = arith.constant 640 : i32
      %mul3A_59 = arith.muli %arg1, %mul3A_58 : i32
      "tpu.region"() ({
        %run_scoped3A = tpu.sem_alloc : memref<!tpu.dma_semaphore, #tpu.memory_space<semaphore_mem>>
        %dma_start3A_60 = arith.constant 0 : i32
        %dma_start3A_61 = tpu.memref_slice %arg8[%mul3A_59, %dma_start3A_60] : memref<10240x128xf32, #tpu.memory_space<vmem_shared>> -> memref<640x128xf32, #tpu.memory_space<vmem_shared>>
        tpu.enqueue_dma source(%arg5 : memref<640x128xf32, #tpu.memory_space<hbm>>) target(%dma_start3A_61 : memref<640x128xf32, #tpu.memory_space<vmem_shared>>) target_semaphore(%run_scoped3A : memref<!tpu.dma_semaphore, #tpu.memory_space<semaphore_mem>>)
        %dma_wait3A_62 = arith.constant 0 : i32
        %dma_wait3A_63 = tpu.memref_slice %arg8[%mul3A_59, %dma_wait3A_62] : memref<10240x128xf32, #tpu.memory_space<vmem_shared>> -> memref<640x128xf32, #tpu.memory_space<vmem_shared>>
        tpu.wait_dma2 semaphore(%run_scoped3A : memref<!tpu.dma_semaphore, #tpu.memory_space<semaphore_mem>>) src(%arg5 : memref<640x128xf32, #tpu.memory_space<hbm>>) dst(%dma_wait3A_63 : memref<640x128xf32, #tpu.memory_space<vmem_shared>>)
        tpu.yield
      }) : () -> ()
    } else {
    }
    %mul3A_8 = arith.constant 10000 : i32
    %mul3A_9 = arith.muli %add3A, %mul3A_8 : i32
    "tpu.region"() ({
      %run_scoped3A = tpu.sem_alloc : memref<!tpu.dma_semaphore, #tpu.memory_space<semaphore_mem>>
      %dma_start3A_58 = tpu.memref_slice %arg3[%mul3A_9] : memref<320000xi32, #tpu.memory_space<hbm>> -> memref<10000xi32, #tpu.memory_space<hbm>>
      %dma_start3A_59 = tpu.memref_slice %arg3[%mul3A_9] : memref<320000xi32, #tpu.memory_space<hbm>> -> memref<10000xi32, #tpu.memory_space<hbm>>
      tpu.enqueue_dma source(%dma_start3A_59 : memref<10000xi32, #tpu.memory_space<hbm>>) target(%arg9 : memref<10000xi32, #tpu.memory_space<vmem>>) target_semaphore(%run_scoped3A : memref<!tpu.dma_semaphore, #tpu.memory_space<semaphore_mem>>)
      %dma_wait3A_60 = tpu.memref_slice %arg3[%mul3A_9] : memref<320000xi32, #tpu.memory_space<hbm>> -> memref<10000xi32, #tpu.memory_space<hbm>>
      %dma_wait3A_61 = tpu.memref_slice %arg3[%mul3A_9] : memref<320000xi32, #tpu.memory_space<hbm>> -> memref<10000xi32, #tpu.memory_space<hbm>>
      tpu.wait_dma2 semaphore(%run_scoped3A : memref<!tpu.dma_semaphore, #tpu.memory_space<semaphore_mem>>) src(%dma_wait3A_61 : memref<10000xi32, #tpu.memory_space<hbm>>) dst(%arg9 : memref<10000xi32, #tpu.memory_space<vmem>>)
      tpu.yield
    }) : () -> ()
    "tpu.region"() ({
      %run_scoped3A = tpu.sem_alloc : memref<!tpu.dma_semaphore, #tpu.memory_space<semaphore_mem>>
      %dma_start3A_58 = arith.constant 0 : i32
      %dma_start3A_59 = arith.constant 0 : i32
      %dma_start3A_60 = tpu.memref_slice %arg4[%add3A, %dma_start3A_58, %dma_start3A_59] : memref<32x125x80xi32, #tpu.memory_space<hbm>> -> memref<1x125x80xi32, #tpu.memory_space<hbm>>
      %dma_start3A_61 = tpu.memref_squeeze %dma_start3A_60 : memref<1x125x80xi32, #tpu.memory_space<hbm>> -> memref<125x80xi32, #tpu.memory_space<hbm>>
      %dma_start3A_62 = arith.constant 0 : i32
      %dma_start3A_63 = arith.constant 0 : i32
      %dma_start3A_64 = tpu.memref_slice %arg4[%add3A, %dma_start3A_62, %dma_start3A_63] : memref<32x125x80xi32, #tpu.memory_space<hbm>> -> memref<1x125x80xi32, #tpu.memory_space<hbm>>
      %dma_start3A_65 = tpu.memref_squeeze %dma_start3A_64 : memref<1x125x80xi32, #tpu.memory_space<hbm>> -> memref<125x80xi32, #tpu.memory_space<hbm>>
      tpu.enqueue_dma source(%dma_start3A_65 : memref<125x80xi32, #tpu.memory_space<hbm>>) target(%arg10 : memref<125x80xi32, #tpu.memory_space<vmem>>) target_semaphore(%run_scoped3A : memref<!tpu.dma_semaphore, #tpu.memory_space<semaphore_mem>>)
      %dma_wait3A_66 = arith.constant 0 : i32
      %dma_wait3A_67 = arith.constant 0 : i32
      %dma_wait3A_68 = tpu.memref_slice %arg4[%add3A, %dma_wait3A_66, %dma_wait3A_67] : memref<32x125x80xi32, #tpu.memory_space<hbm>> -> memref<1x125x80xi32, #tpu.memory_space<hbm>>
      %dma_wait3A_69 = tpu.memref_squeeze %dma_wait3A_68 : memref<1x125x80xi32, #tpu.memory_space<hbm>> -> memref<125x80xi32, #tpu.memory_space<hbm>>
      %dma_wait3A_70 = arith.constant 0 : i32
      %dma_wait3A_71 = arith.constant 0 : i32
      %dma_wait3A_72 = tpu.memref_slice %arg4[%add3A, %dma_wait3A_70, %dma_wait3A_71] : memref<32x125x80xi32, #tpu.memory_space<hbm>> -> memref<1x125x80xi32, #tpu.memory_space<hbm>>
      %dma_wait3A_73 = tpu.memref_squeeze %dma_wait3A_72 : memref<1x125x80xi32, #tpu.memory_space<hbm>> -> memref<125x80xi32, #tpu.memory_space<hbm>>
      tpu.wait_dma2 semaphore(%run_scoped3A : memref<!tpu.dma_semaphore, #tpu.memory_space<semaphore_mem>>) src(%dma_wait3A_73 : memref<125x80xi32, #tpu.memory_space<hbm>>) dst(%arg10 : memref<125x80xi32, #tpu.memory_space<vmem>>)
      tpu.yield
    }) : () -> ()
    %barrier3A = arith.constant 0 : index
    tpu.barrier barrier_id(%barrier3A)
    %dma_start3A = arith.constant 0 : i32
    %dma_start3A_10 = arith.constant 0 : i32
    %dma_start3A_11 = arith.constant 0 : i32
    %dma_start3A_12 = tpu.memref_slice %arg11[%dma_start3A, %dma_start3A_10, %dma_start3A_11] : memref<2x80x128xf32, #tpu.memory_space<vmem>> -> memref<1x80x128xf32, #tpu.memory_space<vmem>>
    %dma_start3A_13 = tpu.memref_squeeze %dma_start3A_12 : memref<1x80x128xf32, #tpu.memory_space<vmem>> -> memref<80x128xf32, #tpu.memory_space<vmem>>
    %dma_start3A_14 = arith.constant 0 : i32
    %dma_start3A_15 = tpu.memref_slice %arg9[%dma_start3A_14] : memref<10000xi32, #tpu.memory_space<vmem>> -> memref<80xi32, #tpu.memory_space<vmem>>
    %dma_start3A_16 = arith.constant 0 : i32
    %dma_start3A_17 = arith.constant 0 : i32
    %dma_start3A_18 = tpu.memref_slice %arg2[%dma_start3A_16, %dma_start3A_17] : memref<10000x128xf32, #tpu.memory_space<hbm>> -> memref<10000x128xf32, #tpu.memory_space<hbm>>
    tpu.enqueue_indirect_dma source(%dma_start3A_18 : memref<10000x128xf32, #tpu.memory_space<hbm>>) target(%dma_start3A_13 : memref<80x128xf32, #tpu.memory_space<vmem>>) offsets(%dma_start3A_15 : memref<80xi32, #tpu.memory_space<vmem>>) semaphore(%arg12 : memref<!tpu.dma_semaphore, #tpu.memory_space<semaphore_mem>>)
    %scan3A = arith.constant 0 : i32
    %scan3A_19 = arith.constant 0 : i32
    %scan3A_20 = arith.constant 63 : i32
    %scan3A_21 = arith.addi %scan3A_19, %scan3A_20 : i32
    %scan3A_22 = arith.constant 1 : i32
    scf.for %scan3A_58 = %scan3A_19 to %scan3A_21 step %scan3A_22  : i32 {
      %mul3A_59 = arith.constant 2 : i32
      %mul3A_60 = arith.muli %scan3A_58, %mul3A_59 : i32
      %add3A_61 = arith.constant 0 : i32
      %add3A_62 = arith.addi %mul3A_60, %add3A_61 : i32
      %add3A_63 = arith.constant 1 : i32
      %add3A_64 = arith.addi %add3A_62, %add3A_63 : i32
      %lt3A = arith.constant 125 : i32
      %lt3A_65 = arith.cmpi slt, %add3A_64, %lt3A : i32
      %convert_element_type3A_66 = arith.extui %lt3A_65 : i1 to i32
      %cond3A_67 = arith.constant 0 : i32
      %cond3A_68 = arith.cmpi ne, %convert_element_type3A_66, %cond3A_67 : i32
      scf.if %cond3A_68 {
        %ge3A = arith.constant 2 : i32
        %ge3A_90 = arith.cmpi sge, %add3A_64, %ge3A : i32
        %convert_element_type3A_91 = arith.extui %ge3A_90 : i1 to i32
        %cond3A_92 = arith.constant 0 : i32
        %cond3A_93 = arith.cmpi ne, %convert_element_type3A_91, %cond3A_92 : i32
        scf.if %cond3A_93 {
          %sub3A = arith.constant 2 : i32
          %sub3A_105 = arith.subi %add3A_64, %sub3A : i32
          %dma_wait3A_106 = arith.constant 1 : i32
          %dma_wait3A_107 = arith.constant 0 : i32
          %dma_wait3A_108 = arith.constant 0 : i32
          %dma_wait3A_109 = tpu.memref_slice %arg11[%dma_wait3A_106, %dma_wait3A_107, %dma_wait3A_108] : memref<2x80x128xf32, #tpu.memory_space<vmem>> -> memref<1x80x128xf32, #tpu.memory_space<vmem>>
          %dma_wait3A_110 = tpu.memref_squeeze %dma_wait3A_109 : memref<1x80x128xf32, #tpu.memory_space<vmem>> -> memref<80x128xf32, #tpu.memory_space<vmem>>
          %dma_wait3A_111 = arith.constant 0 : i32
          %dma_wait3A_112 = tpu.memref_slice %arg10[%sub3A_105, %dma_wait3A_111] : memref<125x80xi32, #tpu.memory_space<vmem>> -> memref<1x80xi32, #tpu.memory_space<vmem>>
          %dma_wait3A_113 = tpu.memref_squeeze %dma_wait3A_112 : memref<1x80xi32, #tpu.memory_space<vmem>> -> memref<80xi32, #tpu.memory_space<vmem>>
          %dma_wait3A_114 = arith.constant 0 : i32
          %dma_wait3A_115 = arith.constant 0 : i32
          %dma_wait3A_116 = tpu.memref_slice %arg8[%dma_wait3A_114, %dma_wait3A_115] : memref<10240x128xf32, #tpu.memory_space<vmem_shared>> -> memref<10240x128xf32, #tpu.memory_space<vmem_shared>>
          tpu.wait_indirect_dma semaphore(%arg15 : memref<!tpu.dma_semaphore, #tpu.memory_space<semaphore_mem>>) src(%dma_wait3A_110 : memref<80x128xf32, #tpu.memory_space<vmem>>) dst(%dma_wait3A_116 : memref<10240x128xf32, #tpu.memory_space<vmem_shared>>)
        } else {
        }
        %mul3A_94 = arith.constant 80 : i32
        %mul3A_95 = arith.muli %add3A_64, %mul3A_94 : i32
        %dma_start3A_96 = arith.constant 1 : i32
        %dma_start3A_97 = arith.constant 0 : i32
        %dma_start3A_98 = arith.constant 0 : i32
        %dma_start3A_99 = tpu.memref_slice %arg11[%dma_start3A_96, %dma_start3A_97, %dma_start3A_98] : memref<2x80x128xf32, #tpu.memory_space<vmem>> -> memref<1x80x128xf32, #tpu.memory_space<vmem>>
        %dma_start3A_100 = tpu.memref_squeeze %dma_start3A_99 : memref<1x80x128xf32, #tpu.memory_space<vmem>> -> memref<80x128xf32, #tpu.memory_space<vmem>>
        %dma_start3A_101 = tpu.memref_slice %arg9[%mul3A_95] : memref<10000xi32, #tpu.memory_space<vmem>> -> memref<80xi32, #tpu.memory_space<vmem>>
        %dma_start3A_102 = arith.constant 0 : i32
        %dma_start3A_103 = arith.constant 0 : i32
        %dma_start3A_104 = tpu.memref_slice %arg2[%dma_start3A_102, %dma_start3A_103] : memref<10000x128xf32, #tpu.memory_space<hbm>> -> memref<10000x128xf32, #tpu.memory_space<hbm>>
        tpu.enqueue_indirect_dma source(%dma_start3A_104 : memref<10000x128xf32, #tpu.memory_space<hbm>>) target(%dma_start3A_100 : memref<80x128xf32, #tpu.memory_space<vmem>>) offsets(%dma_start3A_101 : memref<80xi32, #tpu.memory_space<vmem>>) semaphore(%arg13 : memref<!tpu.dma_semaphore, #tpu.memory_space<semaphore_mem>>)
      } else {
      }
      %lt3A_69 = arith.constant 125 : i32
      %lt3A_70 = arith.cmpi slt, %add3A_62, %lt3A_69 : i32
      %convert_element_type3A_71 = arith.extui %lt3A_70 : i1 to i32
      %cond3A_72 = arith.constant 0 : i32
      %cond3A_73 = arith.cmpi ne, %convert_element_type3A_71, %cond3A_72 : i32
      scf.if %cond3A_73 {
        %mul3A_90 = arith.constant 80 : i32
        %mul3A_91 = arith.muli %add3A_62, %mul3A_90 : i32
        %dma_wait3A_92 = arith.constant 0 : i32
        %dma_wait3A_93 = arith.constant 0 : i32
        %dma_wait3A_94 = arith.constant 0 : i32
        %dma_wait3A_95 = tpu.memref_slice %arg11[%dma_wait3A_92, %dma_wait3A_93, %dma_wait3A_94] : memref<2x80x128xf32, #tpu.memory_space<vmem>> -> memref<1x80x128xf32, #tpu.memory_space<vmem>>
        %dma_wait3A_96 = tpu.memref_squeeze %dma_wait3A_95 : memref<1x80x128xf32, #tpu.memory_space<vmem>> -> memref<80x128xf32, #tpu.memory_space<vmem>>
        %dma_wait3A_97 = tpu.memref_slice %arg9[%mul3A_91] : memref<10000xi32, #tpu.memory_space<vmem>> -> memref<80xi32, #tpu.memory_space<vmem>>
        %dma_wait3A_98 = arith.constant 0 : i32
        %dma_wait3A_99 = arith.constant 0 : i32
        %dma_wait3A_100 = tpu.memref_slice %arg2[%dma_wait3A_98, %dma_wait3A_99] : memref<10000x128xf32, #tpu.memory_space<hbm>> -> memref<10000x128xf32, #tpu.memory_space<hbm>>
        tpu.wait_indirect_dma semaphore(%arg12 : memref<!tpu.dma_semaphore, #tpu.memory_space<semaphore_mem>>) src(%dma_wait3A_100 : memref<10000x128xf32, #tpu.memory_space<hbm>>) dst(%dma_wait3A_96 : memref<80x128xf32, #tpu.memory_space<vmem>>)
        %dma_start3A_101 = arith.constant 0 : i32
        %dma_start3A_102 = arith.constant 0 : i32
        %dma_start3A_103 = arith.constant 0 : i32
        %dma_start3A_104 = tpu.memref_slice %arg11[%dma_start3A_101, %dma_start3A_102, %dma_start3A_103] : memref<2x80x128xf32, #tpu.memory_space<vmem>> -> memref<1x80x128xf32, #tpu.memory_space<vmem>>
        %dma_start3A_105 = tpu.memref_squeeze %dma_start3A_104 : memref<1x80x128xf32, #tpu.memory_space<vmem>> -> memref<80x128xf32, #tpu.memory_space<vmem>>
        %dma_start3A_106 = arith.constant 0 : i32
        %dma_start3A_107 = tpu.memref_slice %arg10[%add3A_62, %dma_start3A_106] : memref<125x80xi32, #tpu.memory_space<vmem>> -> memref<1x80xi32, #tpu.memory_space<vmem>>
        %dma_start3A_108 = tpu.memref_squeeze %dma_start3A_107 : memref<1x80xi32, #tpu.memory_space<vmem>> -> memref<80xi32, #tpu.memory_space<vmem>>
        %dma_start3A_109 = arith.constant 0 : i32
        %dma_start3A_110 = arith.constant 0 : i32
        %dma_start3A_111 = tpu.memref_slice %arg8[%dma_start3A_109, %dma_start3A_110] : memref<10240x128xf32, #tpu.memory_space<vmem_shared>> -> memref<10240x128xf32, #tpu.memory_space<vmem_shared>>
        tpu.enqueue_indirect_dma source(%dma_start3A_105 : memref<80x128xf32, #tpu.memory_space<vmem>>) target(%dma_start3A_111 : memref<10240x128xf32, #tpu.memory_space<vmem_shared>>) offsets(%dma_start3A_108 : memref<80xi32, #tpu.memory_space<vmem>>) semaphore(%arg14 : memref<!tpu.dma_semaphore, #tpu.memory_space<semaphore_mem>>) {add = true}
      } else {
      }
      %mul3A_74 = arith.constant 2 : i32
      %mul3A_75 = arith.muli %scan3A_58, %mul3A_74 : i32
      %add3A_76 = arith.constant 1 : i32
      %add3A_77 = arith.addi %mul3A_75, %add3A_76 : i32
      %add3A_78 = arith.constant 1 : i32
      %add3A_79 = arith.addi %add3A_77, %add3A_78 : i32
      %lt3A_80 = arith.constant 125 : i32
      %lt3A_81 = arith.cmpi slt, %add3A_79, %lt3A_80 : i32
      %convert_element_type3A_82 = arith.extui %lt3A_81 : i1 to i32
      %cond3A_83 = arith.constant 0 : i32
      %cond3A_84 = arith.cmpi ne, %convert_element_type3A_82, %cond3A_83 : i32
      scf.if %cond3A_84 {
        %ge3A = arith.constant 2 : i32
        %ge3A_90 = arith.cmpi sge, %add3A_79, %ge3A : i32
        %convert_element_type3A_91 = arith.extui %ge3A_90 : i1 to i32
        %cond3A_92 = arith.constant 0 : i32
        %cond3A_93 = arith.cmpi ne, %convert_element_type3A_91, %cond3A_92 : i32
        scf.if %cond3A_93 {
          %sub3A = arith.constant 2 : i32
          %sub3A_105 = arith.subi %add3A_79, %sub3A : i32
          %dma_wait3A_106 = arith.constant 0 : i32
          %dma_wait3A_107 = arith.constant 0 : i32
          %dma_wait3A_108 = arith.constant 0 : i32
          %dma_wait3A_109 = tpu.memref_slice %arg11[%dma_wait3A_106, %dma_wait3A_107, %dma_wait3A_108] : memref<2x80x128xf32, #tpu.memory_space<vmem>> -> memref<1x80x128xf32, #tpu.memory_space<vmem>>
          %dma_wait3A_110 = tpu.memref_squeeze %dma_wait3A_109 : memref<1x80x128xf32, #tpu.memory_space<vmem>> -> memref<80x128xf32, #tpu.memory_space<vmem>>
          %dma_wait3A_111 = arith.constant 0 : i32
          %dma_wait3A_112 = tpu.memref_slice %arg10[%sub3A_105, %dma_wait3A_111] : memref<125x80xi32, #tpu.memory_space<vmem>> -> memref<1x80xi32, #tpu.memory_space<vmem>>
          %dma_wait3A_113 = tpu.memref_squeeze %dma_wait3A_112 : memref<1x80xi32, #tpu.memory_space<vmem>> -> memref<80xi32, #tpu.memory_space<vmem>>
          %dma_wait3A_114 = arith.constant 0 : i32
          %dma_wait3A_115 = arith.constant 0 : i32
          %dma_wait3A_116 = tpu.memref_slice %arg8[%dma_wait3A_114, %dma_wait3A_115] : memref<10240x128xf32, #tpu.memory_space<vmem_shared>> -> memref<10240x128xf32, #tpu.memory_space<vmem_shared>>
          tpu.wait_indirect_dma semaphore(%arg14 : memref<!tpu.dma_semaphore, #tpu.memory_space<semaphore_mem>>) src(%dma_wait3A_110 : memref<80x128xf32, #tpu.memory_space<vmem>>) dst(%dma_wait3A_116 : memref<10240x128xf32, #tpu.memory_space<vmem_shared>>)
        } else {
        }
        %mul3A_94 = arith.constant 80 : i32
        %mul3A_95 = arith.muli %add3A_79, %mul3A_94 : i32
        %dma_start3A_96 = arith.constant 0 : i32
        %dma_start3A_97 = arith.constant 0 : i32
        %dma_start3A_98 = arith.constant 0 : i32
        %dma_start3A_99 = tpu.memref_slice %arg11[%dma_start3A_96, %dma_start3A_97, %dma_start3A_98] : memref<2x80x128xf32, #tpu.memory_space<vmem>> -> memref<1x80x128xf32, #tpu.memory_space<vmem>>
        %dma_start3A_100 = tpu.memref_squeeze %dma_start3A_99 : memref<1x80x128xf32, #tpu.memory_space<vmem>> -> memref<80x128xf32, #tpu.memory_space<vmem>>
        %dma_start3A_101 = tpu.memref_slice %arg9[%mul3A_95] : memref<10000xi32, #tpu.memory_space<vmem>> -> memref<80xi32, #tpu.memory_space<vmem>>
        %dma_start3A_102 = arith.constant 0 : i32
        %dma_start3A_103 = arith.constant 0 : i32
        %dma_start3A_104 = tpu.memref_slice %arg2[%dma_start3A_102, %dma_start3A_103] : memref<10000x128xf32, #tpu.memory_space<hbm>> -> memref<10000x128xf32, #tpu.memory_space<hbm>>
        tpu.enqueue_indirect_dma source(%dma_start3A_104 : memref<10000x128xf32, #tpu.memory_space<hbm>>) target(%dma_start3A_100 : memref<80x128xf32, #tpu.memory_space<vmem>>) offsets(%dma_start3A_101 : memref<80xi32, #tpu.memory_space<vmem>>) semaphore(%arg12 : memref<!tpu.dma_semaphore, #tpu.memory_space<semaphore_mem>>)
      } else {
      }
      %lt3A_85 = arith.constant 125 : i32
      %lt3A_86 = arith.cmpi slt, %add3A_77, %lt3A_85 : i32
      %convert_element_type3A_87 = arith.extui %lt3A_86 : i1 to i32
      %cond3A_88 = arith.constant 0 : i32
      %cond3A_89 = arith.cmpi ne, %convert_element_type3A_87, %cond3A_88 : i32
      scf.if %cond3A_89 {
        %mul3A_90 = arith.constant 80 : i32
        %mul3A_91 = arith.muli %add3A_77, %mul3A_90 : i32
        %dma_wait3A_92 = arith.constant 1 : i32
        %dma_wait3A_93 = arith.constant 0 : i32
        %dma_wait3A_94 = arith.constant 0 : i32
        %dma_wait3A_95 = tpu.memref_slice %arg11[%dma_wait3A_92, %dma_wait3A_93, %dma_wait3A_94] : memref<2x80x128xf32, #tpu.memory_space<vmem>> -> memref<1x80x128xf32, #tpu.memory_space<vmem>>
        %dma_wait3A_96 = tpu.memref_squeeze %dma_wait3A_95 : memref<1x80x128xf32, #tpu.memory_space<vmem>> -> memref<80x128xf32, #tpu.memory_space<vmem>>
        %dma_wait3A_97 = tpu.memref_slice %arg9[%mul3A_91] : memref<10000xi32, #tpu.memory_space<vmem>> -> memref<80xi32, #tpu.memory_space<vmem>>
        %dma_wait3A_98 = arith.constant 0 : i32
        %dma_wait3A_99 = arith.constant 0 : i32
        %dma_wait3A_100 = tpu.memref_slice %arg2[%dma_wait3A_98, %dma_wait3A_99] : memref<10000x128xf32, #tpu.memory_space<hbm>> -> memref<10000x128xf32, #tpu.memory_space<hbm>>
        tpu.wait_indirect_dma semaphore(%arg13 : memref<!tpu.dma_semaphore, #tpu.memory_space<semaphore_mem>>) src(%dma_wait3A_100 : memref<10000x128xf32, #tpu.memory_space<hbm>>) dst(%dma_wait3A_96 : memref<80x128xf32, #tpu.memory_space<vmem>>)
        %dma_start3A_101 = arith.constant 1 : i32
        %dma_start3A_102 = arith.constant 0 : i32
        %dma_start3A_103 = arith.constant 0 : i32
        %dma_start3A_104 = tpu.memref_slice %arg11[%dma_start3A_101, %dma_start3A_102, %dma_start3A_103] : memref<2x80x128xf32, #tpu.memory_space<vmem>> -> memref<1x80x128xf32, #tpu.memory_space<vmem>>
        %dma_start3A_105 = tpu.memref_squeeze %dma_start3A_104 : memref<1x80x128xf32, #tpu.memory_space<vmem>> -> memref<80x128xf32, #tpu.memory_space<vmem>>
        %dma_start3A_106 = arith.constant 0 : i32
        %dma_start3A_107 = tpu.memref_slice %arg10[%add3A_77, %dma_start3A_106] : memref<125x80xi32, #tpu.memory_space<vmem>> -> memref<1x80xi32, #tpu.memory_space<vmem>>
        %dma_start3A_108 = tpu.memref_squeeze %dma_start3A_107 : memref<1x80xi32, #tpu.memory_space<vmem>> -> memref<80xi32, #tpu.memory_space<vmem>>
        %dma_start3A_109 = arith.constant 0 : i32
        %dma_start3A_110 = arith.constant 0 : i32
        %dma_start3A_111 = tpu.memref_slice %arg8[%dma_start3A_109, %dma_start3A_110] : memref<10240x128xf32, #tpu.memory_space<vmem_shared>> -> memref<10240x128xf32, #tpu.memory_space<vmem_shared>>
        tpu.enqueue_indirect_dma source(%dma_start3A_105 : memref<80x128xf32, #tpu.memory_space<vmem>>) target(%dma_start3A_111 : memref<10240x128xf32, #tpu.memory_space<vmem_shared>>) offsets(%dma_start3A_108 : memref<80xi32, #tpu.memory_space<vmem>>) semaphore(%arg15 : memref<!tpu.dma_semaphore, #tpu.memory_space<semaphore_mem>>) {add = true}
      } else {
      }
    }
    %scan3A_23 = arith.constant 63 : i32
    %dma_wait3A = arith.constant 1 : i32
    %dma_wait3A_24 = arith.constant 123 : i32
    %dma_wait3A_25 = arith.constant 0 : i32
    %dma_wait3A_26 = arith.constant 0 : i32
    %dma_wait3A_27 = tpu.memref_slice %arg11[%dma_wait3A, %dma_wait3A_25, %dma_wait3A_26] : memref<2x80x128xf32, #tpu.memory_space<vmem>> -> memref<1x80x128xf32, #tpu.memory_space<vmem>>
    %dma_wait3A_28 = tpu.memref_squeeze %dma_wait3A_27 : memref<1x80x128xf32, #tpu.memory_space<vmem>> -> memref<80x128xf32, #tpu.memory_space<vmem>>
    %dma_wait3A_29 = arith.constant 0 : i32
    %dma_wait3A_30 = tpu.memref_slice %arg10[%dma_wait3A_24, %dma_wait3A_29] : memref<125x80xi32, #tpu.memory_space<vmem>> -> memref<1x80xi32, #tpu.memory_space<vmem>>
    %dma_wait3A_31 = tpu.memref_squeeze %dma_wait3A_30 : memref<1x80xi32, #tpu.memory_space<vmem>> -> memref<80xi32, #tpu.memory_space<vmem>>
    %dma_wait3A_32 = arith.constant 0 : i32
    %dma_wait3A_33 = arith.constant 0 : i32
    %dma_wait3A_34 = tpu.memref_slice %arg8[%dma_wait3A_32, %dma_wait3A_33] : memref<10240x128xf32, #tpu.memory_space<vmem_shared>> -> memref<10240x128xf32, #tpu.memory_space<vmem_shared>>
    tpu.wait_indirect_dma semaphore(%arg15 : memref<!tpu.dma_semaphore, #tpu.memory_space<semaphore_mem>>) src(%dma_wait3A_28 : memref<80x128xf32, #tpu.memory_space<vmem>>) dst(%dma_wait3A_34 : memref<10240x128xf32, #tpu.memory_space<vmem_shared>>)
    %dma_wait3A_35 = arith.constant 0 : i32
    %dma_wait3A_36 = arith.constant 124 : i32
    %dma_wait3A_37 = arith.constant 0 : i32
    %dma_wait3A_38 = arith.constant 0 : i32
    %dma_wait3A_39 = tpu.memref_slice %arg11[%dma_wait3A_35, %dma_wait3A_37, %dma_wait3A_38] : memref<2x80x128xf32, #tpu.memory_space<vmem>> -> memref<1x80x128xf32, #tpu.memory_space<vmem>>
    %dma_wait3A_40 = tpu.memref_squeeze %dma_wait3A_39 : memref<1x80x128xf32, #tpu.memory_space<vmem>> -> memref<80x128xf32, #tpu.memory_space<vmem>>
    %dma_wait3A_41 = arith.constant 0 : i32
    %dma_wait3A_42 = tpu.memref_slice %arg10[%dma_wait3A_36, %dma_wait3A_41] : memref<125x80xi32, #tpu.memory_space<vmem>> -> memref<1x80xi32, #tpu.memory_space<vmem>>
    %dma_wait3A_43 = tpu.memref_squeeze %dma_wait3A_42 : memref<1x80xi32, #tpu.memory_space<vmem>> -> memref<80xi32, #tpu.memory_space<vmem>>
    %dma_wait3A_44 = arith.constant 0 : i32
    %dma_wait3A_45 = arith.constant 0 : i32
    %dma_wait3A_46 = tpu.memref_slice %arg8[%dma_wait3A_44, %dma_wait3A_45] : memref<10240x128xf32, #tpu.memory_space<vmem_shared>> -> memref<10240x128xf32, #tpu.memory_space<vmem_shared>>
    tpu.wait_indirect_dma semaphore(%arg14 : memref<!tpu.dma_semaphore, #tpu.memory_space<semaphore_mem>>) src(%dma_wait3A_40 : memref<80x128xf32, #tpu.memory_space<vmem>>) dst(%dma_wait3A_46 : memref<10240x128xf32, #tpu.memory_space<vmem_shared>>)
    %barrier3A_47 = arith.constant 0 : index
    tpu.barrier barrier_id(%barrier3A_47)
    %eq3A_48 = arith.constant 0 : i32
    %eq3A_49 = arith.cmpi eq, %arg0, %eq3A_48 : i32
    %convert_element_type3A_50 = arith.extui %eq3A_49 : i1 to i32
    %cond3A_51 = arith.constant 0 : i32
    %cond3A_52 = arith.cmpi ne, %convert_element_type3A_50, %cond3A_51 : i32
    scf.if %cond3A_52 {
      %mul3A_58 = arith.constant 640 : i32
      %mul3A_59 = arith.muli %arg1, %mul3A_58 : i32
      %mul3A_60 = arith.constant 640 : i32
      %mul3A_61 = arith.muli %arg1, %mul3A_60 : i32
      "tpu.region"() ({
        %run_scoped3A = tpu.sem_alloc : memref<!tpu.dma_semaphore, #tpu.memory_space<semaphore_mem>>
        %dma_start3A_62 = arith.constant 0 : i32
        %dma_start3A_63 = tpu.memref_slice %arg6[%mul3A_61, %dma_start3A_62] : memref<10240x128xf32, #tpu.memory_space<hbm>> -> memref<640x128xf32, #tpu.memory_space<hbm>>
        %dma_start3A_64 = arith.constant 0 : i32
        %dma_start3A_65 = tpu.memref_slice %arg8[%mul3A_59, %dma_start3A_64] : memref<10240x128xf32, #tpu.memory_space<vmem_shared>> -> memref<640x128xf32, #tpu.memory_space<vmem_shared>>
        tpu.enqueue_dma source(%dma_start3A_65 : memref<640x128xf32, #tpu.memory_space<vmem_shared>>) target(%dma_start3A_63 : memref<640x128xf32, #tpu.memory_space<hbm>>) target_semaphore(%run_scoped3A : memref<!tpu.dma_semaphore, #tpu.memory_space<semaphore_mem>>)
        %dma_wait3A_66 = arith.constant 0 : i32
        %dma_wait3A_67 = tpu.memref_slice %arg6[%mul3A_61, %dma_wait3A_66] : memref<10240x128xf32, #tpu.memory_space<hbm>> -> memref<640x128xf32, #tpu.memory_space<hbm>>
        %dma_wait3A_68 = arith.constant 0 : i32
        %dma_wait3A_69 = tpu.memref_slice %arg8[%mul3A_59, %dma_wait3A_68] : memref<10240x128xf32, #tpu.memory_space<vmem_shared>> -> memref<640x128xf32, #tpu.memory_space<vmem_shared>>
        tpu.wait_dma2 semaphore(%run_scoped3A : memref<!tpu.dma_semaphore, #tpu.memory_space<semaphore_mem>>) src(%dma_wait3A_69 : memref<640x128xf32, #tpu.memory_space<vmem_shared>>) dst(%dma_wait3A_67 : memref<640x128xf32, #tpu.memory_space<hbm>>)
        tpu.yield
      }) : () -> ()
    } else {
    }
    %eq3A_53 = arith.constant 1 : i32
    %eq3A_54 = arith.cmpi eq, %arg0, %eq3A_53 : i32
    %convert_element_type3A_55 = arith.extui %eq3A_54 : i1 to i32
    %cond3A_56 = arith.constant 0 : i32
    %cond3A_57 = arith.cmpi ne, %convert_element_type3A_55, %cond3A_56 : i32
    scf.if %cond3A_57 {
      %mul3A_58 = arith.constant 640 : i32
      %mul3A_59 = arith.muli %arg1, %mul3A_58 : i32
      %mul3A_60 = arith.constant 640 : i32
      %mul3A_61 = arith.muli %arg1, %mul3A_60 : i32
      "tpu.region"() ({
        %run_scoped3A = tpu.sem_alloc : memref<!tpu.dma_semaphore, #tpu.memory_space<semaphore_mem>>
        %dma_start3A_62 = arith.constant 0 : i32
        %dma_start3A_63 = tpu.memref_slice %arg7[%mul3A_61, %dma_start3A_62] : memref<10240x128xf32, #tpu.memory_space<hbm>> -> memref<640x128xf32, #tpu.memory_space<hbm>>
        %dma_start3A_64 = arith.constant 0 : i32
        %dma_start3A_65 = tpu.memref_slice %arg8[%mul3A_59, %dma_start3A_64] : memref<10240x128xf32, #tpu.memory_space<vmem_shared>> -> memref<640x128xf32, #tpu.memory_space<vmem_shared>>
        tpu.enqueue_dma source(%dma_start3A_65 : memref<640x128xf32, #tpu.memory_space<vmem_shared>>) target(%dma_start3A_63 : memref<640x128xf32, #tpu.memory_space<hbm>>) target_semaphore(%run_scoped3A : memref<!tpu.dma_semaphore, #tpu.memory_space<semaphore_mem>>)
        %dma_wait3A_66 = arith.constant 0 : i32
        %dma_wait3A_67 = tpu.memref_slice %arg7[%mul3A_61, %dma_wait3A_66] : memref<10240x128xf32, #tpu.memory_space<hbm>> -> memref<640x128xf32, #tpu.memory_space<hbm>>
        %dma_wait3A_68 = arith.constant 0 : i32
        %dma_wait3A_69 = tpu.memref_slice %arg8[%mul3A_59, %dma_wait3A_68] : memref<10240x128xf32, #tpu.memory_space<vmem_shared>> -> memref<640x128xf32, #tpu.memory_space<vmem_shared>>
        tpu.wait_dma2 semaphore(%run_scoped3A : memref<!tpu.dma_semaphore, #tpu.memory_space<semaphore_mem>>) src(%dma_wait3A_69 : memref<640x128xf32, #tpu.memory_space<vmem_shared>>) dst(%dma_wait3A_67 : memref<640x128xf32, #tpu.memory_space<hbm>>)
        tpu.yield
      }) : () -> ()
    } else {
    }
    return
  }
}

#map = affine_map<(d0, d1) -> (0, 0)>
#map1 = affine_map<(d0, d1) -> (0)>
#map2 = affine_map<(d0, d1) -> (0, 0, 0)>
module attributes {stable_mosaic.version = 14 : i64} {
  func.func @_agg_body(%arg0: i32, %arg1: i32, %arg2: memref<10000x128xf32, #tpu.memory_space<hbm>>, %arg3: memref<320000xi32, #tpu.memory_space<hbm>>, %arg4: memref<32x125x80xi32, #tpu.memory_space<hbm>>, %arg5: memref<640x128xf32, #tpu.memory_space<hbm>>, %arg6: memref<10240x128xf32, #tpu.memory_space<hbm>>, %arg7: memref<10240x128xf32, #tpu.memory_space<hbm>>, %arg8: memref<10240x128xf32, #tpu.memory_space<vmem_shared>>, %arg9: memref<10000xi32, #tpu.memory_space<vmem>>, %arg10: memref<125x80xi32, #tpu.memory_space<vmem>>, %arg11: memref<2x80x128xf32, #tpu.memory_space<vmem>>, %arg12: memref<!tpu.dma_semaphore, #tpu.memory_space<semaphore_mem>>, %arg13: memref<!tpu.dma_semaphore, #tpu.memory_space<semaphore_mem>>, %arg14: memref<!tpu.dma_semaphore, #tpu.memory_space<semaphore_mem>>, %arg15: memref<!tpu.dma_semaphore, #tpu.memory_space<semaphore_mem>>) attributes {dimension_semantics = [#tpu.dimension_semantics<core_parallel>, #tpu.dimension_semantics<subcore_parallel>], iteration_bounds = array<i64: 2, 16>, scalar_prefetch = 0 : i64, scratch_operands = 8 : i64, tpu.core_type = #tpu.core_type<sc_vector_subcore>, window_params = [{transform_indices = #map}, {transform_indices = #map1}, {transform_indices = #map2}, {transform_indices = #map}, {transform_indices = #map}, {transform_indices = #map}]} {
    %mul3A = arith.constant 16 : i32
    %mul3A_0 = arith.muli %arg0, %mul3A : i32
    %add3A = arith.addi %mul3A_0, %arg1 : i32
    %eq3A = arith.constant 0 : i32
    %eq3A_1 = arith.cmpi eq, %arg0, %eq3A : i32
    %convert_element_type3A = arith.extui %eq3A_1 : i1 to i32
    %cond3A = arith.constant 0 : i32
    %cond3A_2 = arith.cmpi ne, %convert_element_type3A, %cond3A : i32
    scf.if %cond3A_2 {
      %lt3A = arith.constant 15 : i32
      %lt3A_58 = arith.cmpi slt, %arg1, %lt3A : i32
      %convert_element_type3A_59 = arith.extui %lt3A_58 : i1 to i32
      %cond3A_60 = arith.constant 0 : i32
      %cond3A_61 = arith.cmpi ne, %convert_element_type3A_59, %cond3A_60 : i32
      scf.if %cond3A_61 {
        %mul3A_67 = arith.constant 640 : i32
        %mul3A_68 = arith.muli %arg1, %mul3A_67 : i32
        %mul3A_69 = arith.constant 640 : i32
        %mul3A_70 = arith.muli %arg1, %mul3A_69 : i32
        "tpu.region"() ({
          %run_scoped3A = tpu.sem_alloc : memref<!tpu.dma_semaphore, #tpu.memory_space<semaphore_mem>>
          %dma_start3A_71 = arith.constant 0 : i32
          %dma_start3A_72 = tpu.memref_slice %arg8[%mul3A_70, %dma_start3A_71] : memref<10240x128xf32, #tpu.memory_space<vmem_shared>> -> memref<640x128xf32, #tpu.memory_space<vmem_shared>>
          %dma_start3A_73 = arith.constant 0 : i32
          %dma_start3A_74 = tpu.memref_slice %arg2[%mul3A_68, %dma_start3A_73] : memref<10000x128xf32, #tpu.memory_space<hbm>> -> memref<640x128xf32, #tpu.memory_space<hbm>>
          tpu.enqueue_dma source(%dma_start3A_74 : memref<640x128xf32, #tpu.memory_space<hbm>>) target(%dma_start3A_72 : memref<640x128xf32, #tpu.memory_space<vmem_shared>>) target_semaphore(%run_scoped3A : memref<!tpu.dma_semaphore, #tpu.memory_space<semaphore_mem>>)
          %dma_wait3A_75 = arith.constant 0 : i32
          %dma_wait3A_76 = tpu.memref_slice %arg8[%mul3A_70, %dma_wait3A_75] : memref<10240x128xf32, #tpu.memory_space<vmem_shared>> -> memref<640x128xf32, #tpu.memory_space<vmem_shared>>
          %dma_wait3A_77 = arith.constant 0 : i32
          %dma_wait3A_78 = tpu.memref_slice %arg2[%mul3A_68, %dma_wait3A_77] : memref<10000x128xf32, #tpu.memory_space<hbm>> -> memref<640x128xf32, #tpu.memory_space<hbm>>
          tpu.wait_dma2 semaphore(%run_scoped3A : memref<!tpu.dma_semaphore, #tpu.memory_space<semaphore_mem>>) src(%dma_wait3A_78 : memref<640x128xf32, #tpu.memory_space<hbm>>) dst(%dma_wait3A_76 : memref<640x128xf32, #tpu.memory_space<vmem_shared>>)
          tpu.yield
        }) : () -> ()
      } else {
      }
      %eq3A_62 = arith.constant 15 : i32
      %eq3A_63 = arith.cmpi eq, %arg1, %eq3A_62 : i32
      %convert_element_type3A_64 = arith.extui %eq3A_63 : i1 to i32
      %cond3A_65 = arith.constant 0 : i32
      %cond3A_66 = arith.cmpi ne, %convert_element_type3A_64, %cond3A_65 : i32
      scf.if %cond3A_66 {
        %mul3A_67 = arith.constant 640 : i32
        %mul3A_68 = arith.muli %arg1, %mul3A_67 : i32
        %mul3A_69 = arith.constant 640 : i32
        %mul3A_70 = arith.muli %arg1, %mul3A_69 : i32
        "tpu.region"() ({
          %run_scoped3A = tpu.sem_alloc : memref<!tpu.dma_semaphore, #tpu.memory_space<semaphore_mem>>
          %dma_start3A_71 = arith.constant 0 : i32
          %dma_start3A_72 = tpu.memref_slice %arg8[%mul3A_70, %dma_start3A_71] : memref<10240x128xf32, #tpu.memory_space<vmem_shared>> -> memref<400x128xf32, #tpu.memory_space<vmem_shared>>
          %dma_start3A_73 = arith.constant 0 : i32
          %dma_start3A_74 = tpu.memref_slice %arg2[%mul3A_68, %dma_start3A_73] : memref<10000x128xf32, #tpu.memory_space<hbm>> -> memref<400x128xf32, #tpu.memory_space<hbm>>
          tpu.enqueue_dma source(%dma_start3A_74 : memref<400x128xf32, #tpu.memory_space<hbm>>) target(%dma_start3A_72 : memref<400x128xf32, #tpu.memory_space<vmem_shared>>) target_semaphore(%run_scoped3A : memref<!tpu.dma_semaphore, #tpu.memory_space<semaphore_mem>>)
          %dma_wait3A_75 = arith.constant 0 : i32
          %dma_wait3A_76 = tpu.memref_slice %arg8[%mul3A_70, %dma_wait3A_75] : memref<10240x128xf32, #tpu.memory_space<vmem_shared>> -> memref<400x128xf32, #tpu.memory_space<vmem_shared>>
          %dma_wait3A_77 = arith.constant 0 : i32
          %dma_wait3A_78 = tpu.memref_slice %arg2[%mul3A_68, %dma_wait3A_77] : memref<10000x128xf32, #tpu.memory_space<hbm>> -> memref<400x128xf32, #tpu.memory_space<hbm>>
          tpu.wait_dma2 semaphore(%run_scoped3A : memref<!tpu.dma_semaphore, #tpu.memory_space<semaphore_mem>>) src(%dma_wait3A_78 : memref<400x128xf32, #tpu.memory_space<hbm>>) dst(%dma_wait3A_76 : memref<400x128xf32, #tpu.memory_space<vmem_shared>>)
          tpu.yield
        }) : () -> ()
        "tpu.region"() ({
          %run_scoped3A = tpu.sem_alloc : memref<!tpu.dma_semaphore, #tpu.memory_space<semaphore_mem>>
          %dma_start3A_71 = arith.constant 10000 : i32
          %dma_start3A_72 = arith.constant 0 : i32
          %dma_start3A_73 = tpu.memref_slice %arg8[%dma_start3A_71, %dma_start3A_72] : memref<10240x128xf32, #tpu.memory_space<vmem_shared>> -> memref<240x128xf32, #tpu.memory_space<vmem_shared>>
          %dma_start3A_74 = arith.constant 0 : i32
          %dma_start3A_75 = arith.constant 0 : i32
          %dma_start3A_76 = tpu.memref_slice %arg5[%dma_start3A_74, %dma_start3A_75] : memref<640x128xf32, #tpu.memory_space<hbm>> -> memref<240x128xf32, #tpu.memory_space<hbm>>
          tpu.enqueue_dma source(%dma_start3A_76 : memref<240x128xf32, #tpu.memory_space<hbm>>) target(%dma_start3A_73 : memref<240x128xf32, #tpu.memory_space<vmem_shared>>) target_semaphore(%run_scoped3A : memref<!tpu.dma_semaphore, #tpu.memory_space<semaphore_mem>>)
          %dma_wait3A_77 = arith.constant 10000 : i32
          %dma_wait3A_78 = arith.constant 0 : i32
          %dma_wait3A_79 = tpu.memref_slice %arg8[%dma_wait3A_77, %dma_wait3A_78] : memref<10240x128xf32, #tpu.memory_space<vmem_shared>> -> memref<240x128xf32, #tpu.memory_space<vmem_shared>>
          %dma_wait3A_80 = arith.constant 0 : i32
          %dma_wait3A_81 = arith.constant 0 : i32
          %dma_wait3A_82 = tpu.memref_slice %arg5[%dma_wait3A_80, %dma_wait3A_81] : memref<640x128xf32, #tpu.memory_space<hbm>> -> memref<240x128xf32, #tpu.memory_space<hbm>>
          tpu.wait_dma2 semaphore(%run_scoped3A : memref<!tpu.dma_semaphore, #tpu.memory_space<semaphore_mem>>) src(%dma_wait3A_82 : memref<240x128xf32, #tpu.memory_space<hbm>>) dst(%dma_wait3A_79 : memref<240x128xf32, #tpu.memory_space<vmem_shared>>)
          tpu.yield
        }) : () -> ()
      } else {
      }
    } else {
    }
    %eq3A_3 = arith.constant 1 : i32
    %eq3A_4 = arith.cmpi eq, %arg0, %eq3A_3 : i32
    %convert_element_type3A_5 = arith.extui %eq3A_4 : i1 to i32
    %cond3A_6 = arith.constant 0 : i32
    %cond3A_7 = arith.cmpi ne, %convert_element_type3A_5, %cond3A_6 : i32
    scf.if %cond3A_7 {
      %mul3A_58 = arith.constant 640 : i32
      %mul3A_59 = arith.muli %arg1, %mul3A_58 : i32
      "tpu.region"() ({
        %run_scoped3A = tpu.sem_alloc : memref<!tpu.dma_semaphore, #tpu.memory_space<semaphore_mem>>
        %dma_start3A_60 = arith.constant 0 : i32
        %dma_start3A_61 = tpu.memref_slice %arg8[%mul3A_59, %dma_start3A_60] : memref<10240x128xf32, #tpu.memory_space<vmem_shared>> -> memref<640x128xf32, #tpu.memory_space<vmem_shared>>
        tpu.enqueue_dma source(%arg5 : memref<640x128xf32, #tpu.memory_space<hbm>>) target(%dma_start3A_61 : memref<640x128xf32, #tpu.memory_space<vmem_shared>>) target_semaphore(%run_scoped3A : memref<!tpu.dma_semaphore, #tpu.memory_space<semaphore_mem>>)
        %dma_wait3A_62 = arith.constant 0 : i32
        %dma_wait3A_63 = tpu.memref_slice %arg8[%mul3A_59, %dma_wait3A_62] : memref<10240x128xf32, #tpu.memory_space<vmem_shared>> -> memref<640x128xf32, #tpu.memory_space<vmem_shared>>
        tpu.wait_dma2 semaphore(%run_scoped3A : memref<!tpu.dma_semaphore, #tpu.memory_space<semaphore_mem>>) src(%arg5 : memref<640x128xf32, #tpu.memory_space<hbm>>) dst(%dma_wait3A_63 : memref<640x128xf32, #tpu.memory_space<vmem_shared>>)
        tpu.yield
      }) : () -> ()
    } else {
    }
    %mul3A_8 = arith.constant 10000 : i32
    %mul3A_9 = arith.muli %add3A, %mul3A_8 : i32
    "tpu.region"() ({
      %run_scoped3A = tpu.sem_alloc : memref<!tpu.dma_semaphore, #tpu.memory_space<semaphore_mem>>
      %dma_start3A_58 = tpu.memref_slice %arg3[%mul3A_9] : memref<320000xi32, #tpu.memory_space<hbm>> -> memref<10000xi32, #tpu.memory_space<hbm>>
      %dma_start3A_59 = tpu.memref_slice %arg3[%mul3A_9] : memref<320000xi32, #tpu.memory_space<hbm>> -> memref<10000xi32, #tpu.memory_space<hbm>>
      tpu.enqueue_dma source(%dma_start3A_59 : memref<10000xi32, #tpu.memory_space<hbm>>) target(%arg9 : memref<10000xi32, #tpu.memory_space<vmem>>) target_semaphore(%run_scoped3A : memref<!tpu.dma_semaphore, #tpu.memory_space<semaphore_mem>>)
      %dma_wait3A_60 = tpu.memref_slice %arg3[%mul3A_9] : memref<320000xi32, #tpu.memory_space<hbm>> -> memref<10000xi32, #tpu.memory_space<hbm>>
      %dma_wait3A_61 = tpu.memref_slice %arg3[%mul3A_9] : memref<320000xi32, #tpu.memory_space<hbm>> -> memref<10000xi32, #tpu.memory_space<hbm>>
      tpu.wait_dma2 semaphore(%run_scoped3A : memref<!tpu.dma_semaphore, #tpu.memory_space<semaphore_mem>>) src(%dma_wait3A_61 : memref<10000xi32, #tpu.memory_space<hbm>>) dst(%arg9 : memref<10000xi32, #tpu.memory_space<vmem>>)
      tpu.yield
    }) : () -> ()
    "tpu.region"() ({
      %run_scoped3A = tpu.sem_alloc : memref<!tpu.dma_semaphore, #tpu.memory_space<semaphore_mem>>
      %dma_start3A_58 = arith.constant 0 : i32
      %dma_start3A_59 = arith.constant 0 : i32
      %dma_start3A_60 = tpu.memref_slice %arg4[%add3A, %dma_start3A_58, %dma_start3A_59] : memref<32x125x80xi32, #tpu.memory_space<hbm>> -> memref<1x125x80xi32, #tpu.memory_space<hbm>>
      %dma_start3A_61 = tpu.memref_squeeze %dma_start3A_60 : memref<1x125x80xi32, #tpu.memory_space<hbm>> -> memref<125x80xi32, #tpu.memory_space<hbm>>
      %dma_start3A_62 = arith.constant 0 : i32
      %dma_start3A_63 = arith.constant 0 : i32
      %dma_start3A_64 = tpu.memref_slice %arg4[%add3A, %dma_start3A_62, %dma_start3A_63] : memref<32x125x80xi32, #tpu.memory_space<hbm>> -> memref<1x125x80xi32, #tpu.memory_space<hbm>>
      %dma_start3A_65 = tpu.memref_squeeze %dma_start3A_64 : memref<1x125x80xi32, #tpu.memory_space<hbm>> -> memref<125x80xi32, #tpu.memory_space<hbm>>
      tpu.enqueue_dma source(%dma_start3A_65 : memref<125x80xi32, #tpu.memory_space<hbm>>) target(%arg10 : memref<125x80xi32, #tpu.memory_space<vmem>>) target_semaphore(%run_scoped3A : memref<!tpu.dma_semaphore, #tpu.memory_space<semaphore_mem>>)
      %dma_wait3A_66 = arith.constant 0 : i32
      %dma_wait3A_67 = arith.constant 0 : i32
      %dma_wait3A_68 = tpu.memref_slice %arg4[%add3A, %dma_wait3A_66, %dma_wait3A_67] : memref<32x125x80xi32, #tpu.memory_space<hbm>> -> memref<1x125x80xi32, #tpu.memory_space<hbm>>
      %dma_wait3A_69 = tpu.memref_squeeze %dma_wait3A_68 : memref<1x125x80xi32, #tpu.memory_space<hbm>> -> memref<125x80xi32, #tpu.memory_space<hbm>>
      %dma_wait3A_70 = arith.constant 0 : i32
      %dma_wait3A_71 = arith.constant 0 : i32
      %dma_wait3A_72 = tpu.memref_slice %arg4[%add3A, %dma_wait3A_70, %dma_wait3A_71] : memref<32x125x80xi32, #tpu.memory_space<hbm>> -> memref<1x125x80xi32, #tpu.memory_space<hbm>>
      %dma_wait3A_73 = tpu.memref_squeeze %dma_wait3A_72 : memref<1x125x80xi32, #tpu.memory_space<hbm>> -> memref<125x80xi32, #tpu.memory_space<hbm>>
      tpu.wait_dma2 semaphore(%run_scoped3A : memref<!tpu.dma_semaphore, #tpu.memory_space<semaphore_mem>>) src(%dma_wait3A_73 : memref<125x80xi32, #tpu.memory_space<hbm>>) dst(%arg10 : memref<125x80xi32, #tpu.memory_space<vmem>>)
      tpu.yield
    }) : () -> ()
    %barrier3A = arith.constant 0 : index
    tpu.barrier barrier_id(%barrier3A)
    %dma_start3A = arith.constant 0 : i32
    %dma_start3A_10 = arith.constant 0 : i32
    %dma_start3A_11 = arith.constant 0 : i32
    %dma_start3A_12 = tpu.memref_slice %arg11[%dma_start3A, %dma_start3A_10, %dma_start3A_11] : memref<2x80x128xf32, #tpu.memory_space<vmem>> -> memref<1x80x128xf32, #tpu.memory_space<vmem>>
    %dma_start3A_13 = tpu.memref_squeeze %dma_start3A_12 : memref<1x80x128xf32, #tpu.memory_space<vmem>> -> memref<80x128xf32, #tpu.memory_space<vmem>>
    %dma_start3A_14 = arith.constant 0 : i32
    %dma_start3A_15 = tpu.memref_slice %arg9[%dma_start3A_14] : memref<10000xi32, #tpu.memory_space<vmem>> -> memref<80xi32, #tpu.memory_space<vmem>>
    %dma_start3A_16 = arith.constant 0 : i32
    %dma_start3A_17 = arith.constant 0 : i32
    %dma_start3A_18 = tpu.memref_slice %arg2[%dma_start3A_16, %dma_start3A_17] : memref<10000x128xf32, #tpu.memory_space<hbm>> -> memref<10000x128xf32, #tpu.memory_space<hbm>>
    tpu.enqueue_indirect_dma source(%dma_start3A_18 : memref<10000x128xf32, #tpu.memory_space<hbm>>) target(%dma_start3A_13 : memref<80x128xf32, #tpu.memory_space<vmem>>) offsets(%dma_start3A_15 : memref<80xi32, #tpu.memory_space<vmem>>) semaphore(%arg12 : memref<!tpu.dma_semaphore, #tpu.memory_space<semaphore_mem>>)
    %scan3A = arith.constant 0 : i32
    %scan3A_19 = arith.constant 0 : i32
    %scan3A_20 = arith.constant 63 : i32
    %scan3A_21 = arith.addi %scan3A_19, %scan3A_20 : i32
    %scan3A_22 = arith.constant 1 : i32
    scf.for %scan3A_58 = %scan3A_19 to %scan3A_21 step %scan3A_22  : i32 {
      %mul3A_59 = arith.constant 2 : i32
      %mul3A_60 = arith.muli %scan3A_58, %mul3A_59 : i32
      %add3A_61 = arith.constant 0 : i32
      %add3A_62 = arith.addi %mul3A_60, %add3A_61 : i32
      %add3A_63 = arith.constant 1 : i32
      %add3A_64 = arith.addi %add3A_62, %add3A_63 : i32
      %lt3A = arith.constant 125 : i32
      %lt3A_65 = arith.cmpi slt, %add3A_64, %lt3A : i32
      %convert_element_type3A_66 = arith.extui %lt3A_65 : i1 to i32
      %cond3A_67 = arith.constant 0 : i32
      %cond3A_68 = arith.cmpi ne, %convert_element_type3A_66, %cond3A_67 : i32
      scf.if %cond3A_68 {
        %ge3A = arith.constant 2 : i32
        %ge3A_90 = arith.cmpi sge, %add3A_64, %ge3A : i32
        %convert_element_type3A_91 = arith.extui %ge3A_90 : i1 to i32
        %cond3A_92 = arith.constant 0 : i32
        %cond3A_93 = arith.cmpi ne, %convert_element_type3A_91, %cond3A_92 : i32
        scf.if %cond3A_93 {
          %sub3A = arith.constant 2 : i32
          %sub3A_105 = arith.subi %add3A_64, %sub3A : i32
          %dma_wait3A_106 = arith.constant 1 : i32
          %dma_wait3A_107 = arith.constant 0 : i32
          %dma_wait3A_108 = arith.constant 0 : i32
          %dma_wait3A_109 = tpu.memref_slice %arg11[%dma_wait3A_106, %dma_wait3A_107, %dma_wait3A_108] : memref<2x80x128xf32, #tpu.memory_space<vmem>> -> memref<1x80x128xf32, #tpu.memory_space<vmem>>
          %dma_wait3A_110 = tpu.memref_squeeze %dma_wait3A_109 : memref<1x80x128xf32, #tpu.memory_space<vmem>> -> memref<80x128xf32, #tpu.memory_space<vmem>>
          %dma_wait3A_111 = arith.constant 0 : i32
          %dma_wait3A_112 = tpu.memref_slice %arg10[%sub3A_105, %dma_wait3A_111] : memref<125x80xi32, #tpu.memory_space<vmem>> -> memref<1x80xi32, #tpu.memory_space<vmem>>
          %dma_wait3A_113 = tpu.memref_squeeze %dma_wait3A_112 : memref<1x80xi32, #tpu.memory_space<vmem>> -> memref<80xi32, #tpu.memory_space<vmem>>
          %dma_wait3A_114 = arith.constant 0 : i32
          %dma_wait3A_115 = arith.constant 0 : i32
          %dma_wait3A_116 = tpu.memref_slice %arg8[%dma_wait3A_114, %dma_wait3A_115] : memref<10240x128xf32, #tpu.memory_space<vmem_shared>> -> memref<10240x128xf32, #tpu.memory_space<vmem_shared>>
          tpu.wait_indirect_dma semaphore(%arg15 : memref<!tpu.dma_semaphore, #tpu.memory_space<semaphore_mem>>) src(%dma_wait3A_110 : memref<80x128xf32, #tpu.memory_space<vmem>>) dst(%dma_wait3A_116 : memref<10240x128xf32, #tpu.memory_space<vmem_shared>>)
        } else {
        }
        %mul3A_94 = arith.constant 80 : i32
        %mul3A_95 = arith.muli %add3A_64, %mul3A_94 : i32
        %dma_start3A_96 = arith.constant 1 : i32
        %dma_start3A_97 = arith.constant 0 : i32
        %dma_start3A_98 = arith.constant 0 : i32
        %dma_start3A_99 = tpu.memref_slice %arg11[%dma_start3A_96, %dma_start3A_97, %dma_start3A_98] : memref<2x80x128xf32, #tpu.memory_space<vmem>> -> memref<1x80x128xf32, #tpu.memory_space<vmem>>
        %dma_start3A_100 = tpu.memref_squeeze %dma_start3A_99 : memref<1x80x128xf32, #tpu.memory_space<vmem>> -> memref<80x128xf32, #tpu.memory_space<vmem>>
        %dma_start3A_101 = tpu.memref_slice %arg9[%mul3A_95] : memref<10000xi32, #tpu.memory_space<vmem>> -> memref<80xi32, #tpu.memory_space<vmem>>
        %dma_start3A_102 = arith.constant 0 : i32
        %dma_start3A_103 = arith.constant 0 : i32
        %dma_start3A_104 = tpu.memref_slice %arg2[%dma_start3A_102, %dma_start3A_103] : memref<10000x128xf32, #tpu.memory_space<hbm>> -> memref<10000x128xf32, #tpu.memory_space<hbm>>
        tpu.enqueue_indirect_dma source(%dma_start3A_104 : memref<10000x128xf32, #tpu.memory_space<hbm>>) target(%dma_start3A_100 : memref<80x128xf32, #tpu.memory_space<vmem>>) offsets(%dma_start3A_101 : memref<80xi32, #tpu.memory_space<vmem>>) semaphore(%arg13 : memref<!tpu.dma_semaphore, #tpu.memory_space<semaphore_mem>>)
      } else {
      }
      %lt3A_69 = arith.constant 125 : i32
      %lt3A_70 = arith.cmpi slt, %add3A_62, %lt3A_69 : i32
      %convert_element_type3A_71 = arith.extui %lt3A_70 : i1 to i32
      %cond3A_72 = arith.constant 0 : i32
      %cond3A_73 = arith.cmpi ne, %convert_element_type3A_71, %cond3A_72 : i32
      scf.if %cond3A_73 {
        %mul3A_90 = arith.constant 80 : i32
        %mul3A_91 = arith.muli %add3A_62, %mul3A_90 : i32
        %dma_wait3A_92 = arith.constant 0 : i32
        %dma_wait3A_93 = arith.constant 0 : i32
        %dma_wait3A_94 = arith.constant 0 : i32
        %dma_wait3A_95 = tpu.memref_slice %arg11[%dma_wait3A_92, %dma_wait3A_93, %dma_wait3A_94] : memref<2x80x128xf32, #tpu.memory_space<vmem>> -> memref<1x80x128xf32, #tpu.memory_space<vmem>>
        %dma_wait3A_96 = tpu.memref_squeeze %dma_wait3A_95 : memref<1x80x128xf32, #tpu.memory_space<vmem>> -> memref<80x128xf32, #tpu.memory_space<vmem>>
        %dma_wait3A_97 = tpu.memref_slice %arg9[%mul3A_91] : memref<10000xi32, #tpu.memory_space<vmem>> -> memref<80xi32, #tpu.memory_space<vmem>>
        %dma_wait3A_98 = arith.constant 0 : i32
        %dma_wait3A_99 = arith.constant 0 : i32
        %dma_wait3A_100 = tpu.memref_slice %arg2[%dma_wait3A_98, %dma_wait3A_99] : memref<10000x128xf32, #tpu.memory_space<hbm>> -> memref<10000x128xf32, #tpu.memory_space<hbm>>
        tpu.wait_indirect_dma semaphore(%arg12 : memref<!tpu.dma_semaphore, #tpu.memory_space<semaphore_mem>>) src(%dma_wait3A_100 : memref<10000x128xf32, #tpu.memory_space<hbm>>) dst(%dma_wait3A_96 : memref<80x128xf32, #tpu.memory_space<vmem>>)
        %dma_start3A_101 = arith.constant 0 : i32
        %dma_start3A_102 = arith.constant 0 : i32
        %dma_start3A_103 = arith.constant 0 : i32
        %dma_start3A_104 = tpu.memref_slice %arg11[%dma_start3A_101, %dma_start3A_102, %dma_start3A_103] : memref<2x80x128xf32, #tpu.memory_space<vmem>> -> memref<1x80x128xf32, #tpu.memory_space<vmem>>
        %dma_start3A_105 = tpu.memref_squeeze %dma_start3A_104 : memref<1x80x128xf32, #tpu.memory_space<vmem>> -> memref<80x128xf32, #tpu.memory_space<vmem>>
        %dma_start3A_106 = arith.constant 0 : i32
        %dma_start3A_107 = tpu.memref_slice %arg10[%add3A_62, %dma_start3A_106] : memref<125x80xi32, #tpu.memory_space<vmem>> -> memref<1x80xi32, #tpu.memory_space<vmem>>
        %dma_start3A_108 = tpu.memref_squeeze %dma_start3A_107 : memref<1x80xi32, #tpu.memory_space<vmem>> -> memref<80xi32, #tpu.memory_space<vmem>>
        %dma_start3A_109 = arith.constant 0 : i32
        %dma_start3A_110 = arith.constant 0 : i32
        %dma_start3A_111 = tpu.memref_slice %arg8[%dma_start3A_109, %dma_start3A_110] : memref<10240x128xf32, #tpu.memory_space<vmem_shared>> -> memref<10240x128xf32, #tpu.memory_space<vmem_shared>>
        tpu.enqueue_indirect_dma source(%dma_start3A_105 : memref<80x128xf32, #tpu.memory_space<vmem>>) target(%dma_start3A_111 : memref<10240x128xf32, #tpu.memory_space<vmem_shared>>) offsets(%dma_start3A_108 : memref<80xi32, #tpu.memory_space<vmem>>) semaphore(%arg14 : memref<!tpu.dma_semaphore, #tpu.memory_space<semaphore_mem>>) {add = true}
      } else {
      }
      %mul3A_74 = arith.constant 2 : i32
      %mul3A_75 = arith.muli %scan3A_58, %mul3A_74 : i32
      %add3A_76 = arith.constant 1 : i32
      %add3A_77 = arith.addi %mul3A_75, %add3A_76 : i32
      %add3A_78 = arith.constant 1 : i32
      %add3A_79 = arith.addi %add3A_77, %add3A_78 : i32
      %lt3A_80 = arith.constant 125 : i32
      %lt3A_81 = arith.cmpi slt, %add3A_79, %lt3A_80 : i32
      %convert_element_type3A_82 = arith.extui %lt3A_81 : i1 to i32
      %cond3A_83 = arith.constant 0 : i32
      %cond3A_84 = arith.cmpi ne, %convert_element_type3A_82, %cond3A_83 : i32
      scf.if %cond3A_84 {
        %ge3A = arith.constant 2 : i32
        %ge3A_90 = arith.cmpi sge, %add3A_79, %ge3A : i32
        %convert_element_type3A_91 = arith.extui %ge3A_90 : i1 to i32
        %cond3A_92 = arith.constant 0 : i32
        %cond3A_93 = arith.cmpi ne, %convert_element_type3A_91, %cond3A_92 : i32
        scf.if %cond3A_93 {
          %sub3A = arith.constant 2 : i32
          %sub3A_105 = arith.subi %add3A_79, %sub3A : i32
          %dma_wait3A_106 = arith.constant 0 : i32
          %dma_wait3A_107 = arith.constant 0 : i32
          %dma_wait3A_108 = arith.constant 0 : i32
          %dma_wait3A_109 = tpu.memref_slice %arg11[%dma_wait3A_106, %dma_wait3A_107, %dma_wait3A_108] : memref<2x80x128xf32, #tpu.memory_space<vmem>> -> memref<1x80x128xf32, #tpu.memory_space<vmem>>
          %dma_wait3A_110 = tpu.memref_squeeze %dma_wait3A_109 : memref<1x80x128xf32, #tpu.memory_space<vmem>> -> memref<80x128xf32, #tpu.memory_space<vmem>>
          %dma_wait3A_111 = arith.constant 0 : i32
          %dma_wait3A_112 = tpu.memref_slice %arg10[%sub3A_105, %dma_wait3A_111] : memref<125x80xi32, #tpu.memory_space<vmem>> -> memref<1x80xi32, #tpu.memory_space<vmem>>
          %dma_wait3A_113 = tpu.memref_squeeze %dma_wait3A_112 : memref<1x80xi32, #tpu.memory_space<vmem>> -> memref<80xi32, #tpu.memory_space<vmem>>
          %dma_wait3A_114 = arith.constant 0 : i32
          %dma_wait3A_115 = arith.constant 0 : i32
          %dma_wait3A_116 = tpu.memref_slice %arg8[%dma_wait3A_114, %dma_wait3A_115] : memref<10240x128xf32, #tpu.memory_space<vmem_shared>> -> memref<10240x128xf32, #tpu.memory_space<vmem_shared>>
          tpu.wait_indirect_dma semaphore(%arg14 : memref<!tpu.dma_semaphore, #tpu.memory_space<semaphore_mem>>) src(%dma_wait3A_110 : memref<80x128xf32, #tpu.memory_space<vmem>>) dst(%dma_wait3A_116 : memref<10240x128xf32, #tpu.memory_space<vmem_shared>>)
        } else {
        }
        %mul3A_94 = arith.constant 80 : i32
        %mul3A_95 = arith.muli %add3A_79, %mul3A_94 : i32
        %dma_start3A_96 = arith.constant 0 : i32
        %dma_start3A_97 = arith.constant 0 : i32
        %dma_start3A_98 = arith.constant 0 : i32
        %dma_start3A_99 = tpu.memref_slice %arg11[%dma_start3A_96, %dma_start3A_97, %dma_start3A_98] : memref<2x80x128xf32, #tpu.memory_space<vmem>> -> memref<1x80x128xf32, #tpu.memory_space<vmem>>
        %dma_start3A_100 = tpu.memref_squeeze %dma_start3A_99 : memref<1x80x128xf32, #tpu.memory_space<vmem>> -> memref<80x128xf32, #tpu.memory_space<vmem>>
        %dma_start3A_101 = tpu.memref_slice %arg9[%mul3A_95] : memref<10000xi32, #tpu.memory_space<vmem>> -> memref<80xi32, #tpu.memory_space<vmem>>
        %dma_start3A_102 = arith.constant 0 : i32
        %dma_start3A_103 = arith.constant 0 : i32
        %dma_start3A_104 = tpu.memref_slice %arg2[%dma_start3A_102, %dma_start3A_103] : memref<10000x128xf32, #tpu.memory_space<hbm>> -> memref<10000x128xf32, #tpu.memory_space<hbm>>
        tpu.enqueue_indirect_dma source(%dma_start3A_104 : memref<10000x128xf32, #tpu.memory_space<hbm>>) target(%dma_start3A_100 : memref<80x128xf32, #tpu.memory_space<vmem>>) offsets(%dma_start3A_101 : memref<80xi32, #tpu.memory_space<vmem>>) semaphore(%arg12 : memref<!tpu.dma_semaphore, #tpu.memory_space<semaphore_mem>>)
      } else {
      }
      %lt3A_85 = arith.constant 125 : i32
      %lt3A_86 = arith.cmpi slt, %add3A_77, %lt3A_85 : i32
      %convert_element_type3A_87 = arith.extui %lt3A_86 : i1 to i32
      %cond3A_88 = arith.constant 0 : i32
      %cond3A_89 = arith.cmpi ne, %convert_element_type3A_87, %cond3A_88 : i32
      scf.if %cond3A_89 {
        %mul3A_90 = arith.constant 80 : i32
        %mul3A_91 = arith.muli %add3A_77, %mul3A_90 : i32
        %dma_wait3A_92 = arith.constant 1 : i32
        %dma_wait3A_93 = arith.constant 0 : i32
        %dma_wait3A_94 = arith.constant 0 : i32
        %dma_wait3A_95 = tpu.memref_slice %arg11[%dma_wait3A_92, %dma_wait3A_93, %dma_wait3A_94] : memref<2x80x128xf32, #tpu.memory_space<vmem>> -> memref<1x80x128xf32, #tpu.memory_space<vmem>>
        %dma_wait3A_96 = tpu.memref_squeeze %dma_wait3A_95 : memref<1x80x128xf32, #tpu.memory_space<vmem>> -> memref<80x128xf32, #tpu.memory_space<vmem>>
        %dma_wait3A_97 = tpu.memref_slice %arg9[%mul3A_91] : memref<10000xi32, #tpu.memory_space<vmem>> -> memref<80xi32, #tpu.memory_space<vmem>>
        %dma_wait3A_98 = arith.constant 0 : i32
        %dma_wait3A_99 = arith.constant 0 : i32
        %dma_wait3A_100 = tpu.memref_slice %arg2[%dma_wait3A_98, %dma_wait3A_99] : memref<10000x128xf32, #tpu.memory_space<hbm>> -> memref<10000x128xf32, #tpu.memory_space<hbm>>
        tpu.wait_indirect_dma semaphore(%arg13 : memref<!tpu.dma_semaphore, #tpu.memory_space<semaphore_mem>>) src(%dma_wait3A_100 : memref<10000x128xf32, #tpu.memory_space<hbm>>) dst(%dma_wait3A_96 : memref<80x128xf32, #tpu.memory_space<vmem>>)
        %dma_start3A_101 = arith.constant 1 : i32
        %dma_start3A_102 = arith.constant 0 : i32
        %dma_start3A_103 = arith.constant 0 : i32
        %dma_start3A_104 = tpu.memref_slice %arg11[%dma_start3A_101, %dma_start3A_102, %dma_start3A_103] : memref<2x80x128xf32, #tpu.memory_space<vmem>> -> memref<1x80x128xf32, #tpu.memory_space<vmem>>
        %dma_start3A_105 = tpu.memref_squeeze %dma_start3A_104 : memref<1x80x128xf32, #tpu.memory_space<vmem>> -> memref<80x128xf32, #tpu.memory_space<vmem>>
        %dma_start3A_106 = arith.constant 0 : i32
        %dma_start3A_107 = tpu.memref_slice %arg10[%add3A_77, %dma_start3A_106] : memref<125x80xi32, #tpu.memory_space<vmem>> -> memref<1x80xi32, #tpu.memory_space<vmem>>
        %dma_start3A_108 = tpu.memref_squeeze %dma_start3A_107 : memref<1x80xi32, #tpu.memory_space<vmem>> -> memref<80xi32, #tpu.memory_space<vmem>>
        %dma_start3A_109 = arith.constant 0 : i32
        %dma_start3A_110 = arith.constant 0 : i32
        %dma_start3A_111 = tpu.memref_slice %arg8[%dma_start3A_109, %dma_start3A_110] : memref<10240x128xf32, #tpu.memory_space<vmem_shared>> -> memref<10240x128xf32, #tpu.memory_space<vmem_shared>>
        tpu.enqueue_indirect_dma source(%dma_start3A_105 : memref<80x128xf32, #tpu.memory_space<vmem>>) target(%dma_start3A_111 : memref<10240x128xf32, #tpu.memory_space<vmem_shared>>) offsets(%dma_start3A_108 : memref<80xi32, #tpu.memory_space<vmem>>) semaphore(%arg15 : memref<!tpu.dma_semaphore, #tpu.memory_space<semaphore_mem>>) {add = true}
      } else {
      }
    }
    %scan3A_23 = arith.constant 63 : i32
    %dma_wait3A = arith.constant 1 : i32
    %dma_wait3A_24 = arith.constant 123 : i32
    %dma_wait3A_25 = arith.constant 0 : i32
    %dma_wait3A_26 = arith.constant 0 : i32
    %dma_wait3A_27 = tpu.memref_slice %arg11[%dma_wait3A, %dma_wait3A_25, %dma_wait3A_26] : memref<2x80x128xf32, #tpu.memory_space<vmem>> -> memref<1x80x128xf32, #tpu.memory_space<vmem>>
    %dma_wait3A_28 = tpu.memref_squeeze %dma_wait3A_27 : memref<1x80x128xf32, #tpu.memory_space<vmem>> -> memref<80x128xf32, #tpu.memory_space<vmem>>
    %dma_wait3A_29 = arith.constant 0 : i32
    %dma_wait3A_30 = tpu.memref_slice %arg10[%dma_wait3A_24, %dma_wait3A_29] : memref<125x80xi32, #tpu.memory_space<vmem>> -> memref<1x80xi32, #tpu.memory_space<vmem>>
    %dma_wait3A_31 = tpu.memref_squeeze %dma_wait3A_30 : memref<1x80xi32, #tpu.memory_space<vmem>> -> memref<80xi32, #tpu.memory_space<vmem>>
    %dma_wait3A_32 = arith.constant 0 : i32
    %dma_wait3A_33 = arith.constant 0 : i32
    %dma_wait3A_34 = tpu.memref_slice %arg8[%dma_wait3A_32, %dma_wait3A_33] : memref<10240x128xf32, #tpu.memory_space<vmem_shared>> -> memref<10240x128xf32, #tpu.memory_space<vmem_shared>>
    tpu.wait_indirect_dma semaphore(%arg15 : memref<!tpu.dma_semaphore, #tpu.memory_space<semaphore_mem>>) src(%dma_wait3A_28 : memref<80x128xf32, #tpu.memory_space<vmem>>) dst(%dma_wait3A_34 : memref<10240x128xf32, #tpu.memory_space<vmem_shared>>)
    %dma_wait3A_35 = arith.constant 0 : i32
    %dma_wait3A_36 = arith.constant 124 : i32
    %dma_wait3A_37 = arith.constant 0 : i32
    %dma_wait3A_38 = arith.constant 0 : i32
    %dma_wait3A_39 = tpu.memref_slice %arg11[%dma_wait3A_35, %dma_wait3A_37, %dma_wait3A_38] : memref<2x80x128xf32, #tpu.memory_space<vmem>> -> memref<1x80x128xf32, #tpu.memory_space<vmem>>
    %dma_wait3A_40 = tpu.memref_squeeze %dma_wait3A_39 : memref<1x80x128xf32, #tpu.memory_space<vmem>> -> memref<80x128xf32, #tpu.memory_space<vmem>>
    %dma_wait3A_41 = arith.constant 0 : i32
    %dma_wait3A_42 = tpu.memref_slice %arg10[%dma_wait3A_36, %dma_wait3A_41] : memref<125x80xi32, #tpu.memory_space<vmem>> -> memref<1x80xi32, #tpu.memory_space<vmem>>
    %dma_wait3A_43 = tpu.memref_squeeze %dma_wait3A_42 : memref<1x80xi32, #tpu.memory_space<vmem>> -> memref<80xi32, #tpu.memory_space<vmem>>
    %dma_wait3A_44 = arith.constant 0 : i32
    %dma_wait3A_45 = arith.constant 0 : i32
    %dma_wait3A_46 = tpu.memref_slice %arg8[%dma_wait3A_44, %dma_wait3A_45] : memref<10240x128xf32, #tpu.memory_space<vmem_shared>> -> memref<10240x128xf32, #tpu.memory_space<vmem_shared>>
    tpu.wait_indirect_dma semaphore(%arg14 : memref<!tpu.dma_semaphore, #tpu.memory_space<semaphore_mem>>) src(%dma_wait3A_40 : memref<80x128xf32, #tpu.memory_space<vmem>>) dst(%dma_wait3A_46 : memref<10240x128xf32, #tpu.memory_space<vmem_shared>>)
    %barrier3A_47 = arith.constant 0 : index
    tpu.barrier barrier_id(%barrier3A_47)
    %eq3A_48 = arith.constant 0 : i32
    %eq3A_49 = arith.cmpi eq, %arg0, %eq3A_48 : i32
    %convert_element_type3A_50 = arith.extui %eq3A_49 : i1 to i32
    %cond3A_51 = arith.constant 0 : i32
    %cond3A_52 = arith.cmpi ne, %convert_element_type3A_50, %cond3A_51 : i32
    scf.if %cond3A_52 {
      %mul3A_58 = arith.constant 640 : i32
      %mul3A_59 = arith.muli %arg1, %mul3A_58 : i32
      %mul3A_60 = arith.constant 640 : i32
      %mul3A_61 = arith.muli %arg1, %mul3A_60 : i32
      "tpu.region"() ({
        %run_scoped3A = tpu.sem_alloc : memref<!tpu.dma_semaphore, #tpu.memory_space<semaphore_mem>>
        %dma_start3A_62 = arith.constant 0 : i32
        %dma_start3A_63 = tpu.memref_slice %arg6[%mul3A_61, %dma_start3A_62] : memref<10240x128xf32, #tpu.memory_space<hbm>> -> memref<640x128xf32, #tpu.memory_space<hbm>>
        %dma_start3A_64 = arith.constant 0 : i32
        %dma_start3A_65 = tpu.memref_slice %arg8[%mul3A_59, %dma_start3A_64] : memref<10240x128xf32, #tpu.memory_space<vmem_shared>> -> memref<640x128xf32, #tpu.memory_space<vmem_shared>>
        tpu.enqueue_dma source(%dma_start3A_65 : memref<640x128xf32, #tpu.memory_space<vmem_shared>>) target(%dma_start3A_63 : memref<640x128xf32, #tpu.memory_space<hbm>>) target_semaphore(%run_scoped3A : memref<!tpu.dma_semaphore, #tpu.memory_space<semaphore_mem>>)
        %dma_wait3A_66 = arith.constant 0 : i32
        %dma_wait3A_67 = tpu.memref_slice %arg6[%mul3A_61, %dma_wait3A_66] : memref<10240x128xf32, #tpu.memory_space<hbm>> -> memref<640x128xf32, #tpu.memory_space<hbm>>
        %dma_wait3A_68 = arith.constant 0 : i32
        %dma_wait3A_69 = tpu.memref_slice %arg8[%mul3A_59, %dma_wait3A_68] : memref<10240x128xf32, #tpu.memory_space<vmem_shared>> -> memref<640x128xf32, #tpu.memory_space<vmem_shared>>
        tpu.wait_dma2 semaphore(%run_scoped3A : memref<!tpu.dma_semaphore, #tpu.memory_space<semaphore_mem>>) src(%dma_wait3A_69 : memref<640x128xf32, #tpu.memory_space<vmem_shared>>) dst(%dma_wait3A_67 : memref<640x128xf32, #tpu.memory_space<hbm>>)
        tpu.yield
      }) : () -> ()
    } else {
    }
    %eq3A_53 = arith.constant 1 : i32
    %eq3A_54 = arith.cmpi eq, %arg0, %eq3A_53 : i32
    %convert_element_type3A_55 = arith.extui %eq3A_54 : i1 to i32
    %cond3A_56 = arith.constant 0 : i32
    %cond3A_57 = arith.cmpi ne, %convert_element_type3A_55, %cond3A_56 : i32
    scf.if %cond3A_57 {
      %mul3A_58 = arith.constant 640 : i32
      %mul3A_59 = arith.muli %arg1, %mul3A_58 : i32
      %mul3A_60 = arith.constant 640 : i32
      %mul3A_61 = arith.muli %arg1, %mul3A_60 : i32
      "tpu.region"() ({
        %run_scoped3A = tpu.sem_alloc : memref<!tpu.dma_semaphore, #tpu.memory_space<semaphore_mem>>
        %dma_start3A_62 = arith.constant 0 : i32
        %dma_start3A_63 = tpu.memref_slice %arg7[%mul3A_61, %dma_start3A_62] : memref<10240x128xf32, #tpu.memory_space<hbm>> -> memref<640x128xf32, #tpu.memory_space<hbm>>
        %dma_start3A_64 = arith.constant 0 : i32
        %dma_start3A_65 = tpu.memref_slice %arg8[%mul3A_59, %dma_start3A_64] : memref<10240x128xf32, #tpu.memory_space<vmem_shared>> -> memref<640x128xf32, #tpu.memory_space<vmem_shared>>
        tpu.enqueue_dma source(%dma_start3A_65 : memref<640x128xf32, #tpu.memory_space<vmem_shared>>) target(%dma_start3A_63 : memref<640x128xf32, #tpu.memory_space<hbm>>) target_semaphore(%run_scoped3A : memref<!tpu.dma_semaphore, #tpu.memory_space<semaphore_mem>>)
        %dma_wait3A_66 = arith.constant 0 : i32
        %dma_wait3A_67 = tpu.memref_slice %arg7[%mul3A_61, %dma_wait3A_66] : memref<10240x128xf32, #tpu.memory_space<hbm>> -> memref<640x128xf32, #tpu.memory_space<hbm>>
        %dma_wait3A_68 = arith.constant 0 : i32
        %dma_wait3A_69 = tpu.memref_slice %arg8[%mul3A_59, %dma_wait3A_68] : memref<10240x128xf32, #tpu.memory_space<vmem_shared>> -> memref<640x128xf32, #tpu.memory_space<vmem_shared>>
        tpu.wait_dma2 semaphore(%run_scoped3A : memref<!tpu.dma_semaphore, #tpu.memory_space<semaphore_mem>>) src(%dma_wait3A_69 : memref<640x128xf32, #tpu.memory_space<vmem_shared>>) dst(%dma_wait3A_67 : memref<640x128xf32, #tpu.memory_space<hbm>>)
        tpu.yield
      }) : () -> ()
    } else {
    }
    return
  }
}

module attributes {stable_mosaic.version = 14 : i64} {
  func.func @_k1_body(%arg0: i32, %arg1: memref<1000x128xf32, #tpu.memory_space<vmem>>, %arg2: memref<1000x1xf32, #tpu.memory_space<vmem>>, %arg3: memref<1000x1xf32, #tpu.memory_space<vmem>>, %arg4: memref<128x128xf32, #tpu.memory_space<vmem>>, %arg5: memref<1000x128xf32, #tpu.memory_space<vmem>>, %arg6: memref<1000x1xf32, #tpu.memory_space<vmem>>) attributes {dimension_semantics = [#tpu.dimension_semantics<arbitrary>], iteration_bounds = array<i64: 10>, scalar_prefetch = 0 : i64, scratch_operands = 0 : i64, tpu.core_type = #tpu.core_type<tc>, window_params = [{transform_indices = @transform_0, window_bounds = array<i64: 1000, 128>}, {transform_indices = @transform_1, window_bounds = array<i64: 1000, 1>}, {transform_indices = @transform_2, window_bounds = array<i64: 1000, 1>}, {pipeline_mode = #tpu.pipeline_mode<synchronous>, transform_indices = @transform_3, window_bounds = array<i64: 128, 128>}, {transform_indices = @transform_4, window_bounds = array<i64: 1000, 128>}, {transform_indices = @transform_5, window_bounds = array<i64: 1000, 1>}]} {
    %get3A = arith.constant 0 : index
    %get3A_0 = arith.constant 0 : index
    %get3A_1 = vector.load %arg2[%get3A, %get3A_0] : memref<1000x1xf32, #tpu.memory_space<vmem>>, vector<1000x1xf32>
    %get3A_2 = arith.constant 0 : index
    %get3A_3 = arith.constant 0 : index
    %get3A_4 = vector.load %arg3[%get3A_2, %get3A_3] : memref<1000x1xf32, #tpu.memory_space<vmem>>, vector<1000x1xf32>
    %add3A = arith.addf %get3A_1, %get3A_4 : vector<1000x1xf32>
    %add3A_5 = arith.constant 1.000000e+00 : f32
    %add3A_6 = vector.broadcast %add3A_5 : f32 to vector<1000x1xf32>
    %add3A_7 = arith.addf %add3A, %add3A_6 : vector<1000x1xf32>
    %rsqrt3A = math.rsqrt %add3A_7 : vector<1000x1xf32>
    %get3A_8 = arith.constant 0 : index
    %get3A_9 = arith.constant 0 : index
    %get3A_10 = vector.load %arg1[%get3A_8, %get3A_9] : memref<1000x128xf32, #tpu.memory_space<vmem>>, vector<1000x128xf32>
    %get3A_11 = arith.constant 0 : index
    %get3A_12 = arith.constant 0 : index
    %get3A_13 = vector.load %arg4[%get3A_11, %get3A_12] : memref<128x128xf32, #tpu.memory_space<vmem>>, vector<128x128xf32>
    %dot_general3A = arith.constant dense<0.000000e+00> : vector<1000x128xf32>
    %dot_general3A_14 = tpu.matmul %get3A_10, %get3A_13, %dot_general3A {dimension_numbers = #tpu.dot_dimension_numbers<[1], [0], [0], [1], [0, 0, 1, 1], [], []>, transpose_lhs_hint = false} : vector<1000x128xf32>, vector<128x128xf32>, vector<1000x128xf32> -> vector<1000x128xf32>
    %mul3A = vector.broadcast %rsqrt3A : vector<1000x1xf32> to vector<1000x128xf32>
    %mul3A_15 = arith.mulf %dot_general3A_14, %mul3A : vector<1000x128xf32>
    %swap3A = arith.constant 0 : index
    %swap3A_16 = arith.constant 0 : index
    %swap3A_17 = vector.load %arg5[%swap3A, %swap3A_16] : memref<1000x128xf32, #tpu.memory_space<vmem>>, vector<1000x128xf32>
    tpu.vector_store %arg5[%swap3A, %swap3A_16], %mul3A_15 {strides = array<i32>} : memref<1000x128xf32, #tpu.memory_space<vmem>>, vector<1000x128xf32>,
    %swap3A_18 = arith.constant 0 : index
    %swap3A_19 = arith.constant 0 : index
    %swap3A_20 = vector.load %arg6[%swap3A_18, %swap3A_19] : memref<1000x1xf32, #tpu.memory_space<vmem>>, vector<1000x1xf32>
    tpu.vector_store %arg6[%swap3A_18, %swap3A_19], %rsqrt3A {strides = array<i32>} : memref<1000x1xf32, #tpu.memory_space<vmem>>, vector<1000x1xf32>,
    return
  }
  func.func @transform_0(%arg0: i32) -> (i32, i32) {
    %c0_i32 = arith.constant 0 : i32
    %c0_i32_0 = arith.constant 0 : i32
    return %arg0, %c0_i32 : i32, i32
  }
  func.func @transform_1(%arg0: i32) -> (i32, i32) {
    %c0_i32 = arith.constant 0 : i32
    %c0_i32_0 = arith.constant 0 : i32
    return %arg0, %c0_i32 : i32, i32
  }
  func.func @transform_2(%arg0: i32) -> (i32, i32) {
    %c0_i32 = arith.constant 0 : i32
    %c0_i32_0 = arith.constant 0 : i32
    return %arg0, %c0_i32 : i32, i32
  }
  func.func @transform_3(%arg0: i32) -> (i32, i32) {
    %c0_i32 = arith.constant 0 : i32
    %c0_i32_0 = arith.constant 0 : i32
    %c0_i32_1 = arith.constant 0 : i32
    return %c0_i32, %c0_i32_0 : i32, i32
  }
  func.func @transform_4(%arg0: i32) -> (i32, i32) {
    %c0_i32 = arith.constant 0 : i32
    %c0_i32_0 = arith.constant 0 : i32
    return %arg0, %c0_i32 : i32, i32
  }
  func.func @transform_5(%arg0: i32) -> (i32, i32) {
    %c0_i32 = arith.constant 0 : i32
    %c0_i32_0 = arith.constant 0 : i32
    return %arg0, %c0_i32 : i32, i32
  }
}

module attributes {stable_mosaic.version = 14 : i64} {
  func.func @_mid_body(%arg0: i32, %arg1: memref<1000x128xf32, #tpu.memory_space<vmem>>, %arg2: memref<1000x128xf32, #tpu.memory_space<vmem>>, %arg3: memref<1000x1xf32, #tpu.memory_space<vmem>>, %arg4: memref<128x128xf32, #tpu.memory_space<vmem>>, %arg5: memref<1x128xf32, #tpu.memory_space<vmem>>, %arg6: memref<1000x128xf32, #tpu.memory_space<vmem>>) attributes {dimension_semantics = [#tpu.dimension_semantics<arbitrary>], iteration_bounds = array<i64: 10>, scalar_prefetch = 0 : i64, scratch_operands = 0 : i64, tpu.core_type = #tpu.core_type<tc>, window_params = [{transform_indices = @transform_0, window_bounds = array<i64: 1000, 128>}, {transform_indices = @transform_1, window_bounds = array<i64: 1000, 128>}, {transform_indices = @transform_2, window_bounds = array<i64: 1000, 1>}, {pipeline_mode = #tpu.pipeline_mode<synchronous>, transform_indices = @transform_3, window_bounds = array<i64: 128, 128>}, {pipeline_mode = #tpu.pipeline_mode<synchronous>, transform_indices = @transform_4, window_bounds = array<i64: 1, 128>}, {transform_indices = @transform_5, window_bounds = array<i64: 1000, 128>}]} {
    %get3A = arith.constant 0 : index
    %get3A_0 = arith.constant 0 : index
    %get3A_1 = vector.load %arg3[%get3A, %get3A_0] : memref<1000x1xf32, #tpu.memory_space<vmem>>, vector<1000x1xf32>
    %get3A_2 = arith.constant 0 : index
    %get3A_3 = arith.constant 0 : index
    %get3A_4 = vector.load %arg1[%get3A_2, %get3A_3] : memref<1000x128xf32, #tpu.memory_space<vmem>>, vector<1000x128xf32>
    %get3A_5 = arith.constant 0 : index
    %get3A_6 = arith.constant 0 : index
    %get3A_7 = vector.load %arg2[%get3A_5, %get3A_6] : memref<1000x128xf32, #tpu.memory_space<vmem>>, vector<1000x128xf32>
    %add3A = arith.addf %get3A_4, %get3A_7 : vector<1000x128xf32>
    %mul3A = vector.broadcast %get3A_1 : vector<1000x1xf32> to vector<1000x128xf32>
    %mul3A_8 = arith.mulf %mul3A, %add3A : vector<1000x128xf32>
    %get3A_9 = arith.constant 0 : index
    %get3A_10 = arith.constant 0 : index
    %get3A_11 = vector.load %arg5[%get3A_9, %get3A_10] : memref<1x128xf32, #tpu.memory_space<vmem>>, vector<1x128xf32>
    %add3A_12 = vector.broadcast %get3A_11 : vector<1x128xf32> to vector<1000x128xf32>
    %add3A_13 = arith.addf %mul3A_8, %add3A_12 : vector<1000x128xf32>
    %max3A = arith.constant 0.000000e+00 : f32
    %max3A_14 = vector.broadcast %max3A : f32 to vector<1000x128xf32>
    %max3A_15 = arith.maximumf %add3A_13, %max3A_14 : vector<1000x128xf32>
    %get3A_16 = arith.constant 0 : index
    %get3A_17 = arith.constant 0 : index
    %get3A_18 = vector.load %arg4[%get3A_16, %get3A_17] : memref<128x128xf32, #tpu.memory_space<vmem>>, vector<128x128xf32>
    %dot_general3A = arith.constant dense<0.000000e+00> : vector<1000x128xf32>
    %dot_general3A_19 = tpu.matmul %max3A_15, %get3A_18, %dot_general3A {dimension_numbers = #tpu.dot_dimension_numbers<[1], [0], [0], [1], [0, 0, 1, 1], [], []>, transpose_lhs_hint = false} : vector<1000x128xf32>, vector<128x128xf32>, vector<1000x128xf32> -> vector<1000x128xf32>
    %mul3A_20 = vector.broadcast %get3A_1 : vector<1000x1xf32> to vector<1000x128xf32>
    %mul3A_21 = arith.mulf %dot_general3A_19, %mul3A_20 : vector<1000x128xf32>
    %swap3A = arith.constant 0 : index
    %swap3A_22 = arith.constant 0 : index
    %swap3A_23 = vector.load %arg6[%swap3A, %swap3A_22] : memref<1000x128xf32, #tpu.memory_space<vmem>>, vector<1000x128xf32>
    tpu.vector_store %arg6[%swap3A, %swap3A_22], %mul3A_21 {strides = array<i32>} : memref<1000x128xf32, #tpu.memory_space<vmem>>, vector<1000x128xf32>,
    return
  }
  func.func @transform_0(%arg0: i32) -> (i32, i32) {
    %c0_i32 = arith.constant 0 : i32
    %c0_i32_0 = arith.constant 0 : i32
    return %arg0, %c0_i32 : i32, i32
  }
  func.func @transform_1(%arg0: i32) -> (i32, i32) {
    %c0_i32 = arith.constant 0 : i32
    %c0_i32_0 = arith.constant 0 : i32
    return %arg0, %c0_i32 : i32, i32
  }
  func.func @transform_2(%arg0: i32) -> (i32, i32) {
    %c0_i32 = arith.constant 0 : i32
    %c0_i32_0 = arith.constant 0 : i32
    return %arg0, %c0_i32 : i32, i32
  }
  func.func @transform_3(%arg0: i32) -> (i32, i32) {
    %c0_i32 = arith.constant 0 : i32
    %c0_i32_0 = arith.constant 0 : i32
    %c0_i32_1 = arith.constant 0 : i32
    return %c0_i32, %c0_i32_0 : i32, i32
  }
  func.func @transform_4(%arg0: i32) -> (i32, i32) {
    %c0_i32 = arith.constant 0 : i32
    %c0_i32_0 = arith.constant 0 : i32
    %c0_i32_1 = arith.constant 0 : i32
    return %c0_i32, %c0_i32_0 : i32, i32
  }
  func.func @transform_5(%arg0: i32) -> (i32, i32) {
    %c0_i32 = arith.constant 0 : i32
    %c0_i32_0 = arith.constant 0 : i32
    return %arg0, %c0_i32 : i32, i32
  }
}

module attributes {stable_mosaic.version = 14 : i64} {
  func.func @_mid_body(%arg0: i32, %arg1: memref<1000x128xf32, #tpu.memory_space<vmem>>, %arg2: memref<1000x128xf32, #tpu.memory_space<vmem>>, %arg3: memref<1000x1xf32, #tpu.memory_space<vmem>>, %arg4: memref<128x64xf32, #tpu.memory_space<vmem>>, %arg5: memref<1x128xf32, #tpu.memory_space<vmem>>, %arg6: memref<1000x128xf32, #tpu.memory_space<vmem>>) attributes {dimension_semantics = [#tpu.dimension_semantics<arbitrary>], iteration_bounds = array<i64: 10>, scalar_prefetch = 0 : i64, scratch_operands = 0 : i64, tpu.core_type = #tpu.core_type<tc>, window_params = [{transform_indices = @transform_0, window_bounds = array<i64: 1000, 128>}, {transform_indices = @transform_1, window_bounds = array<i64: 1000, 128>}, {transform_indices = @transform_2, window_bounds = array<i64: 1000, 1>}, {pipeline_mode = #tpu.pipeline_mode<synchronous>, transform_indices = @transform_3, window_bounds = array<i64: 128, 64>}, {pipeline_mode = #tpu.pipeline_mode<synchronous>, transform_indices = @transform_4, window_bounds = array<i64: 1, 128>}, {transform_indices = @transform_5, window_bounds = array<i64: 1000, 128>}]} {
    %get3A = arith.constant 0 : index
    %get3A_0 = arith.constant 0 : index
    %get3A_1 = vector.load %arg3[%get3A, %get3A_0] : memref<1000x1xf32, #tpu.memory_space<vmem>>, vector<1000x1xf32>
    %get3A_2 = arith.constant 0 : index
    %get3A_3 = arith.constant 0 : index
    %get3A_4 = vector.load %arg1[%get3A_2, %get3A_3] : memref<1000x128xf32, #tpu.memory_space<vmem>>, vector<1000x128xf32>
    %get3A_5 = arith.constant 0 : index
    %get3A_6 = arith.constant 0 : index
    %get3A_7 = vector.load %arg2[%get3A_5, %get3A_6] : memref<1000x128xf32, #tpu.memory_space<vmem>>, vector<1000x128xf32>
    %add3A = arith.addf %get3A_4, %get3A_7 : vector<1000x128xf32>
    %mul3A = vector.broadcast %get3A_1 : vector<1000x1xf32> to vector<1000x128xf32>
    %mul3A_8 = arith.mulf %mul3A, %add3A : vector<1000x128xf32>
    %get3A_9 = arith.constant 0 : index
    %get3A_10 = arith.constant 0 : index
    %get3A_11 = vector.load %arg5[%get3A_9, %get3A_10] : memref<1x128xf32, #tpu.memory_space<vmem>>, vector<1x128xf32>
    %add3A_12 = vector.broadcast %get3A_11 : vector<1x128xf32> to vector<1000x128xf32>
    %add3A_13 = arith.addf %mul3A_8, %add3A_12 : vector<1000x128xf32>
    %max3A = arith.constant 0.000000e+00 : f32
    %max3A_14 = vector.broadcast %max3A : f32 to vector<1000x128xf32>
    %max3A_15 = arith.maximumf %add3A_13, %max3A_14 : vector<1000x128xf32>
    %get3A_16 = arith.constant 0 : index
    %get3A_17 = arith.constant 0 : index
    %get3A_18 = vector.load %arg4[%get3A_16, %get3A_17] : memref<128x64xf32, #tpu.memory_space<vmem>>, vector<128x64xf32>
    %dot_general3A = arith.constant dense<0.000000e+00> : vector<1000x64xf32>
    %dot_general3A_19 = tpu.matmul %max3A_15, %get3A_18, %dot_general3A {dimension_numbers = #tpu.dot_dimension_numbers<[1], [0], [0], [1], [0, 0, 1, 1], [], []>, transpose_lhs_hint = false} : vector<1000x128xf32>, vector<128x64xf32>, vector<1000x64xf32> -> vector<1000x64xf32>
    %mul3A_20 = vector.broadcast %get3A_1 : vector<1000x1xf32> to vector<1000x64xf32>
    %mul3A_21 = arith.mulf %dot_general3A_19, %mul3A_20 : vector<1000x64xf32>
    %broadcast_in_dim3A = arith.constant 0.000000e+00 : f32
    %broadcast_in_dim3A_22 = vector.broadcast %broadcast_in_dim3A : f32 to vector<1000x64xf32>
    %concatenate3A = tpu.concatenate %mul3A_21, %broadcast_in_dim3A_22 in 1 : vector<1000x64xf32>, vector<1000x64xf32> -> vector<1000x128xf32>
    %swap3A = arith.constant 0 : index
    %swap3A_23 = arith.constant 0 : index
    %swap3A_24 = vector.load %arg6[%swap3A, %swap3A_23] : memref<1000x128xf32, #tpu.memory_space<vmem>>, vector<1000x128xf32>
    tpu.vector_store %arg6[%swap3A, %swap3A_23], %concatenate3A {strides = array<i32>} : memref<1000x128xf32, #tpu.memory_space<vmem>>, vector<1000x128xf32>,
    return
  }
  func.func @transform_0(%arg0: i32) -> (i32, i32) {
    %c0_i32 = arith.constant 0 : i32
    %c0_i32_0 = arith.constant 0 : i32
    return %arg0, %c0_i32 : i32, i32
  }
  func.func @transform_1(%arg0: i32) -> (i32, i32) {
    %c0_i32 = arith.constant 0 : i32
    %c0_i32_0 = arith.constant 0 : i32
    return %arg0, %c0_i32 : i32, i32
  }
  func.func @transform_2(%arg0: i32) -> (i32, i32) {
    %c0_i32 = arith.constant 0 : i32
    %c0_i32_0 = arith.constant 0 : i32
    return %arg0, %c0_i32 : i32, i32
  }
  func.func @transform_3(%arg0: i32) -> (i32, i32) {
    %c0_i32 = arith.constant 0 : i32
    %c0_i32_0 = arith.constant 0 : i32
    %c0_i32_1 = arith.constant 0 : i32
    return %c0_i32, %c0_i32_0 : i32, i32
  }
  func.func @transform_4(%arg0: i32) -> (i32, i32) {
    %c0_i32 = arith.constant 0 : i32
    %c0_i32_0 = arith.constant 0 : i32
    %c0_i32_1 = arith.constant 0 : i32
    return %c0_i32, %c0_i32_0 : i32, i32
  }
  func.func @transform_5(%arg0: i32) -> (i32, i32) {
    %c0_i32 = arith.constant 0 : i32
    %c0_i32_0 = arith.constant 0 : i32
    return %arg0, %c0_i32 : i32, i32
  }
}

module attributes {stable_mosaic.version = 14 : i64} {
  func.func @_fin_body(%arg0: i32, %arg1: memref<1000x128xf32, #tpu.memory_space<vmem>>, %arg2: memref<1000x128xf32, #tpu.memory_space<vmem>>, %arg3: memref<1000x1xf32, #tpu.memory_space<vmem>>, %arg4: memref<1x64xf32, #tpu.memory_space<vmem>>, %arg5: memref<1000x1xi32, #tpu.memory_space<vmem>>, %arg6: memref<64x10xf32, #tpu.memory_space<vmem>>, %arg7: memref<1x10xf32, #tpu.memory_space<vmem>>, %arg8: memref<64x10xf32, #tpu.memory_space<vmem>>, %arg9: memref<64x64xf32, #tpu.memory_space<vmem>>, %arg10: memref<64x1xf32, #tpu.memory_space<vmem>>) attributes {dimension_semantics = [#tpu.dimension_semantics<arbitrary>], iteration_bounds = array<i64: 10>, scalar_prefetch = 0 : i64, scratch_operands = 2 : i64, tpu.core_type = #tpu.core_type<tc>, window_params = [{transform_indices = @transform_0, window_bounds = array<i64: 1000, 128>}, {transform_indices = @transform_1, window_bounds = array<i64: 1000, 128>}, {transform_indices = @transform_2, window_bounds = array<i64: 1000, 1>}, {pipeline_mode = #tpu.pipeline_mode<synchronous>, transform_indices = @transform_3, window_bounds = array<i64: 1, 64>}, {transform_indices = @transform_4, window_bounds = array<i64: 1000, 1>}, {pipeline_mode = #tpu.pipeline_mode<synchronous>, transform_indices = @transform_5, window_bounds = array<i64: 64, 10>}, {pipeline_mode = #tpu.pipeline_mode<synchronous>, transform_indices = @transform_6, window_bounds = array<i64: 1, 10>}, {pipeline_mode = #tpu.pipeline_mode<synchronous>, transform_indices = @transform_7, window_bounds = array<i64: 64, 10>}]} {
    %eq3A = arith.constant 0 : i32
    %eq3A_0 = arith.cmpi eq, %arg0, %eq3A : i32
    %convert_element_type3A = arith.extui %eq3A_0 : i1 to i32
    %cond3A = arith.constant 0 : i32
    %cond3A_1 = arith.cmpi ne, %convert_element_type3A, %cond3A : i32
    scf.if %cond3A_1 {
      %broadcast_in_dim3A_45 = arith.constant 0.000000e+00 : f32
      %broadcast_in_dim3A_46 = vector.broadcast %broadcast_in_dim3A_45 : f32 to vector<64x64xf32>
      %swap3A_47 = arith.constant 0 : index
      %swap3A_48 = arith.constant 0 : index
      %swap3A_49 = vector.load %arg9[%swap3A_47, %swap3A_48] : memref<64x64xf32, #tpu.memory_space<vmem>>, vector<64x64xf32>
      tpu.vector_store %arg9[%swap3A_47, %swap3A_48], %broadcast_in_dim3A_46 {strides = array<i32>} : memref<64x64xf32, #tpu.memory_space<vmem>>, vector<64x64xf32>,
      %broadcast_in_dim3A_50 = arith.constant 0.000000e+00 : f32
      %broadcast_in_dim3A_51 = vector.broadcast %broadcast_in_dim3A_50 : f32 to vector<64x1xf32>
      %swap3A_52 = arith.constant 0 : index
      %swap3A_53 = arith.constant 0 : index
      %swap3A_54 = vector.load %arg10[%swap3A_52, %swap3A_53] : memref<64x1xf32, #tpu.memory_space<vmem>>, vector<64x1xf32>
      tpu.vector_store %arg10[%swap3A_52, %swap3A_53], %broadcast_in_dim3A_51 {strides = array<i32>} : memref<64x1xf32, #tpu.memory_space<vmem>>, vector<64x1xf32>,
    } else {
    }
    %get3A = arith.constant 0 : index
    %get3A_2 = arith.constant 0 : index
    %get3A_3 = vector.load %arg3[%get3A, %get3A_2] : memref<1000x1xf32, #tpu.memory_space<vmem>>, vector<1000x1xf32>
    %get3A_4 = arith.constant 0 : index
    %get3A_5 = arith.constant 0 : index
    %get3A_6 = vector.load %arg1[%get3A_4, %get3A_5] : memref<1000x128xf32, #tpu.memory_space<vmem>>, vector<1000x128xf32>
    %get3A_7 = arith.constant 0 : index
    %get3A_8 = arith.constant 0 : index
    %get3A_9 = vector.load %arg2[%get3A_7, %get3A_8] : memref<1000x128xf32, #tpu.memory_space<vmem>>, vector<1000x128xf32>
    %add3A = arith.addf %get3A_6, %get3A_9 : vector<1000x128xf32>
    %slice3A = vector.extract_strided_slice %add3A {offsets = [0, 0], sizes = [1000, 64], strides = [1, 1]} : vector<1000x128xf32> to vector<1000x64xf32>
    %mul3A = vector.broadcast %get3A_3 : vector<1000x1xf32> to vector<1000x64xf32>
    %mul3A_10 = arith.mulf %mul3A, %slice3A : vector<1000x64xf32>
    %get3A_11 = arith.constant 0 : index
    %get3A_12 = arith.constant 0 : index
    %get3A_13 = vector.load %arg4[%get3A_11, %get3A_12] : memref<1x64xf32, #tpu.memory_space<vmem>>, vector<1x64xf32>
    %add3A_14 = vector.broadcast %get3A_13 : vector<1x64xf32> to vector<1000x64xf32>
    %add3A_15 = arith.addf %mul3A_10, %add3A_14 : vector<1000x64xf32>
    %get3A_16 = arith.constant 0 : index
    %get3A_17 = arith.constant 0 : index
    %get3A_18 = vector.load %arg5[%get3A_16, %get3A_17] : memref<1000x1xi32, #tpu.memory_space<vmem>>, vector<1000x1xi32>
    %iota3A = tpu.iota {dimensions = array<i32: 1>} : vector<1000x64xi32>
    %eq3A_19 = vector.broadcast %get3A_18 : vector<1000x1xi32> to vector<1000x64xi32>
    %eq3A_20 = arith.cmpi eq, %eq3A_19, %iota3A : vector<1000x64xi32>
    %convert_element_type3A_21 = arith.extui %eq3A_20 : vector<1000x64xi1> to vector<1000x64xi32>
    %convert_element_type3A_22 = arith.sitofp %convert_element_type3A_21 : vector<1000x64xi32> to vector<1000x64xf32>
    %get3A_23 = arith.constant 0 : index
    %get3A_24 = arith.constant 0 : index
    %get3A_25 = vector.load %arg9[%get3A_23, %get3A_24] : memref<64x64xf32, #tpu.memory_space<vmem>>, vector<64x64xf32>
    %dot_general3A = arith.constant dense<0.000000e+00> : vector<64x64xf32>
    %dot_general3A_26 = tpu.matmul %convert_element_type3A_22, %add3A_15, %dot_general3A {dimension_numbers = #tpu.dot_dimension_numbers<[0], [0], [1], [1], [0, 1, 1, 1], [], []>, transpose_lhs_hint = false} : vector<1000x64xf32>, vector<1000x64xf32>, vector<64x64xf32> -> vector<64x64xf32>
    %add3A_27 = arith.addf %get3A_25, %dot_general3A_26 : vector<64x64xf32>
    %swap3A = arith.constant 0 : index
    %swap3A_28 = arith.constant 0 : index
    %swap3A_29 = vector.load %arg9[%swap3A, %swap3A_28] : memref<64x64xf32, #tpu.memory_space<vmem>>, vector<64x64xf32>
    tpu.vector_store %arg9[%swap3A, %swap3A_28], %add3A_27 {strides = array<i32>} : memref<64x64xf32, #tpu.memory_space<vmem>>, vector<64x64xf32>,
    %get3A_30 = arith.constant 0 : index
    %get3A_31 = arith.constant 0 : index
    %get3A_32 = vector.load %arg10[%get3A_30, %get3A_31] : memref<64x1xf32, #tpu.memory_space<vmem>>, vector<64x1xf32>
    %broadcast_in_dim3A = arith.constant 1.000000e+00 : f32
    %broadcast_in_dim3A_33 = vector.broadcast %broadcast_in_dim3A : f32 to vector<1000x1xf32>
    %dot_general3A_34 = arith.constant dense<0.000000e+00> : vector<64x1xf32>
    %dot_general3A_35 = tpu.matmul %convert_element_type3A_22, %broadcast_in_dim3A_33, %dot_general3A_34 {dimension_numbers = #tpu.dot_dimension_numbers<[0], [0], [1], [1], [0, 1, 1, 1], [], []>, transpose_lhs_hint = false} : vector<1000x64xf32>, vector<1000x1xf32>, vector<64x1xf32> -> vector<64x1xf32>
    %add3A_36 = arith.addf %get3A_32, %dot_general3A_35 : vector<64x1xf32>
    %swap3A_37 = arith.constant 0 : index
    %swap3A_38 = arith.constant 0 : index
    %swap3A_39 = vector.load %arg10[%swap3A_37, %swap3A_38] : memref<64x1xf32, #tpu.memory_space<vmem>>, vector<64x1xf32>
    tpu.vector_store %arg10[%swap3A_37, %swap3A_38], %add3A_36 {strides = array<i32>} : memref<64x1xf32, #tpu.memory_space<vmem>>, vector<64x1xf32>,
    %eq3A_40 = arith.constant 9 : i32
    %eq3A_41 = arith.cmpi eq, %arg0, %eq3A_40 : i32
    %convert_element_type3A_42 = arith.extui %eq3A_41 : i1 to i32
    %cond3A_43 = arith.constant 0 : i32
    %cond3A_44 = arith.cmpi ne, %convert_element_type3A_42, %cond3A_43 : i32
    scf.if %cond3A_44 {
      %get3A_45 = arith.constant 0 : index
      %get3A_46 = arith.constant 0 : index
      %get3A_47 = vector.load %arg9[%get3A_45, %get3A_46] : memref<64x64xf32, #tpu.memory_space<vmem>>, vector<64x64xf32>
      %get3A_48 = arith.constant 0 : index
      %get3A_49 = arith.constant 0 : index
      %get3A_50 = vector.load %arg10[%get3A_48, %get3A_49] : memref<64x1xf32, #tpu.memory_space<vmem>>, vector<64x1xf32>
      %max3A = arith.constant 1.000000e+00 : f32
      %max3A_51 = vector.broadcast %max3A : f32 to vector<64x1xf32>
      %max3A_52 = arith.maximumf %get3A_50, %max3A_51 : vector<64x1xf32>
      %div3A = vector.broadcast %max3A_52 : vector<64x1xf32> to vector<64x64xf32>
      %div3A_53 = arith.divf %get3A_47, %div3A : vector<64x64xf32>
      %get3A_54 = arith.constant 0 : index
      %get3A_55 = arith.constant 0 : index
      %get3A_56 = vector.load %arg6[%get3A_54, %get3A_55] : memref<64x10xf32, #tpu.memory_space<vmem>>, vector<64x10xf32>
      %dot_general3A_57 = arith.constant dense<0.000000e+00> : vector<64x10xf32>
      %dot_general3A_58 = tpu.matmul %div3A_53, %get3A_56, %dot_general3A_57 {dimension_numbers = #tpu.dot_dimension_numbers<[1], [0], [0], [1], [0, 0, 1, 1], [], []>, transpose_lhs_hint = false} : vector<64x64xf32>, vector<64x10xf32>, vector<64x10xf32> -> vector<64x10xf32>
      %get3A_59 = arith.constant 0 : index
      %get3A_60 = arith.constant 0 : index
      %get3A_61 = vector.load %arg7[%get3A_59, %get3A_60] : memref<1x10xf32, #tpu.memory_space<vmem>>, vector<1x10xf32>
      %add3A_62 = vector.broadcast %get3A_61 : vector<1x10xf32> to vector<64x10xf32>
      %add3A_63 = arith.addf %dot_general3A_58, %add3A_62 : vector<64x10xf32>
      %swap3A_64 = arith.constant 0 : index
      %swap3A_65 = arith.constant 0 : index
      %swap3A_66 = vector.load %arg8[%swap3A_64, %swap3A_65] : memref<64x10xf32, #tpu.memory_space<vmem>>, vector<64x10xf32>
      tpu.vector_store %arg8[%swap3A_64, %swap3A_65], %add3A_63 {strides = array<i32>} : memref<64x10xf32, #tpu.memory_space<vmem>>, vector<64x10xf32>,
    } else {
    }
    return
  }
  func.func @transform_0(%arg0: i32) -> (i32, i32) {
    %c0_i32 = arith.constant 0 : i32
    %c0_i32_0 = arith.constant 0 : i32
    return %arg0, %c0_i32 : i32, i32
  }
  func.func @transform_1(%arg0: i32) -> (i32, i32) {
    %c0_i32 = arith.constant 0 : i32
    %c0_i32_0 = arith.constant 0 : i32
    return %arg0, %c0_i32 : i32, i32
  }
  func.func @transform_2(%arg0: i32) -> (i32, i32) {
    %c0_i32 = arith.constant 0 : i32
    %c0_i32_0 = arith.constant 0 : i32
    return %arg0, %c0_i32 : i32, i32
  }
  func.func @transform_3(%arg0: i32) -> (i32, i32) {
    %c0_i32 = arith.constant 0 : i32
    %c0_i32_0 = arith.constant 0 : i32
    %c0_i32_1 = arith.constant 0 : i32
    return %c0_i32, %c0_i32_0 : i32, i32
  }
  func.func @transform_4(%arg0: i32) -> (i32, i32) {
    %c0_i32 = arith.constant 0 : i32
    %c0_i32_0 = arith.constant 0 : i32
    return %arg0, %c0_i32 : i32, i32
  }
  func.func @transform_5(%arg0: i32) -> (i32, i32) {
    %c0_i32 = arith.constant 0 : i32
    %c0_i32_0 = arith.constant 0 : i32
    %c0_i32_1 = arith.constant 0 : i32
    return %c0_i32, %c0_i32_0 : i32, i32
  }
  func.func @transform_6(%arg0: i32) -> (i32, i32) {
    %c0_i32 = arith.constant 0 : i32
    %c0_i32_0 = arith.constant 0 : i32
    %c0_i32_1 = arith.constant 0 : i32
    return %c0_i32, %c0_i32_0 : i32, i32
  }
  func.func @transform_7(%arg0: i32) -> (i32, i32) {
    %c0_i32 = arith.constant 0 : i32
    %c0_i32_0 = arith.constant 0 : i32
    %c0_i32_1 = arith.constant 0 : i32
    return %c0_i32, %c0_i32_0 : i32, i32
  }
}

</mosaic_0001>

<sc_bundles>
// kernel: kernel.10.cloned.1.call-start
scs
__scs_entry_jumppad:
0x0: {  	(pc) =	sbr.rel $0x88, $3  }
0x1: {  	(tag) =	ssettag $0x0;
	lr =	simm.s32 $0x1  }
0x2: {  	[smem:$0x3F96] =	sst lr;
	_ =	strace $0xD0000000  }
0x3: {  	_ = 	snop  }
0x4: {  	_ = 	snop  }
0x5: {  	_ = 	snop  }
0x6: {  	_ = 	snop  }
0x7: {  	_ = 	snop  }
__scs_overlays_trampoline_lowered:
0x8: {  	[smem:$0x3FA5] =	sst s0  }
0x9: {  	[smem:$0x3FA6] =	sst s1  }
0xa: {  	[smem:$0x3FA7] =	sst s2  }
0xb: {  	[smem:$0x3FA8] =	sst s3  }
0xc: {  	[smem:$0x3FA9] =	sst s4  }
0xd: {  	[smem:$0x3FAA] =	sst s5  }
0xe: {  	[smem:$0x3FAB] =	sst s6  }
0xf: {  	[smem:$0x3FAC] =	sst s7  }
0x10: {  	[smem:$0x3FAD] =	sst s8  }
0x11: {  	[smem:$0x3FAE] =	sst s9;
	s0 =	simm.s32 @!p0 $0x0  }
0x12: {  	s1 =	sld [smem:$0x3F94];
	s0 =	simm.s32 @p0 $0x1  }
0x13: {  	[smem:$0x3FAF] =	sst s0;
	s0 =	simm.s32 @!p1 $0x0  }
0x14: {  	s2 =	sld [smem:$0x3F93];
	s0 =	simm.s32 @p1 $0x1  }
0x15: {  	[smem:$0x3FB0] =	sst s0;
	s0 =	simm.s32 @!p2 $0x0  }
0x16: {  	s3 =	sld [smem:$0x3FDB];
	s0 =	simm.s32 @p2 $0x1  }
0x17: {  	s4 =	simm.s32 $0x1BF5;
	[smem:$0x3FB2] =	sst s0  }
0x18: {  	s0 =	sld [smem:$0x3F95];
	_ =	swait.ge [sflag:s4], $0x0  }
0x19: {  	s7 =	sld [smem:$0x3F96]  }
0x1a: {  	s8 =	sadd.s32 $0xFFFFE003, lr  }
0x1b: {  	s9 =	sadd.s32 $0xFFFFFEF7, lr;
	s5 =	simm.s32 $0xFFFFFFFF;
	p2 =	slt.u32 s8, $0xFFFFF086  }
0x1c: {  	p1 =	slt.u32 s9, $0xF7A;
	s5 =	simm.s32 @!p2 $0x0  }
0x1d: {  	s5 =	simm.s32 @p1 $0x1;
	p0 =	seq.s32 s7, s2  }
0x1e: {  	s7 =	smul.u32 @!p0 $0xF7A, s2;
	p2 =	seq.s32 @!p0 s5, $0x0  }
0x1f: {  	s9 =	smul.u32 $0xF7A, s1;
	s8 =	simm.s32 @!p0 $0x1BF5;
	p2 =	por !p2, p0  }
0x20: {  	[sflag:s8] =	ssyncset.s32 @!p0 $0xFFFFF086;
	s6 =	sadd.s32 @!p0 s3, s7;
	s7 =	simm.s32 @!p0 $0x108  }
0x21: {  	s3 =	sadd.s32 s3, s9;
	s6 =	sadd.s32 @!p0 $0x88, s6;
	s7 =	simm.s32 @p2 $0x1082  }
0x22: {  	[simem:s7], [sflag:s8] =	dma.local @!p0 [hbm:s6], $0xF7A  }
0x23: {  	s9 =	sor.u32 $0xD0000000, s2;
	s6 =	simm.s32 $0x108;
	_ =	swait.ge @!p0 [sflag:s8], $0x0  }
0x24: {  	s3 =	sadd.s32 $0x88, s3;
	s6 =	simm.s32 @!p1 $0x1082;
	[sflag:s4] =	ssyncset.s32 $0xFFFFF086  }
0x25: {  	[simem:s6], [sflag:s4] =	dma.local [hbm:s3], $0xF7A  }
0x26: {  	[smem:$0x3F96] =	sst s1;
	(tag) =	ssettag s2;
	_ =	strace s9  }
0x27: {  	s1 =	sld [smem:$0x3FA6]  }
0x28: {  	s2 =	sld [smem:$0x3FA7]  }
0x29: {  	s4 =	sld [smem:$0x3FA9]  }
0x2a: {  	p0 =	seq.s32 s5, $0x0;
	s5 =	sld [smem:$0x3FAA]  }
0x2b: {  	s6 =	sld [smem:$0x3FAB]  }
0x2c: {  	s7 =	sld [smem:$0x3FAC]  }
0x2d: {  	s3 =	simm.s32 $0x108;
	s8 =	sld [smem:$0x3FAD]  }
0x2e: {  	s3 =	simm.s32 @!p0 $0x1082;
	s9 =	sld [smem:$0x3FAE]  }
0x2f: {  	lr =	sadd.s32 s0, s3;
	s0 =	sld [smem:$0x3FA5]  }
0x30: {  	s3 =	sld [smem:$0x3FA8]  }
0x31: {  	[smem:$0x3FB1] =	sst s10  }
0x32: {  	s10 =	sld [smem:$0x3FAF];
	_ =	sdelay $0x3  }
0x33: {  	p0 =	seq.s32 s10, $0x1;
	s10 =	sld [smem:$0x3FB1];
	_ =	sdelay $0x3  }
0x34: {  	[smem:$0x3FB1] =	sst s10  }
0x35: {  	s10 =	sld [smem:$0x3FB0];
	_ =	sdelay $0x3  }
0x36: {  	p1 =	seq.s32 s10, $0x1;
	s10 =	sld [smem:$0x3FB1];
	_ =	sdelay $0x3  }
0x37: {  	[smem:$0x3FB1] =	sst s10  }
0x38: {  	s10 =	sld [smem:$0x3FB2]  }
0x39: {  	_ = 	snop;
	(pc) =	sbr.ind lr, $3  }
0x3a: {  	_ = 	snop  }
0x3b: {  	_ = 	snop  }
0x3c: {  	p2 =	seq.s32 s10, $0x1;
	s10 =	sld [smem:$0x3FB1]  }
0x3d: {  	_ =	shalt  }
0x3e: {  	_ =	shalt  }
0x3f: {  	_ =	shalt  }
0x40: {  	_ =	shalt  }
0x41: {  	_ =	shalt  }
0x42: {  	_ =	shalt  }
0x43: {  	_ =	shalt  }
0x44: {  	_ =	shalt  }
0x45: {  	_ =	shalt  }
0x46: {  	_ =	shalt  }
0x47: {  	_ =	shalt  }
0x48: {  	_ =	shalt  }
0x49: {  	_ =	shalt  }
0x4a: {  	_ =	shalt  }
0x4b: {  	_ =	shalt  }
0x4c: {  	_ =	shalt  }
0x4d: {  	_ =	shalt  }
0x4e: {  	_ =	shalt  }
0x4f: {  	_ =	shalt  }
0x50: {  	_ =	shalt  }
0x51: {  	_ =	shalt  }
0x52: {  	_ =	shalt  }
0x53: {  	_ =	shalt  }
0x54: {  	_ =	shalt  }
0x55: {  	_ =	shalt  }
0x56: {  	_ =	shalt  }
0x57: {  	_ =	shalt  }
0x58: {  	_ =	shalt  }
0x59: {  	_ =	shalt  }
0x5a: {  	_ =	shalt  }
0x5b: {  	_ =	shalt  }
0x5c: {  	_ =	shalt  }
0x5d: {  	_ =	shalt  }
0x5e: {  	_ =	shalt  }
0x5f: {  	_ =	shalt  }
0x60: {  	_ =	shalt  }
0x61: {  	_ =	shalt  }
0x62: {  	_ =	shalt  }
0x63: {  	_ =	shalt  }
0x64: {  	_ =	shalt  }
0x65: {  	_ =	shalt  }
0x66: {  	_ =	shalt  }
0x67: {  	_ =	shalt  }
0x68: {  	_ =	shalt  }
0x69: {  	_ =	shalt  }
0x6a: {  	_ =	shalt  }
0x6b: {  	_ =	shalt  }
0x6c: {  	_ =	shalt  }
0x6d: {  	_ =	shalt  }
0x6e: {  	_ =	shalt  }
0x6f: {  	_ =	shalt  }
0x70: {  	_ =	shalt  }
0x71: {  	_ =	shalt  }
0x72: {  	_ =	shalt  }
0x73: {  	_ =	shalt  }
0x74: {  	_ =	shalt  }
0x75: {  	_ =	shalt  }
0x76: {  	_ =	shalt  }
0x77: {  	_ =	shalt  }
0x78: {  	_ =	shalt  }
0x79: {  	_ =	shalt  }
0x7a: {  	_ =	shalt  }
0x7b: {  	_ =	shalt  }
0x7c: {  	_ =	shalt  }
0x7d: {  	_ =	shalt  }
0x7e: {  	_ =	shalt  }
0x7f: {  	_ =	shalt  }
0x80: {  	_ =	shalt  }
0x81: {  	_ =	shalt  }
0x82: {  	_ =	shalt  }
0x83: {  	_ =	shalt  }
0x84: {  	_ =	shalt  }
0x85: {  	_ =	shalt  }
0x86: {  	_ =	shalt  }
0x87: {  	_ =	shalt  }
.Lfunc_end0:
.L_simem_size_0:
called_computation_lowered:
.L_overlay_start_0:
0x88: {  	s2 =	sld [smem:$0x3FD9]  }
0x89: {  	s3 =	sld [smem:$0x3FFE];
	_ =	sdelay $0x1  }
0x8a: {  	s1 =	srdreg.scid  }
0x8b: {  	s0 =	sand.u32 $0x1, s1  }
0x8c: {  	s17 =	sshll.u32 s0, $0xA;
	s2 =	sadd.s32 s3, s2  }
0x8d: {  	s2 =	sadd.s32 s2, s17  }
0x8e: {  	[smem:$0x3FBD] =	sst s2  }
0x8f: {  	_ = 	snop  }
0x90: {  	s2 =	sld [smem:$0x3FD0];
	(tm) =	ssettm $0x1  }
0x91: {  	s18 =	sld [smem:$0x3FFB];
	_ =	sdelay $0x3  }
0x92: {  	_ =	strace s18  }
0x93: {  	s3 =	sld [smem:$0x3FFC];
	_ =	sdelay $0x3  }
0x94: {  	_ =	strace s3  }
0x95: {  	s3 =	sld [smem:$0x3FFD];
	_ =	sdelay $0x3  }
0x96: {  	_ =	strace s3  }
0x97: {  	_ =	strace $0x8FFFFFFF  }
0x98: {  	s19 =	sld [smem:$0x3FDB];
	_ =	sdelay $0x1  }
0x99: {  	s4 =	simm.s32 $_scs_section_size  }
0x9a: {  	s5 =	simm.s32 $_size__tile_overlayer_lowered;
	s6 =	simm.s32 $_tile_overlayer_lowered  }
0x9b: {  	s22 =	simm.s32 $0x1BFF;
	s21 =	sshll.u32 s6, $0x1;
	s3 =	sadd.s32 s4, s19  }
0x9c: {  	s7 =	simm.s32 $0x0;
	s20 =	sshll.u32 s5, $0x1;
	s5 =	sadd.s32 s21, s3  }
0x9d: {  	[timem:s7], [sflag:s22] =	dma.local [hbm:s5], s20  }
0x9e: {  	_ =	swait.ge [sflag:s22], s20  }
0x9f: {  	s4 =	ssub.s32 $0x0, s20;
	[sflag:s22] =	ssyncset.done $0x0  }
0xa0: {  	[sflag:s22] =	ssyncadd.s32 s4;
	_ =	sdelay $0x1  }
0xa1: {  	s23 =	simm.s32 $0x1B8B  }
0xa2: {  	_ =	swait.ge [sflag:s23], $0x1  }
0xa3: {  	[sflag:s23] =	ssyncset.done $0x0  }
0xa4: {  	s25 =	simm.s32 $0x1B8E;
	s24 =	sld [smem:$0x3FFE];
	[sflag:s23] =	ssyncadd.s32 $0xFFFFFFFF  }
0xa5: {  	s26 =	simm.s32 $execute0_lowered;
	[smem:$0x3FD2] =	sst s25  }
0xa6: {  	s5 =	sshll.u32 s26, $0x1;
	_ =	strace $0x80000046;
	[dreg:$0x1] =	wrdreg $0xFFFFFFFF  }
0xa7: {  	s28 =	simm.s32 $_size_execute0_lowered;
	s3 =	sadd.s32 s3, s5;
	[dreg:$0x0] =	wrdreg $0x0  }
0xa8: {  	s5 =	sshll.u32 s28, $0x1;
	[dreg:$0x2] =	wrdreg s3  }
0xa9: {  	[dreg:$0x3] =	wrdreg s5  }
0xaa: {  	[dreg:$0x4] =	wrdreg $0xC0  }
0xab: {  	_ =	task [dreg:s7], $0x5FFFF  }
0xac: {  	[dreg:$0x1] =	wrdreg $0xFFFFFFFF  }
0xad: {  	[dreg:$0x0] =	wrdreg $0x60  }
0xae: {  	[dreg:$0x2] =	wrdreg s24  }
0xaf: {  	[dreg:$0x3] =	wrdreg s2  }
0xb0: {  	[dreg:$0x4] =	wrdreg $0x0  }
0xb1: {  	[dreg:$0x5] =	wrdreg $0x9  }
0xb2: {  	_ =	task.clear_ibuf [dreg:s7], $0x6FFFF;
	_ =	strace $0x90000046  }
0xb3: {  	s29 =	simm.s32 $0x9;
	_ =	strace $0x80000048  }
0xb4: {  	_ =	swait.ge [sflag:s29], $0x1  }
0xb5: {  	[sflag:s29] =	ssyncadd.s32 $0xFFFFFFFF  }
0xb6: {  	_ =	strace $0x90000048  }
0xb7: {  	_ =	sfence  }
0xb8: {  	s30 =	sld [smem:$0x0];
	_ =	sdelay $0x2  }
0xb9: {  	s31 =	sshll.u32 s1, $0xD;
	s1 =	sshrl.u32 s1, $0x2  }
0xba: {  	s3 =	sand.u32 $0x4000, s31;
	s1 =	sadd.s32 s1, s30  }
0xbb: {  	s0 =	sor.u32 s3, s0;
	s1 =	sshll.u32 s1, $0x11  }
0xbc: {  	s0 =	sor.u32 s1, s0  }
0xbd: {  	s0 =	sadd.s32 $0x8F2B, s0  }
0xbe: {  	[sflag:s0] =	ssyncadd.remote.s32 $0x1  }
0xbf: {  	_ =	sfence.sel $0xFFFF  }
0xc0: {  	[dreg:$0x0] =	wrdreg $0xFFFFFFFF;
	(pc) =	sbr.abs _section_cstart, $3  }
0xc1: {  	[dreg:$0x1] =	wrdreg $0xFFFFFFFF  }
0xc2: {  	_ =	task.clear_ibuf [dreg:s7], $0x2FFFF;
	_ =	strace $0x9FFFFFFF  }
0xc3: {  	(tm) =	ssettm $0x7FFFFFFF  }
tec
execute0_lowered:
.L_overlay_start_1:
0x0: {  	(tag) =	ssettag $0x1  }
0x1: {  	s6 =	rddreg [dreg:$0x0]  }
0x2: {  	s1 =	rddreg [dreg:$0x1]  }
0x3: {  	s3 =	rddreg [dreg:$0x2]  }
0x4: {  	s0 =	rddreg [dreg:$0x3];
	s5 =	srdreg.scid  }
0x5: {  	s4 =	simm.s32 $0x0;
	s2 =	stileid.u32;
	s12 =	simm.s32 $0x1EC00  }
0x6: {  	s13 =	simm.s32 $0x4280;
	s14 =	simm.s32 $0x1;
	s15 =	simm.s32 $0x3E80  }
0x7: {  	s16 =	simm.s32 $0x3F00;
	s17 =	simm.s32 $0x3F80;
	s18 =	simm.s32 $0x4000  }
0x8: {  	s19 =	simm.s32 $0x4080;
	s20 =	simm.s32 $0x0;
	s7 =	sand.u32 $0x1, s5  }
0x9: {  	[smem:$0x7FF] =	sst s4;
	s8 =	smul.u32 $0x280, s2;
	s9 =	sshll.u32 s2, $0xB  }
0xa: {  	s30 =	sshll.u32 s2, $0x6;
	s5 =	ssub.s32 $0x2, s7;
	_ =	strace $0x80000047  }
0xb: {  	s9 =	sadd.s32 s9, s6;
	p0 =	seq.s32 s7, $0x1;
	s7 =	sshll.u32 s7, $0xF  }
0xc: {  	s10 =	sshrl.u32 s5, $0x1;
	s11 =	sadd.s32 s8, s3;
	s12 =	simm.s32 @!p0 $0x1E600  }
0xd: {  	s7 =	sadd.s32 s7, s9;
	s8 =	sshrl.u32 s8, $0x3;
	s10 =	ssub.s32 s5, s10  }
0xe: {  	s5 =	sor.u32 $0x1C02, s30;
	s31 =	sadd.s32 s12, s6;
	s6 =	sadd.s32 $0xE600, s7  }
0xf: {  	s9 =	sshrl.u32 s11, $0x3;
	s11 =	simm.s32 $0x280;
	s12 =	simm.s32 $0x50  }
0x10: {  	v0 =	vimm.f32 $1.000000000e+00;
	s7 =	smax.u32 s10, $0x1;
	s8 =	sadd.s32 s31, s8;
	s10 =	simm.s32 $0x2  }
.LBB2_1:
0x11: {  	[spmem:s9], [sflag:s5] =	dma.local [hbm:s1], $0x50  }
0x12: {  	_ =	swait.ge [sflag:s10], $0x50  }
0x13: {  	[sflag:s10] =	ssyncset.done $0x0  }
0x14: {  	[sflag:s10] =	ssyncadd.s32 $0xFFFFFFB0  }
0x15: {  	[tilespmem:s11], [sflag:$0x2] =	stream.linear.gather [hbm4b:s6+s4], $0x3E80, $0x38;
	[tilespmem:$0x4300] =	vst v63  }
0x16: {  	_ =	swait.ge [sflag:s10], $0x3E80  }
0x17: {  	[sflag:s10] =	ssyncset.done $0x0  }
0x18: {  	[sflag:s10] =	ssyncadd.s32 $0xFFFFC180  }
0x19: {  	[tilespmem:$0x4280] =	vst v0  }
0x1a: {  	[tilespmem:$0x4290] =	vst v0  }
0x1b: {  	[tilespmem:$0x42A0] =	vst v0  }
0x1c: {  	[tilespmem:$0x42B0] =	vst v0  }
0x1d: {  	[tilespmem:$0x42C0] =	vst v0  }
0x1e: {  	s21 =	simm.s32 $0x280;
	[bflag:$0x0] =	sbarrier.arrive $0xFFFF  }
0x1f: {  	[spmem:s3] =	stream.indirect.scatter.add.f32 [tilespmem:s13], [sflag:$0x1], $0x1, s21, s12, $0xb8;
	[tilespmem:$0x4300] =	vst v63  }
0x20: {  	s24 =	simm.s32 $0x300  }
0x21: {  	[spmem:s3] =	stream.indirect.scatter.add.f32 [tilespmem:s13], [sflag:$0x1], $0x1, s24, s12, $0xb8;
	[tilespmem:$0x4300] =	vst v63  }
0x22: {  	s25 =	simm.s32 $0x380  }
0x23: {  	[spmem:s3] =	stream.indirect.scatter.add.f32 [tilespmem:s13], [sflag:$0x1], $0x1, s25, s12, $0xb8;
	[tilespmem:$0x4300] =	vst v63  }
0x24: {  	s26 =	simm.s32 $0x400  }
0x25: {  	[spmem:s3] =	stream.indirect.scatter.add.f32 [tilespmem:s13], [sflag:$0x1], $0x1, s26, s12, $0xb8;
	[tilespmem:$0x4300] =	vst v63  }
0x26: {  	s28 =	simm.s32 $0x480  }
0x27: {  	[spmem:s3] =	stream.indirect.scatter.add.f32 [tilespmem:s13], [sflag:$0x1], $0x1, s28, s12, $0xb8;
	[tilespmem:$0x4300] =	vst v63  }
0x28: {  	s29 =	simm.s32 $0x500  }
0x29: {  	[spmem:s3] =	stream.indirect.scatter.add.f32 [tilespmem:s13], [sflag:$0x1], $0x1, s29, s12, $0xb8;
	[tilespmem:$0x4300] =	vst v63  }
0x2a: {  	s30 =	simm.s32 $0x580  }
0x2b: {  	[spmem:s3] =	stream.indirect.scatter.add.f32 [tilespmem:s13], [sflag:$0x1], $0x1, s30, s12, $0xb8;
	[tilespmem:$0x4300] =	vst v63  }
0x2c: {  	s31 =	simm.s32 $0x600  }
0x2d: {  	[spmem:s3] =	stream.indirect.scatter.add.f32 [tilespmem:s13], [sflag:$0x1], $0x1, s31, s12, $0xb8;
	[tilespmem:$0x4300] =	vst v63  }
0x2e: {  	_ =	swait.ge [sflag:s14], $0x50  }
0x2f: {  	[sflag:s14] =	ssyncset.done $0x0  }
0x30: {  	[sflag:s14] =	ssyncadd.s32 $0xFFFFFFB0  }
0x31: {  	_ =	swait.ge [sflag:s14], $0x50  }
0x32: {  	[sflag:s14] =	ssyncset.done $0x0  }
0x33: {  	[sflag:s14] =	ssyncadd.s32 $0xFFFFFFB0  }
0x34: {  	_ =	swait.ge [sflag:s14], $0x50  }
0x35: {  	[sflag:s14] =	ssyncset.done $0x0  }
0x36: {  	[sflag:s14] =	ssyncadd.s32 $0xFFFFFFB0  }
0x37: {  	_ =	swait.ge [sflag:s14], $0x50  }
0x38: {  	[sflag:s14] =	ssyncset.done $0x0  }
0x39: {  	[sflag:s14] =	ssyncadd.s32 $0xFFFFFFB0  }
0x3a: {  	_ =	swait.ge [sflag:s14], $0x50  }
0x3b: {  	[sflag:s14] =	ssyncset.done $0x0  }
0x3c: {  	[sflag:s14] =	ssyncadd.s32 $0xFFFFFFB0  }
0x3d: {  	_ =	swait.ge [sflag:s14], $0x50  }
0x3e: {  	[sflag:s14] =	ssyncset.done $0x0  }
0x3f: {  	[sflag:s14] =	ssyncadd.s32 $0xFFFFFFB0  }
0x40: {  	_ =	swait.ge [sflag:s14], $0x50  }
0x41: {  	[sflag:s14] =	ssyncset.done $0x0  }
0x42: {  	[sflag:s14] =	ssyncadd.s32 $0xFFFFFFB0  }
0x43: {  	_ =	swait.ge [sflag:s14], $0x50  }
0x44: {  	s23 =	simm.s32 $0x400;
	s24 =	simm.s32 $0x2000;
	[sflag:s14] =	ssyncset.done $0x0  }
.LBB2_2:
0x45: {  	s25 =	sadd.s32 $0x280, s23  }
0x46: {  	[sflag:s14] =	ssyncadd.s32 $0xFFFFFFB0;
	s22 =	smov.u32 s24;
	s21 =	sadd.s32 $0x1000, s24  }
0x47: {  	[spmem:s3] =	stream.indirect.scatter.add.f32 [tilespmem:s13], [sflag:$0x1], $0x1, s25, s12, $0xb8;
	[tilespmem:$0x4300] =	vst v63  }
0x48: {  	p0 =	sne.s32 s24, $0xE000;
	s24 =	sadd.s32 $0x300, s23  }
0x49: {  	[spmem:s3] =	stream.indirect.scatter.add.f32 [tilespmem:s13], [sflag:$0x1], $0x1, s24, s12, $0xb8;
	[tilespmem:$0x4300] =	vst v63  }
0x4a: {  	s24 =	sadd.s32 $0x380, s23  }
0x4b: {  	[spmem:s3] =	stream.indirect.scatter.add.f32 [tilespmem:s13], [sflag:$0x1], $0x1, s24, s12, $0xb8;
	[tilespmem:$0x4300] =	vst v63  }
0x4c: {  	s24 =	sadd.s32 $0x400, s23  }
0x4d: {  	[spmem:s3] =	stream.indirect.scatter.add.f32 [tilespmem:s13], [sflag:$0x1], $0x1, s24, s12, $0xb8;
	[tilespmem:$0x4300] =	vst v63  }
0x4e: {  	s24 =	sadd.s32 $0x480, s23  }
0x4f: {  	[spmem:s3] =	stream.indirect.scatter.add.f32 [tilespmem:s13], [sflag:$0x1], $0x1, s24, s12, $0xb8;
	[tilespmem:$0x4300] =	vst v63  }
0x50: {  	s24 =	sadd.s32 $0x500, s23  }
0x51: {  	[spmem:s3] =	stream.indirect.scatter.add.f32 [tilespmem:s13], [sflag:$0x1], $0x1, s24, s12, $0xb8;
	[tilespmem:$0x4300] =	vst v63  }
0x52: {  	s24 =	sadd.s32 $0x580, s23  }
0x53: {  	[spmem:s3] =	stream.indirect.scatter.add.f32 [tilespmem:s13], [sflag:$0x1], $0x1, s24, s12, $0xb8;
	[tilespmem:$0x4300] =	vst v63  }
0x54: {  	s23 =	sadd.s32 $0x600, s23  }
0x55: {  	[spmem:s3] =	stream.indirect.scatter.add.f32 [tilespmem:s13], [sflag:$0x1], $0x1, s23, s12, $0xb8;
	[tilespmem:$0x4300] =	vst v63  }
0x56: {  	_ =	swait.ge [sflag:s14], $0x50  }
0x57: {  	[sflag:s14] =	ssyncset.done $0x0  }
0x58: {  	[sflag:s14] =	ssyncadd.s32 $0xFFFFFFB0  }
0x59: {  	_ =	swait.ge [sflag:s14], $0x50  }
0x5a: {  	[sflag:s14] =	ssyncset.done $0x0  }
0x5b: {  	[sflag:s14] =	ssyncadd.s32 $0xFFFFFFB0  }
0x5c: {  	_ =	swait.ge [sflag:s14], $0x50  }
0x5d: {  	[sflag:s14] =	ssyncset.done $0x0  }
0x5e: {  	[sflag:s14] =	ssyncadd.s32 $0xFFFFFFB0  }
0x5f: {  	_ =	swait.ge [sflag:s14], $0x50  }
0x60: {  	[sflag:s14] =	ssyncset.done $0x0  }
0x61: {  	[sflag:s14] =	ssyncadd.s32 $0xFFFFFFB0  }
0x62: {  	_ =	swait.ge [sflag:s14], $0x50  }
0x63: {  	[sflag:s14] =	ssyncset.done $0x0  }
0x64: {  	[sflag:s14] =	ssyncadd.s32 $0xFFFFFFB0  }
0x65: {  	_ =	swait.ge [sflag:s14], $0x50  }
0x66: {  	[sflag:s14] =	ssyncset.done $0x0  }
0x67: {  	[sflag:s14] =	ssyncadd.s32 $0xFFFFFFB0  }
.Ltmp0:
0x68: {  	_ =	swait.ge [sflag:s14], $0x50;
	(pc) =	sbr.rel @p0 .LBB2_2-.Ltmp0, $4  }
0x69: {  	[sflag:s14] =	ssyncset.done $0x0  }
0x6a: {  	[sflag:s14] =	ssyncadd.s32 $0xFFFFFFB0  }
0x6b: {  	_ =	swait.ge [sflag:s14], $0x50  }
0x6c: {  	s24 =	smov.u32 s21;
	s23 =	sshra.s32 s22, $0x2;
	[sflag:s14] =	ssyncset.done $0x0  }
0x6d: {  	s21 =	sadd.s32 $0x280, s23;
	[sflag:s14] =	ssyncadd.s32 $0xFFFFFFB0  }
0x6e: {  	[spmem:s3] =	stream.indirect.scatter.add.f32 [tilespmem:s13], [sflag:$0x1], $0x1, s21, s12, $0xb8;
	[tilespmem:$0x4300] =	vst v63  }
0x6f: {  	s24 =	sadd.s32 $0x300, s23  }
0x70: {  	[spmem:s3] =	stream.indirect.scatter.add.f32 [tilespmem:s13], [sflag:$0x1], $0x1, s24, s12, $0xb8;
	[tilespmem:$0x4300] =	vst v63  }
0x71: {  	s25 =	sadd.s32 $0x380, s23  }
0x72: {  	[spmem:s3] =	stream.indirect.scatter.add.f32 [tilespmem:s13], [sflag:$0x1], $0x1, s25, s12, $0xb8;
	[tilespmem:$0x4300] =	vst v63  }
0x73: {  	s26 =	sadd.s32 $0x400, s23  }
0x74: {  	[spmem:s3] =	stream.indirect.scatter.add.f32 [tilespmem:s13], [sflag:$0x1], $0x1, s26, s12, $0xb8;
	[tilespmem:$0x4300] =	vst v63  }
0x75: {  	s28 =	sadd.s32 $0x480, s23  }
0x76: {  	[spmem:s3] =	stream.indirect.scatter.add.f32 [tilespmem:s13], [sflag:$0x1], $0x1, s28, s12, $0xb8;
	[tilespmem:$0x4300] =	vst v63  }
0x77: {  	s29 =	sadd.s32 $0x500, s23  }
0x78: {  	[spmem:s3] =	stream.indirect.scatter.add.f32 [tilespmem:s13], [sflag:$0x1], $0x1, s29, s12, $0xb8;
	[tilespmem:$0x4300] =	vst v63  }
0x79: {  	s30 =	sadd.s32 $0x580, s23  }
0x7a: {  	[spmem:s3] =	stream.indirect.scatter.add.f32 [tilespmem:s13], [sflag:$0x1], $0x1, s30, s12, $0xb8;
	[tilespmem:$0x4300] =	vst v63  }
0x7b: {  	s31 =	sadd.s32 $0x600, s23  }
0x7c: {  	[spmem:s3] =	stream.indirect.scatter.add.f32 [tilespmem:s13], [sflag:$0x1], $0x1, s31, s12, $0xb8;
	[tilespmem:$0x4300] =	vst v63  }
0x7d: {  	_ =	swait.ge [sflag:s14], $0x50  }
0x7e: {  	[sflag:s14] =	ssyncset.done $0x0  }
0x7f: {  	[sflag:s14] =	ssyncadd.s32 $0xFFFFFFB0  }
0x80: {  	_ =	swait.ge [sflag:s14], $0x50  }
0x81: {  	[sflag:s14] =	ssyncset.done $0x0  }
0x82: {  	[sflag:s14] =	ssyncadd.s32 $0xFFFFFFB0  }
0x83: {  	_ =	swait.ge [sflag:s14], $0x50  }
0x84: {  	[sflag:s14] =	ssyncset.done $0x0  }
0x85: {  	[sflag:s14] =	ssyncadd.s32 $0xFFFFFFB0  }
0x86: {  	_ =	swait.ge [sflag:s14], $0x50  }
0x87: {  	[sflag:s14] =	ssyncset.done $0x0  }
0x88: {  	[sflag:s14] =	ssyncadd.s32 $0xFFFFFFB0  }
0x89: {  	_ =	swait.ge [sflag:s14], $0x50  }
0x8a: {  	[sflag:s14] =	ssyncset.done $0x0  }
0x8b: {  	[sflag:s14] =	ssyncadd.s32 $0xFFFFFFB0  }
0x8c: {  	_ =	swait.ge [sflag:s14], $0x50  }
0x8d: {  	[sflag:s14] =	ssyncset.done $0x0  }
0x8e: {  	[sflag:s14] =	ssyncadd.s32 $0xFFFFFFB0  }
0x8f: {  	_ =	swait.ge [sflag:s14], $0x50  }
0x90: {  	[sflag:s14] =	ssyncset.done $0x0  }
0x91: {  	[sflag:s14] =	ssyncadd.s32 $0xFFFFFFB0  }
0x92: {  	_ =	swait.ge [sflag:s14], $0x50  }
0x93: {  	[sflag:s14] =	ssyncset.done $0x0  }
0x94: {  	[sflag:s14] =	ssyncadd.s32 $0xFFFFFFB0  }
0x95: {  	[spmem:s3] =	stream.indirect.scatter.add.f32 [tilespmem:s13], [sflag:$0x1], $0x1, s15, s12, $0xb8;
	[tilespmem:$0x4300] =	vst v63  }
0x96: {  	_ = 	snop  }
0x97: {  	[spmem:s3] =	stream.indirect.scatter.add.f32 [tilespmem:s13], [sflag:$0x1], $0x1, s16, s12, $0xb8;
	[tilespmem:$0x4300] =	vst v63  }
0x98: {  	_ = 	snop  }
0x99: {  	[spmem:s3] =	stream.indirect.scatter.add.f32 [tilespmem:s13], [sflag:$0x1], $0x1, s17, s12, $0xb8;
	[tilespmem:$0x4300] =	vst v63  }
0x9a: {  	_ = 	snop  }
0x9b: {  	[spmem:s3] =	stream.indirect.scatter.add.f32 [tilespmem:s13], [sflag:$0x1], $0x1, s18, s12, $0xb8;
	[tilespmem:$0x4300] =	vst v63  }
0x9c: {  	_ = 	snop  }
0x9d: {  	[spmem:s3] =	stream.indirect.scatter.add.f32 [tilespmem:s13], [sflag:$0x1], $0x1, s19, s12, $0xb8;
	[tilespmem:$0x4300] =	vst v63  }
0x9e: {  	_ =	swait.ge [sflag:s14], $0x50  }
0x9f: {  	[sflag:s14] =	ssyncset.done $0x0  }
0xa0: {  	[sflag:s14] =	ssyncadd.s32 $0xFFFFFFB0  }
0xa1: {  	_ =	swait.ge [sflag:s14], $0x50  }
0xa2: {  	[sflag:s14] =	ssyncset.done $0x0  }
0xa3: {  	[sflag:s14] =	ssyncadd.s32 $0xFFFFFFB0  }
0xa4: {  	_ =	swait.ge [sflag:s14], $0x50  }
0xa5: {  	[sflag:s14] =	ssyncset.done $0x0  }
0xa6: {  	[sflag:s14] =	ssyncadd.s32 $0xFFFFFFB0  }
0xa7: {  	_ =	swait.ge [sflag:s14], $0x50  }
0xa8: {  	[sflag:s14] =	ssyncset.done $0x0  }
0xa9: {  	[sflag:s14] =	ssyncadd.s32 $0xFFFFFFB0  }
0xaa: {  	_ =	swait.ge [sflag:s14], $0x50  }
0xab: {  	s20 =	sadd.s32 $0x1, s20;
	[sflag:s14] =	ssyncset.done $0x0  }
0xac: {  	p0 =	sne.s32 s20, s7;
	[sflag:s14] =	ssyncadd.s32 $0xFFFFFFB0  }
.Ltmp1:
0xad: {  	[bflag:$0x0] =	sbarrier.arrive $0xFFFF;
	(pc) =	sbr.rel @p0 .LBB2_1-.Ltmp1, $4  }
0xae: {  	[hbm:s8], [sflag:s5] =	dma.local [spmem:s9], $0x50  }
0xaf: {  	_ =	swait.ge [sflag:s10], $0x50  }
0xb0: {  	[sflag:s10] =	ssyncset.done $0x0  }
0xb1: {  	[sflag:s10] =	ssyncadd.s32 $0xFFFFFFB0  }
0xb2: {  	_ =	sfence.sel $0x180000  }
0xb3: {  	[bflag:$0x0] =	sbarrier.arrive $0xFFFF  }
0xb4: {  	p0 =	sne.s32 s2, $0x0;
	_ =	strace $0x90000047  }
0xb5: {  	s0 =	sadd.s32 @!p0 $0x100000, s0;
	[bflag:$0x2] =	sbarrier.arrive $0xFFFF  }
0xb6: {  	[sflag:s0] =	ssyncadd.tile.s32 @!p0 $0x1;
	_ =	shalt  }
.Lfunc_end2:
_tile_overlayer_lowered:
.L_overlay_start_2:
0xb7: {  	(tag) =	ssettag $0x2  }
0xb8: {  	s0 =	rddreg [dreg:$0x0];
	s2 =	stileid.u32  }
0xb9: {  	s1 =	rddreg [dreg:$0x1];
	p0 =	sne.s32 s2, $0x0  }
0xba: {  	s3 =	rddreg [dreg:$0x2];
	[bflag:$0x3] =	sbarrier.arrive $0xFFFF;
	s2 =	simm.s32 @!p0 $0x1C02  }
0xbb: {  	[timem:s3], [sflag:s2] =	dma.local @!p0 [hbm:s0], s1  }
0xbc: {  	s0 =	simm.s32 @!p0 $0x2  }
0xbd: {  	_ =	swait.ge @!p0 [sflag:s0], s1  }
0xbe: {  	s1 =	ssub.s32 @!p0 $0x0, s1;
	[sflag:s0] =	ssyncset.done @!p0 $0x0  }
0xbf: {  	[sflag:s0] =	ssyncadd.s32 @!p0 s1  }
0xc0: {  	[bflag:$0x3] =	sbarrier.arrive $0xFFFF  }
0xc1: {  	_ =	shalt  }

// kernel: kernel.13.cloned.1.call-start
scs
__scs_entry_jumppad:
0x0: {  	(pc) =	sbr.rel $0x88, $3  }
0x1: {  	(tag) =	ssettag $0x0;
	lr =	simm.s32 $0x1  }
0x2: {  	[smem:$0x3F96] =	sst lr;
	_ =	strace $0xD0000000  }
0x3: {  	_ = 	snop  }
0x4: {  	_ = 	snop  }
0x5: {  	_ = 	snop  }
0x6: {  	_ = 	snop  }
0x7: {  	_ = 	snop  }
__scs_overlays_trampoline_lowered:
0x8: {  	[smem:$0x3FA5] =	sst s0  }
0x9: {  	[smem:$0x3FA6] =	sst s1  }
0xa: {  	[smem:$0x3FA7] =	sst s2  }
0xb: {  	[smem:$0x3FA8] =	sst s3  }
0xc: {  	[smem:$0x3FA9] =	sst s4  }
0xd: {  	[smem:$0x3FAA] =	sst s5  }
0xe: {  	[smem:$0x3FAB] =	sst s6  }
0xf: {  	[smem:$0x3FAC] =	sst s7  }
0x10: {  	[smem:$0x3FAD] =	sst s8  }
0x11: {  	[smem:$0x3FAE] =	sst s9;
	s0 =	simm.s32 @!p0 $0x0  }
0x12: {  	s1 =	sld [smem:$0x3F94];
	s0 =	simm.s32 @p0 $0x1  }
0x13: {  	[smem:$0x3FAF] =	sst s0;
	s0 =	simm.s32 @!p1 $0x0  }
0x14: {  	s2 =	sld [smem:$0x3F93];
	s0 =	simm.s32 @p1 $0x1  }
0x15: {  	[smem:$0x3FB0] =	sst s0;
	s0 =	simm.s32 @!p2 $0x0  }
0x16: {  	s3 =	sld [smem:$0x3FDB];
	s0 =	simm.s32 @p2 $0x1  }
0x17: {  	s4 =	simm.s32 $0x1BF5;
	[smem:$0x3FB2] =	sst s0  }
0x18: {  	s0 =	sld [smem:$0x3F95];
	_ =	swait.ge [sflag:s4], $0x0  }
0x19: {  	s7 =	sld [smem:$0x3F96]  }
0x1a: {  	s8 =	sadd.s32 $0xFFFFE003, lr  }
0x1b: {  	s9 =	sadd.s32 $0xFFFFFEF7, lr;
	s5 =	simm.s32 $0xFFFFFFFF;
	p2 =	slt.u32 s8, $0xFFFFF086  }
0x1c: {  	p1 =	slt.u32 s9, $0xF7A;
	s5 =	simm.s32 @!p2 $0x0  }
0x1d: {  	s5 =	simm.s32 @p1 $0x1;
	p0 =	seq.s32 s7, s2  }
0x1e: {  	s7 =	smul.u32 @!p0 $0xF7A, s2;
	p2 =	seq.s32 @!p0 s5, $0x0  }
0x1f: {  	s9 =	smul.u32 $0xF7A, s1;
	s8 =	simm.s32 @!p0 $0x1BF5;
	p2 =	por !p2, p0  }
0x20: {  	[sflag:s8] =	ssyncset.s32 @!p0 $0xFFFFF086;
	s6 =	sadd.s32 @!p0 s3, s7;
	s7 =	simm.s32 @!p0 $0x108  }
0x21: {  	s3 =	sadd.s32 s3, s9;
	s6 =	sadd.s32 @!p0 $0x88, s6;
	s7 =	simm.s32 @p2 $0x1082  }
0x22: {  	[simem:s7], [sflag:s8] =	dma.local @!p0 [hbm:s6], $0xF7A  }
0x23: {  	s9 =	sor.u32 $0xD0000000, s2;
	s6 =	simm.s32 $0x108;
	_ =	swait.ge @!p0 [sflag:s8], $0x0  }
0x24: {  	s3 =	sadd.s32 $0x88, s3;
	s6 =	simm.s32 @!p1 $0x1082;
	[sflag:s4] =	ssyncset.s32 $0xFFFFF086  }
0x25: {  	[simem:s6], [sflag:s4] =	dma.local [hbm:s3], $0xF7A  }
0x26: {  	[smem:$0x3F96] =	sst s1;
	(tag) =	ssettag s2;
	_ =	strace s9  }
0x27: {  	s1 =	sld [smem:$0x3FA6]  }
0x28: {  	s2 =	sld [smem:$0x3FA7]  }
0x29: {  	s4 =	sld [smem:$0x3FA9]  }
0x2a: {  	p0 =	seq.s32 s5, $0x0;
	s5 =	sld [smem:$0x3FAA]  }
0x2b: {  	s6 =	sld [smem:$0x3FAB]  }
0x2c: {  	s7 =	sld [smem:$0x3FAC]  }
0x2d: {  	s3 =	simm.s32 $0x108;
	s8 =	sld [smem:$0x3FAD]  }
0x2e: {  	s3 =	simm.s32 @!p0 $0x1082;
	s9 =	sld [smem:$0x3FAE]  }
0x2f: {  	lr =	sadd.s32 s0, s3;
	s0 =	sld [smem:$0x3FA5]  }
0x30: {  	s3 =	sld [smem:$0x3FA8]  }
0x31: {  	[smem:$0x3FB1] =	sst s10  }
0x32: {  	s10 =	sld [smem:$0x3FAF];
	_ =	sdelay $0x3  }
0x33: {  	p0 =	seq.s32 s10, $0x1;
	s10 =	sld [smem:$0x3FB1];
	_ =	sdelay $0x3  }
0x34: {  	[smem:$0x3FB1] =	sst s10  }
0x35: {  	s10 =	sld [smem:$0x3FB0];
	_ =	sdelay $0x3  }
0x36: {  	p1 =	seq.s32 s10, $0x1;
	s10 =	sld [smem:$0x3FB1];
	_ =	sdelay $0x3  }
0x37: {  	[smem:$0x3FB1] =	sst s10  }
0x38: {  	s10 =	sld [smem:$0x3FB2]  }
0x39: {  	_ = 	snop;
	(pc) =	sbr.ind lr, $3  }
0x3a: {  	_ = 	snop  }
0x3b: {  	_ = 	snop  }
0x3c: {  	p2 =	seq.s32 s10, $0x1;
	s10 =	sld [smem:$0x3FB1]  }
0x3d: {  	_ =	shalt  }
0x3e: {  	_ =	shalt  }
0x3f: {  	_ =	shalt  }
0x40: {  	_ =	shalt  }
0x41: {  	_ =	shalt  }
0x42: {  	_ =	shalt  }
0x43: {  	_ =	shalt  }
0x44: {  	_ =	shalt  }
0x45: {  	_ =	shalt  }
0x46: {  	_ =	shalt  }
0x47: {  	_ =	shalt  }
0x48: {  	_ =	shalt  }
0x49: {  	_ =	shalt  }
0x4a: {  	_ =	shalt  }
0x4b: {  	_ =	shalt  }
0x4c: {  	_ =	shalt  }
0x4d: {  	_ =	shalt  }
0x4e: {  	_ =	shalt  }
0x4f: {  	_ =	shalt  }
0x50: {  	_ =	shalt  }
0x51: {  	_ =	shalt  }
0x52: {  	_ =	shalt  }
0x53: {  	_ =	shalt  }
0x54: {  	_ =	shalt  }
0x55: {  	_ =	shalt  }
0x56: {  	_ =	shalt  }
0x57: {  	_ =	shalt  }
0x58: {  	_ =	shalt  }
0x59: {  	_ =	shalt  }
0x5a: {  	_ =	shalt  }
0x5b: {  	_ =	shalt  }
0x5c: {  	_ =	shalt  }
0x5d: {  	_ =	shalt  }
0x5e: {  	_ =	shalt  }
0x5f: {  	_ =	shalt  }
0x60: {  	_ =	shalt  }
0x61: {  	_ =	shalt  }
0x62: {  	_ =	shalt  }
0x63: {  	_ =	shalt  }
0x64: {  	_ =	shalt  }
0x65: {  	_ =	shalt  }
0x66: {  	_ =	shalt  }
0x67: {  	_ =	shalt  }
0x68: {  	_ =	shalt  }
0x69: {  	_ =	shalt  }
0x6a: {  	_ =	shalt  }
0x6b: {  	_ =	shalt  }
0x6c: {  	_ =	shalt  }
0x6d: {  	_ =	shalt  }
0x6e: {  	_ =	shalt  }
0x6f: {  	_ =	shalt  }
0x70: {  	_ =	shalt  }
0x71: {  	_ =	shalt  }
0x72: {  	_ =	shalt  }
0x73: {  	_ =	shalt  }
0x74: {  	_ =	shalt  }
0x75: {  	_ =	shalt  }
0x76: {  	_ =	shalt  }
0x77: {  	_ =	shalt  }
0x78: {  	_ =	shalt  }
0x79: {  	_ =	shalt  }
0x7a: {  	_ =	shalt  }
0x7b: {  	_ =	shalt  }
0x7c: {  	_ =	shalt  }
0x7d: {  	_ =	shalt  }
0x7e: {  	_ =	shalt  }
0x7f: {  	_ =	shalt  }
0x80: {  	_ =	shalt  }
0x81: {  	_ =	shalt  }
0x82: {  	_ =	shalt  }
0x83: {  	_ =	shalt  }
0x84: {  	_ =	shalt  }
0x85: {  	_ =	shalt  }
0x86: {  	_ =	shalt  }
0x87: {  	_ =	shalt  }
.Lfunc_end0:
.L_simem_size_0:
called_computation.1_lowered:
.L_overlay_start_0:
0x88: {  	s2 =	sld [smem:$0x3FD9]  }
0x89: {  	s3 =	sld [smem:$0x3FFE];
	_ =	sdelay $0x1  }
0x8a: {  	s1 =	srdreg.scid  }
0x8b: {  	s0 =	sand.u32 $0x1, s1  }
0x8c: {  	s16 =	sshll.u32 s0, $0xA;
	s2 =	sadd.s32 s3, s2  }
0x8d: {  	s2 =	sadd.s32 s2, s16  }
0x8e: {  	[smem:$0x3FBD] =	sst s2  }
0x8f: {  	_ = 	snop  }
0x90: {  	(tm) =	ssettm $0x1  }
0x91: {  	s17 =	sld [smem:$0x3FFB];
	_ =	sdelay $0x3  }
0x92: {  	_ =	strace s17  }
0x93: {  	s2 =	sld [smem:$0x3FFC];
	_ =	sdelay $0x3  }
0x94: {  	_ =	strace s2  }
0x95: {  	s2 =	sld [smem:$0x3FFD];
	_ =	sdelay $0x3  }
0x96: {  	_ =	strace s2  }
0x97: {  	_ =	strace $0x8FFFFFFF  }
0x98: {  	s18 =	sld [smem:$0x3FDB];
	_ =	sdelay $0x1  }
0x99: {  	s19 =	simm.s32 $_scs_section_size  }
0x9a: {  	s4 =	simm.s32 $_size__tile_overlayer_lowered;
	s5 =	simm.s32 $_tile_overlayer_lowered  }
0x9b: {  	s22 =	simm.s32 $0x1BFF;
	s21 =	sshll.u32 s5, $0x1;
	s2 =	sadd.s32 s19, s18  }
0x9c: {  	s6 =	simm.s32 $0x0;
	s20 =	sshll.u32 s4, $0x1;
	s4 =	sadd.s32 s21, s2  }
0x9d: {  	[timem:s6], [sflag:s22] =	dma.local [hbm:s4], s20  }
0x9e: {  	_ =	swait.ge [sflag:s22], s20  }
0x9f: {  	s3 =	ssub.s32 $0x0, s20;
	[sflag:s22] =	ssyncset.done $0x0  }
0xa0: {  	[sflag:s22] =	ssyncadd.s32 s3;
	_ =	sdelay $0x1  }
0xa1: {  	s23 =	simm.s32 $0x1B8B  }
0xa2: {  	_ =	swait.ge [sflag:s23], $0x1  }
0xa3: {  	[sflag:s23] =	ssyncset.done $0x0  }
0xa4: {  	s25 =	simm.s32 $0x1B8E;
	s24 =	sld [smem:$0x3FFE];
	[sflag:s23] =	ssyncadd.s32 $0xFFFFFFFF  }
0xa5: {  	s26 =	simm.s32 $execute0_lowered;
	[smem:$0x3FD2] =	sst s25  }
0xa6: {  	s4 =	sshll.u32 s26, $0x1;
	_ =	strace $0x80000049;
	[dreg:$0x1] =	wrdreg $0xFFFFFFFF  }
0xa7: {  	s28 =	simm.s32 $_size_execute0_lowered;
	s2 =	sadd.s32 s2, s4;
	[dreg:$0x0] =	wrdreg $0x0  }
0xa8: {  	s4 =	sshll.u32 s28, $0x1;
	[dreg:$0x2] =	wrdreg s2  }
0xa9: {  	[dreg:$0x3] =	wrdreg s4  }
0xaa: {  	[dreg:$0x4] =	wrdreg $0xC0  }
0xab: {  	_ =	task [dreg:s6], $0x5FFFF  }
0xac: {  	[dreg:$0x1] =	wrdreg $0xFFFFFFFF  }
0xad: {  	[dreg:$0x0] =	wrdreg $0x60  }
0xae: {  	[dreg:$0x2] =	wrdreg s24  }
0xaf: {  	[dreg:$0x3] =	wrdreg $0x0  }
0xb0: {  	[dreg:$0x4] =	wrdreg $0x9  }
0xb1: {  	_ =	task.clear_ibuf [dreg:s6], $0x5FFFF;
	_ =	strace $0x90000049  }
0xb2: {  	s29 =	simm.s32 $0x9;
	_ =	strace $0x8000004B  }
0xb3: {  	_ =	swait.ge [sflag:s29], $0x1  }
0xb4: {  	[sflag:s29] =	ssyncadd.s32 $0xFFFFFFFF  }
0xb5: {  	_ =	strace $0x9000004B  }
0xb6: {  	_ =	sfence  }
0xb7: {  	s30 =	sld [smem:$0x0];
	_ =	sdelay $0x2  }
0xb8: {  	s31 =	sshll.u32 s1, $0xD;
	s1 =	sshrl.u32 s1, $0x2  }
0xb9: {  	s3 =	sand.u32 $0x4000, s31;
	s1 =	sadd.s32 s1, s30  }
0xba: {  	s0 =	sor.u32 s3, s0;
	s1 =	sshll.u32 s1, $0x11  }
0xbb: {  	s0 =	sor.u32 s1, s0  }
0xbc: {  	s0 =	sadd.s32 $0x8F2B, s0  }
0xbd: {  	[sflag:s0] =	ssyncadd.remote.s32 $0x1  }
0xbe: {  	_ =	sfence.sel $0xFFFF  }
0xbf: {  	[dreg:$0x0] =	wrdreg $0xFFFFFFFF;
	(pc) =	sbr.abs _section_cstart, $3  }
0xc0: {  	[dreg:$0x1] =	wrdreg $0xFFFFFFFF  }
0xc1: {  	_ =	task.clear_ibuf [dreg:s6], $0x2FFFF;
	_ =	strace $0x9FFFFFFF  }
0xc2: {  	(tm) =	ssettm $0x7FFFFFFF  }
0xc3: {  	_ =	shalt  }
tec
execute0_lowered:
.L_overlay_start_1:
0x0: {  	(tag) =	ssettag $0x1  }
0x1: {  	s0 =	srdreg.scid;
	s1 =	rddreg [dreg:$0x0]  }
0x2: {  	s2 =	rddreg [dreg:$0x1];
	s3 =	stileid.u32  }
0x3: {  	s6 =	simm.s32 $0x0;
	s13 =	simm.s32 $0x48000;
	s19 =	simm.s32 $0x14000  }
0x4: {  	s20 =	simm.s32 $0x5;
	s21 =	simm.s32 $0x16780;
	s22 =	simm.s32 $0x50  }
0x5: {  	s23 =	simm.s32 $0x1A780;
	s25 =	simm.s32 $0x1CF80;
	s28 =	simm.s32 $0x3  }
0x6: {  	s30 =	simm.s32 $0x2;
	s24 =	simm.s32 $0x0;
	s7 =	smul.u32 $0x50000, s3  }
0x7: {  	s0 =	sand.u32 $0x1, s0;
	[smem:$0x7FF] =	sst s6;
	s12 =	smul.u32 $0x2800, s3  }
0x8: {  	s15 =	sadd.s32 $0x12C000, s2;
	s16 =	sadd.s32 $0x138800, s2;
	s4 =	sshll.u32 s0, $0x4  }
0x9: {  	_ =	strace $0x8000004A;
	s29 =	ssub.s32 $0x2, s0;
	p0 =	seq.s32 s0, $0x0  }
0xa: {  	s5 =	sor.u32 s3, s4;
	s4 =	sadd.s32 $0x1E600, s1;
	s8 =	sshrl.u32 s29, $0x1  }
0xb: {  	s31 =	sshrl.u32 s7, $0x2;
	s13 =	simm.s32 @!p0 $0x70000;
	p0 =	sne.s32 s0, $0x0  }
0xc: {  	s26 =	smul.u32 $0x4E2, s5;
	s5 =	sshll.u32 s5, $0xB;
	s11 =	ssub.s32 s29, s8  }
0xd: {  	s6 =	sadd.s32 s31, s2;
	s7 =	sadd.s32 s4, s12;
	s8 =	sadd.s32 $0x43E00, s1  }
0xe: {  	s0 =	sshll.u32 @p0 s3, $0x6;
	p2 =	seq.s32 @!p0 s3, $0xF;
	s10 =	sadd.s32 s5, s1  }
0xf: {  	s5 =	sadd.s32 $0x45800, s1;
	s11 =	smax.u32 s11, $0x1;
	p1 =	por !p2, p0  }
0x10: {  	p2 =	por p2, p0;
	s14 =	sshrl.u32 @p0 s6, $0x3;
	s9 =	sadd.s32 s26, s1  }
0x11: {  	s10 =	sadd.s32 $0xE600, s10;
	s1 =	sadd.s32 s13, s1;
	s13 =	sor.u32 @p0 $0x1C05, s0  }
0x12: {  	s15 =	sshrl.u32 @!p1 s15, $0x3;
	s0 =	sshll.u32 @!p2 s3, $0x6;
	s16 =	sshrl.u32 @!p1 s16, $0x3  }
0x13: {  	s18 =	sshrl.u32 @!p2 s6, $0x3;
	s26 =	simm.s32 $0x1;
	s9 =	sadd.s32 $0x4800, s9  }
0x14: {  	s12 =	sadd.s32 s1, s12;
	s17 =	sor.u32 @!p2 $0x1C05, s0;
	s0 =	simm.s32 $0x4  }
.LBB2_1:
0x15: {  	[spmem:s14], [sflag:s13] =	dma.local @p0 [hbm:s5], $0x2800  }
0x16: {  	s1 =	simm.s32 @p0 $0x5  }
0x17: {  	_ =	swait.ge @p0 [sflag:s1], $0x2800  }
0x18: {  	[sflag:s1] =	ssyncset.done @p0 $0x0  }
0x19: {  	s29 =	simm.s32 @!p1 $0x5;
	[sflag:s1] =	ssyncadd.s32 @p0 $0xFFFFD800;
	s1 =	simm.s32 @!p1 $0x1FC5  }
0x1a: {  	[spmem:s15], [sflag:s1] =	dma.local @!p1 [hbm:s8], $0x1900  }
0x1b: {  	_ =	swait.ge @!p1 [sflag:s29], $0x1900  }
0x1c: {  	[sflag:s29] =	ssyncset.done @!p1 $0x0  }
0x1d: {  	[sflag:s29] =	ssyncadd.s32 @!p1 $0xFFFFE700  }
0x1e: {  	[spmem:s16], [sflag:s1] =	dma.local @!p1 [hbm:s5], $0xF00  }
0x1f: {  	_ =	swait.ge @!p1 [sflag:s29], $0xF00  }
0x20: {  	[sflag:s29] =	ssyncset.done @!p1 $0x0  }
0x21: {  	s1 =	simm.s32 @!p2 $0x5;
	[sflag:s29] =	ssyncadd.s32 @!p1 $0xFFFFF100  }
0x22: {  	[spmem:s18], [sflag:s17] =	dma.local @!p2 [hbm:s7], $0x2800  }
0x23: {  	_ =	swait.ge @!p2 [sflag:s1], $0x2800  }
0x24: {  	[sflag:s1] =	ssyncset.done @!p2 $0x0  }
0x25: {  	s3 =	simm.s32 $0x0;
	[sflag:s1] =	ssyncadd.s32 @!p2 $0xFFFFD800  }
0x26: {  	[tilespmem:s19], [sflag:$0x5] =	stream.linear.gather [hbm4b:s9+s3], $0x2710, $0x38;
	[tilespmem:$0x1F780] =	vst v63  }
0x27: {  	_ =	swait.ge [sflag:s20], $0x2710  }
0x28: {  	[sflag:s20] =	ssyncset.done $0x0  }
0x29: {  	[sflag:s20] =	ssyncadd.s32 $0xFFFFD8F0  }
0x2a: {  	[tilespmem:s21], [sflag:$0x5] =	stream.linear.gather [hbm4b:s10+s3], $0x3E80, $0x38;
	[tilespmem:$0x1F780] =	vst v63  }
0x2b: {  	_ =	swait.ge [sflag:s20], $0x3E80  }
0x2c: {  	[sflag:s20] =	ssyncset.done $0x0  }
0x2d: {  	[sflag:s20] =	ssyncadd.s32 $0xFFFFC180  }
0x2e: {  	[bflag:$0x0] =	sbarrier.arrive $0xFFFF  }
0x2f: {  	[tilespmem:s23], [sflag:$0x1] =	stream.indirect.gather [hbm4b:s4+s22], $0x80, s19, s22, $0xb8;
	[tilespmem:$0x1F780] =	vst v63  }
0x30: {  	s3 =	simm.s32 $0x14050  }
0x31: {  	[tilespmem:s25], [sflag:$0x2] =	stream.indirect.gather [hbm4b:s4+s22], $0x80, s3, s22, $0xb8;
	[tilespmem:$0x1F780] =	vst v63  }
0x32: {  	_ =	swait.ge [sflag:s26], $0x2800  }
0x33: {  	[sflag:s26] =	ssyncset.done $0x0  }
0x34: {  	[sflag:s26] =	ssyncadd.s32 $0xFFFFD800  }
0x35: {  	[spmem:s2] =	stream.indirect.scatter.add.f32 [tilespmem:s23], [sflag:$0x3], $0x80, s21, s22, $0xb8;
	[tilespmem:$0x1F780] =	vst v63  }
0x36: {  	_ =	swait.ge [sflag:s28], $0x2800  }
0x37: {  	[sflag:s28] =	ssyncset.done $0x0  }
0x38: {  	s3 =	simm.s32 $0x140A0;
	[sflag:s28] =	ssyncadd.s32 $0xFFFFD800  }
0x39: {  	[tilespmem:s23], [sflag:$0x1] =	stream.indirect.gather [hbm4b:s4+s22], $0x80, s3, s22, $0xb8;
	[tilespmem:$0x1F780] =	vst v63  }
0x3a: {  	_ =	swait.ge [sflag:s30], $0x2800  }
0x3b: {  	[sflag:s30] =	ssyncset.done $0x0  }
0x3c: {  	s3 =	simm.s32 $0x16800;
	[sflag:s30] =	ssyncadd.s32 $0xFFFFD800  }
0x3d: {  	[spmem:s2] =	stream.indirect.scatter.add.f32 [tilespmem:s25], [sflag:$0x4], $0x80, s3, s22, $0xb8;
	[tilespmem:$0x1F780] =	vst v63  }
0x3e: {  	_ =	swait.ge [sflag:s0], $0x2800  }
0x3f: {  	[sflag:s0] =	ssyncset.done $0x0  }
0x40: {  	s3 =	simm.s32 $0x140F0;
	[sflag:s0] =	ssyncadd.s32 $0xFFFFD800  }
0x41: {  	[tilespmem:s25], [sflag:$0x2] =	stream.indirect.gather [hbm4b:s4+s22], $0x80, s3, s22, $0xb8;
	[tilespmem:$0x1F780] =	vst v63  }
0x42: {  	_ =	swait.ge [sflag:s26], $0x2800  }
0x43: {  	[sflag:s26] =	ssyncset.done $0x0  }
0x44: {  	s3 =	simm.s32 $0x16880;
	[sflag:s26] =	ssyncadd.s32 $0xFFFFD800  }
0x45: {  	[spmem:s2] =	stream.indirect.scatter.add.f32 [tilespmem:s23], [sflag:$0x3], $0x80, s3, s22, $0xb8;
	[tilespmem:$0x1F780] =	vst v63  }
0x46: {  	_ =	swait.ge [sflag:s28], $0x2800  }
0x47: {  	[sflag:s28] =	ssyncset.done $0x0  }
0x48: {  	s3 =	simm.s32 $0x14140;
	[sflag:s28] =	ssyncadd.s32 $0xFFFFD800  }
0x49: {  	[tilespmem:s23], [sflag:$0x1] =	stream.indirect.gather [hbm4b:s4+s22], $0x80, s3, s22, $0xb8;
	[tilespmem:$0x1F780] =	vst v63  }
0x4a: {  	_ =	swait.ge [sflag:s30], $0x2800  }
0x4b: {  	s31 =	simm.s32 $0x141E0;
	[sflag:s30] =	ssyncset.done $0x0  }
0x4c: {  	s29 =	simm.s32 $0xFFFF1000;
	s1 =	simm.s32 $0x16900;
	[sflag:s30] =	ssyncadd.s32 $0xFFFFD800  }
.LBB2_2:
0x4d: {  	[spmem:s2] =	stream.indirect.scatter.add.f32 [tilespmem:s25], [sflag:$0x4], $0x80, s1, s22, $0xb8;
	[tilespmem:$0x1F780] =	vst v63  }
0x4e: {  	s1 =	smov.u32 s29  }
0x4f: {  	p3 =	sne.s32 s29, $0xFFFFFC00;
	s29 =	sadd.s32 $0x400, s29;
	_ =	swait.ge [sflag:s0], $0x2800  }
0x50: {  	[sflag:s0] =	ssyncset.done $0x0  }
0x51: {  	s3 =	sadd.s32 $0xFFFFFFB0, s31;
	[sflag:s0] =	ssyncadd.s32 $0xFFFFD800  }
0x52: {  	[tilespmem:s25], [sflag:$0x2] =	stream.indirect.gather [hbm4b:s4+s22], $0x80, s3, s22, $0xb8;
	[tilespmem:$0x1F780] =	vst v63  }
0x53: {  	_ =	swait.ge [sflag:s26], $0x2800  }
0x54: {  	s1 =	sshra.s32 s1, $0x2;
	[sflag:s26] =	ssyncset.done $0x0  }
0x55: {  	s3 =	sadd.s32 $0x1A580, s1;
	[sflag:s26] =	ssyncadd.s32 $0xFFFFD800  }
0x56: {  	[spmem:s2] =	stream.indirect.scatter.add.f32 [tilespmem:s23], [sflag:$0x3], $0x80, s3, s22, $0xb8;
	[tilespmem:$0x1F780] =	vst v63  }
0x57: {  	_ =	swait.ge [sflag:s28], $0x2800  }
0x58: {  	[sflag:s28] =	ssyncset.done $0x0  }
.Ltmp0:
0x59: {  	[sflag:s28] =	ssyncadd.s32 $0xFFFFD800;
	(pc) =	sbr.rel @p3 .LBB2_2-.Ltmp0, $4  }
0x5a: {  	[tilespmem:s23], [sflag:$0x1] =	stream.indirect.gather [hbm4b:s4+s22], $0x80, s31, s22, $0xb8;
	[tilespmem:$0x1F780] =	vst v63  }
0x5b: {  	_ =	swait.ge [sflag:s30], $0x2800  }
0x5c: {  	[sflag:s30] =	ssyncset.done $0x0  }
0x5d: {  	s1 =	sadd.s32 $0x1A600, s1;
	s31 =	sadd.s32 $0xA0, s31;
	[sflag:s30] =	ssyncadd.s32 $0xFFFFD800  }
0x5e: {  	[spmem:s2] =	stream.indirect.scatter.add.f32 [tilespmem:s25], [sflag:$0x4], $0x80, s1, s22, $0xb8;
	[tilespmem:$0x1F780] =	vst v63  }
0x5f: {  	_ =	swait.ge [sflag:s26], $0x2800  }
0x60: {  	[sflag:s26] =	ssyncset.done $0x0  }
0x61: {  	s29 =	simm.s32 $0x1A580;
	[sflag:s26] =	ssyncadd.s32 $0xFFFFD800  }
0x62: {  	[spmem:s2] =	stream.indirect.scatter.add.f32 [tilespmem:s23], [sflag:$0x3], $0x80, s29, s22, $0xb8;
	[tilespmem:$0x1F780] =	vst v63  }
0x63: {  	_ =	swait.ge [sflag:s0], $0x2800  }
0x64: {  	[sflag:s0] =	ssyncset.done $0x0  }
0x65: {  	[sflag:s0] =	ssyncadd.s32 $0xFFFFD800  }
0x66: {  	s31 =	stileid.u32;
	_ =	swait.ge [sflag:s28], $0x2800  }
0x67: {  	s3 =	sshrl.u32 s6, $0x3;
	s24 =	sadd.s32 $0x1, s24;
	[sflag:s28] =	ssyncset.done $0x0  }
0x68: {  	s1 =	sshll.u32 s31, $0x6;
	p3 =	sne.s32 s24, s11;
	[sflag:s28] =	ssyncadd.s32 $0xFFFFD800  }
.Ltmp1:
0x69: {  	s1 =	sor.u32 $0x1C05, s1;
	[bflag:$0x0] =	sbarrier.arrive $0xFFFF;
	(pc) =	sbr.rel @p3 .LBB2_1-.Ltmp1, $4  }
0x6a: {  	[hbm:s12], [sflag:s1] =	dma.local [spmem:s3], $0x2800  }
0x6b: {  	_ =	swait.ge [sflag:s20], $0x2800  }
0x6c: {  	[sflag:s20] =	ssyncset.done $0x0  }
0x6d: {  	[sflag:s20] =	ssyncadd.s32 $0xFFFFD800  }
0x6e: {  	_ =	sfence.sel $0x180000  }
0x6f: {  	[bflag:$0x0] =	sbarrier.arrive $0xFFFF  }
0x70: {  	_ =	strace $0x9000004A  }
0x71: {  	s0 =	stileid.u32;
	[bflag:$0x2] =	sbarrier.arrive $0xFFFF  }
0x72: {  	p0 =	sne.s32 s0, $0x0;
	s0 =	rddreg [dreg:$0x2]  }
0x73: {  	s0 =	sadd.s32 @!p0 $0x100000, s0  }
0x74: {  	[sflag:s0] =	ssyncadd.tile.s32 @!p0 $0x1;
	_ =	shalt  }
.Lfunc_end2:
_tile_overlayer_lowered:
.L_overlay_start_2:
0x75: {  	(tag) =	ssettag $0x2  }
0x76: {  	s0 =	rddreg [dreg:$0x0];
	s2 =	stileid.u32  }
0x77: {  	s1 =	rddreg [dreg:$0x1];
	p0 =	sne.s32 s2, $0x0  }
0x78: {  	s3 =	rddreg [dreg:$0x2];
	[bflag:$0x3] =	sbarrier.arrive $0xFFFF;
	s2 =	simm.s32 @!p0 $0x1C05  }
0x79: {  	[timem:s3], [sflag:s2] =	dma.local @!p0 [hbm:s0], s1  }
0x7a: {  	s0 =	simm.s32 @!p0 $0x5  }
0x7b: {  	_ =	swait.ge @!p0 [sflag:s0], s1  }
0x7c: {  	s1 =	ssub.s32 @!p0 $0x0, s1;
	[sflag:s0] =	ssyncset.done @!p0 $0x0  }
0x7d: {  	[sflag:s0] =	ssyncadd.s32 @!p0 s1  }
0x7e: {  	[bflag:$0x3] =	sbarrier.arrive $0xFFFF  }
0x7f: {  	_ =	shalt  }

// kernel: kernel.16.cloned.1.call-start
scs
__scs_entry_jumppad:
0x0: {  	(pc) =	sbr.rel $0x88, $3  }
0x1: {  	(tag) =	ssettag $0x0;
	lr =	simm.s32 $0x1  }
0x2: {  	[smem:$0x3F96] =	sst lr;
	_ =	strace $0xD0000000  }
0x3: {  	_ = 	snop  }
0x4: {  	_ = 	snop  }
0x5: {  	_ = 	snop  }
0x6: {  	_ = 	snop  }
0x7: {  	_ = 	snop  }
__scs_overlays_trampoline_lowered:
0x8: {  	[smem:$0x3FA5] =	sst s0  }
0x9: {  	[smem:$0x3FA6] =	sst s1  }
0xa: {  	[smem:$0x3FA7] =	sst s2  }
0xb: {  	[smem:$0x3FA8] =	sst s3  }
0xc: {  	[smem:$0x3FA9] =	sst s4  }
0xd: {  	[smem:$0x3FAA] =	sst s5  }
0xe: {  	[smem:$0x3FAB] =	sst s6  }
0xf: {  	[smem:$0x3FAC] =	sst s7  }
0x10: {  	[smem:$0x3FAD] =	sst s8  }
0x11: {  	[smem:$0x3FAE] =	sst s9;
	s0 =	simm.s32 @!p0 $0x0  }
0x12: {  	s1 =	sld [smem:$0x3F94];
	s0 =	simm.s32 @p0 $0x1  }
0x13: {  	[smem:$0x3FAF] =	sst s0;
	s0 =	simm.s32 @!p1 $0x0  }
0x14: {  	s2 =	sld [smem:$0x3F93];
	s0 =	simm.s32 @p1 $0x1  }
0x15: {  	[smem:$0x3FB0] =	sst s0;
	s0 =	simm.s32 @!p2 $0x0  }
0x16: {  	s3 =	sld [smem:$0x3FDB];
	s0 =	simm.s32 @p2 $0x1  }
0x17: {  	s4 =	simm.s32 $0x1BF5;
	[smem:$0x3FB2] =	sst s0  }
0x18: {  	s0 =	sld [smem:$0x3F95];
	_ =	swait.ge [sflag:s4], $0x0  }
0x19: {  	s7 =	sld [smem:$0x3F96]  }
0x1a: {  	s8 =	sadd.s32 $0xFFFFE003, lr  }
0x1b: {  	s9 =	sadd.s32 $0xFFFFFEF7, lr;
	s5 =	simm.s32 $0xFFFFFFFF;
	p2 =	slt.u32 s8, $0xFFFFF086  }
0x1c: {  	p1 =	slt.u32 s9, $0xF7A;
	s5 =	simm.s32 @!p2 $0x0  }
0x1d: {  	s5 =	simm.s32 @p1 $0x1;
	p0 =	seq.s32 s7, s2  }
0x1e: {  	s7 =	smul.u32 @!p0 $0xF7A, s2;
	p2 =	seq.s32 @!p0 s5, $0x0  }
0x1f: {  	s9 =	smul.u32 $0xF7A, s1;
	s8 =	simm.s32 @!p0 $0x1BF5;
	p2 =	por !p2, p0  }
0x20: {  	[sflag:s8] =	ssyncset.s32 @!p0 $0xFFFFF086;
	s6 =	sadd.s32 @!p0 s3, s7;
	s7 =	simm.s32 @!p0 $0x108  }
0x21: {  	s3 =	sadd.s32 s3, s9;
	s6 =	sadd.s32 @!p0 $0x88, s6;
	s7 =	simm.s32 @p2 $0x1082  }
0x22: {  	[simem:s7], [sflag:s8] =	dma.local @!p0 [hbm:s6], $0xF7A  }
0x23: {  	s9 =	sor.u32 $0xD0000000, s2;
	s6 =	simm.s32 $0x108;
	_ =	swait.ge @!p0 [sflag:s8], $0x0  }
0x24: {  	s3 =	sadd.s32 $0x88, s3;
	s6 =	simm.s32 @!p1 $0x1082;
	[sflag:s4] =	ssyncset.s32 $0xFFFFF086  }
0x25: {  	[simem:s6], [sflag:s4] =	dma.local [hbm:s3], $0xF7A  }
0x26: {  	[smem:$0x3F96] =	sst s1;
	(tag) =	ssettag s2;
	_ =	strace s9  }
0x27: {  	s1 =	sld [smem:$0x3FA6]  }
0x28: {  	s2 =	sld [smem:$0x3FA7]  }
0x29: {  	s4 =	sld [smem:$0x3FA9]  }
0x2a: {  	p0 =	seq.s32 s5, $0x0;
	s5 =	sld [smem:$0x3FAA]  }
0x2b: {  	s6 =	sld [smem:$0x3FAB]  }
0x2c: {  	s7 =	sld [smem:$0x3FAC]  }
0x2d: {  	s3 =	simm.s32 $0x108;
	s8 =	sld [smem:$0x3FAD]  }
0x2e: {  	s3 =	simm.s32 @!p0 $0x1082;
	s9 =	sld [smem:$0x3FAE]  }
0x2f: {  	lr =	sadd.s32 s0, s3;
	s0 =	sld [smem:$0x3FA5]  }
0x30: {  	s3 =	sld [smem:$0x3FA8]  }
0x31: {  	[smem:$0x3FB1] =	sst s10  }
0x32: {  	s10 =	sld [smem:$0x3FAF];
	_ =	sdelay $0x3  }
0x33: {  	p0 =	seq.s32 s10, $0x1;
	s10 =	sld [smem:$0x3FB1];
	_ =	sdelay $0x3  }
0x34: {  	[smem:$0x3FB1] =	sst s10  }
0x35: {  	s10 =	sld [smem:$0x3FB0];
	_ =	sdelay $0x3  }
0x36: {  	p1 =	seq.s32 s10, $0x1;
	s10 =	sld [smem:$0x3FB1];
	_ =	sdelay $0x3  }
0x37: {  	[smem:$0x3FB1] =	sst s10  }
0x38: {  	s10 =	sld [smem:$0x3FB2]  }
0x39: {  	_ = 	snop;
	(pc) =	sbr.ind lr, $3  }
0x3a: {  	_ = 	snop  }
0x3b: {  	_ = 	snop  }
0x3c: {  	p2 =	seq.s32 s10, $0x1;
	s10 =	sld [smem:$0x3FB1]  }
0x3d: {  	_ =	shalt  }
0x3e: {  	_ =	shalt  }
0x3f: {  	_ =	shalt  }
0x40: {  	_ =	shalt  }
0x41: {  	_ =	shalt  }
0x42: {  	_ =	shalt  }
0x43: {  	_ =	shalt  }
0x44: {  	_ =	shalt  }
0x45: {  	_ =	shalt  }
0x46: {  	_ =	shalt  }
0x47: {  	_ =	shalt  }
0x48: {  	_ =	shalt  }
0x49: {  	_ =	shalt  }
0x4a: {  	_ =	shalt  }
0x4b: {  	_ =	shalt  }
0x4c: {  	_ =	shalt  }
0x4d: {  	_ =	shalt  }
0x4e: {  	_ =	shalt  }
0x4f: {  	_ =	shalt  }
0x50: {  	_ =	shalt  }
0x51: {  	_ =	shalt  }
0x52: {  	_ =	shalt  }
0x53: {  	_ =	shalt  }
0x54: {  	_ =	shalt  }
0x55: {  	_ =	shalt  }
0x56: {  	_ =	shalt  }
0x57: {  	_ =	shalt  }
0x58: {  	_ =	shalt  }
0x59: {  	_ =	shalt  }
0x5a: {  	_ =	shalt  }
0x5b: {  	_ =	shalt  }
0x5c: {  	_ =	shalt  }
0x5d: {  	_ =	shalt  }
0x5e: {  	_ =	shalt  }
0x5f: {  	_ =	shalt  }
0x60: {  	_ =	shalt  }
0x61: {  	_ =	shalt  }
0x62: {  	_ =	shalt  }
0x63: {  	_ =	shalt  }
0x64: {  	_ =	shalt  }
0x65: {  	_ =	shalt  }
0x66: {  	_ =	shalt  }
0x67: {  	_ =	shalt  }
0x68: {  	_ =	shalt  }
0x69: {  	_ =	shalt  }
0x6a: {  	_ =	shalt  }
0x6b: {  	_ =	shalt  }
0x6c: {  	_ =	shalt  }
0x6d: {  	_ =	shalt  }
0x6e: {  	_ =	shalt  }
0x6f: {  	_ =	shalt  }
0x70: {  	_ =	shalt  }
0x71: {  	_ =	shalt  }
0x72: {  	_ =	shalt  }
0x73: {  	_ =	shalt  }
0x74: {  	_ =	shalt  }
0x75: {  	_ =	shalt  }
0x76: {  	_ =	shalt  }
0x77: {  	_ =	shalt  }
0x78: {  	_ =	shalt  }
0x79: {  	_ =	shalt  }
0x7a: {  	_ =	shalt  }
0x7b: {  	_ =	shalt  }
0x7c: {  	_ =	shalt  }
0x7d: {  	_ =	shalt  }
0x7e: {  	_ =	shalt  }
0x7f: {  	_ =	shalt  }
0x80: {  	_ =	shalt  }
0x81: {  	_ =	shalt  }
0x82: {  	_ =	shalt  }
0x83: {  	_ =	shalt  }
0x84: {  	_ =	shalt  }
0x85: {  	_ =	shalt  }
0x86: {  	_ =	shalt  }
0x87: {  	_ =	shalt  }
.Lfunc_end0:
.L_simem_size_0:
called_computation.2_lowered:
.L_overlay_start_0:
0x88: {  	s2 =	sld [smem:$0x3FD9]  }
0x89: {  	s3 =	sld [smem:$0x3FFE];
	_ =	sdelay $0x1  }
0x8a: {  	s1 =	srdreg.scid  }
0x8b: {  	s0 =	sand.u32 $0x1, s1  }
0x8c: {  	s16 =	sshll.u32 s0, $0xA;
	s2 =	sadd.s32 s3, s2  }
0x8d: {  	s2 =	sadd.s32 s2, s16  }
0x8e: {  	[smem:$0x3FBD] =	sst s2  }
0x8f: {  	_ = 	snop  }
0x90: {  	(tm) =	ssettm $0x1  }
0x91: {  	s17 =	sld [smem:$0x3FFB];
	_ =	sdelay $0x3  }
0x92: {  	_ =	strace s17  }
0x93: {  	s2 =	sld [smem:$0x3FFC];
	_ =	sdelay $0x3  }
0x94: {  	_ =	strace s2  }
0x95: {  	s2 =	sld [smem:$0x3FFD];
	_ =	sdelay $0x3  }
0x96: {  	_ =	strace s2  }
0x97: {  	_ =	strace $0x8FFFFFFF  }
0x98: {  	s18 =	sld [smem:$0x3FDB];
	_ =	sdelay $0x1  }
0x99: {  	s19 =	simm.s32 $_scs_section_size  }
0x9a: {  	s4 =	simm.s32 $_size__tile_overlayer_lowered;
	s5 =	simm.s32 $_tile_overlayer_lowered  }
0x9b: {  	s22 =	simm.s32 $0x1BFF;
	s21 =	sshll.u32 s5, $0x1;
	s2 =	sadd.s32 s19, s18  }
0x9c: {  	s6 =	simm.s32 $0x0;
	s20 =	sshll.u32 s4, $0x1;
	s4 =	sadd.s32 s21, s2  }
0x9d: {  	[timem:s6], [sflag:s22] =	dma.local [hbm:s4], s20  }
0x9e: {  	_ =	swait.ge [sflag:s22], s20  }
0x9f: {  	s3 =	ssub.s32 $0x0, s20;
	[sflag:s22] =	ssyncset.done $0x0  }
0xa0: {  	[sflag:s22] =	ssyncadd.s32 s3;
	_ =	sdelay $0x1  }
0xa1: {  	s23 =	simm.s32 $0x1B8B  }
0xa2: {  	_ =	swait.ge [sflag:s23], $0x1  }
0xa3: {  	[sflag:s23] =	ssyncset.done $0x0  }
0xa4: {  	s25 =	simm.s32 $0x1B8E;
	s24 =	sld [smem:$0x3FFE];
	[sflag:s23] =	ssyncadd.s32 $0xFFFFFFFF  }
0xa5: {  	s26 =	simm.s32 $execute0_lowered;
	[smem:$0x3FD2] =	sst s25  }
0xa6: {  	s4 =	sshll.u32 s26, $0x1;
	_ =	strace $0x8000004C;
	[dreg:$0x1] =	wrdreg $0xFFFFFFFF  }
0xa7: {  	s28 =	simm.s32 $_size_execute0_lowered;
	s2 =	sadd.s32 s2, s4;
	[dreg:$0x0] =	wrdreg $0x0  }
0xa8: {  	s4 =	sshll.u32 s28, $0x1;
	[dreg:$0x2] =	wrdreg s2  }
0xa9: {  	[dreg:$0x3] =	wrdreg s4  }
0xaa: {  	[dreg:$0x4] =	wrdreg $0xC0  }
0xab: {  	_ =	task [dreg:s6], $0x5FFFF  }
0xac: {  	[dreg:$0x1] =	wrdreg $0xFFFFFFFF  }
0xad: {  	[dreg:$0x0] =	wrdreg $0x60  }
0xae: {  	[dreg:$0x2] =	wrdreg s24  }
0xaf: {  	[dreg:$0x3] =	wrdreg $0x0  }
0xb0: {  	[dreg:$0x4] =	wrdreg $0x9  }
0xb1: {  	_ =	task.clear_ibuf [dreg:s6], $0x5FFFF;
	_ =	strace $0x9000004C  }
0xb2: {  	s29 =	simm.s32 $0x9;
	_ =	strace $0x8000004E  }
0xb3: {  	_ =	swait.ge [sflag:s29], $0x1  }
0xb4: {  	[sflag:s29] =	ssyncadd.s32 $0xFFFFFFFF  }
0xb5: {  	_ =	strace $0x9000004E  }
0xb6: {  	_ =	sfence  }
0xb7: {  	s30 =	sld [smem:$0x0];
	_ =	sdelay $0x2  }
0xb8: {  	s31 =	sshll.u32 s1, $0xD;
	s1 =	sshrl.u32 s1, $0x2  }
0xb9: {  	s3 =	sand.u32 $0x4000, s31;
	s1 =	sadd.s32 s1, s30  }
0xba: {  	s0 =	sor.u32 s3, s0;
	s1 =	sshll.u32 s1, $0x11  }
0xbb: {  	s0 =	sor.u32 s1, s0  }
0xbc: {  	s0 =	sadd.s32 $0x8F2B, s0  }
0xbd: {  	[sflag:s0] =	ssyncadd.remote.s32 $0x1  }
0xbe: {  	_ =	sfence.sel $0xFFFF  }
0xbf: {  	[dreg:$0x0] =	wrdreg $0xFFFFFFFF;
	(pc) =	sbr.abs _section_cstart, $3  }
0xc0: {  	[dreg:$0x1] =	wrdreg $0xFFFFFFFF  }
0xc1: {  	_ =	task.clear_ibuf [dreg:s6], $0x2FFFF;
	_ =	strace $0x9FFFFFFF  }
0xc2: {  	(tm) =	ssettm $0x7FFFFFFF  }
0xc3: {  	_ =	shalt  }
tec
execute0_lowered:
.L_overlay_start_1:
0x0: {  	(tag) =	ssettag $0x1  }
0x1: {  	s0 =	srdreg.scid;
	s1 =	rddreg [dreg:$0x0]  }
0x2: {  	s2 =	rddreg [dreg:$0x1];
	s3 =	stileid.u32  }
0x3: {  	s6 =	simm.s32 $0x0;
	s13 =	simm.s32 $0x48000;
	s19 =	simm.s32 $0x14000  }
0x4: {  	s20 =	simm.s32 $0x5;
	s21 =	simm.s32 $0x16780;
	s22 =	simm.s32 $0x50  }
0x5: {  	s23 =	simm.s32 $0x1A780;
	s25 =	simm.s32 $0x1CF80;
	s28 =	simm.s32 $0x3  }
0x6: {  	s30 =	simm.s32 $0x2;
	s24 =	simm.s32 $0x0;
	s7 =	smul.u32 $0x50000, s3  }
0x7: {  	s0 =	sand.u32 $0x1, s0;
	[smem:$0x7FF] =	sst s6;
	s12 =	smul.u32 $0x2800, s3  }
0x8: {  	s15 =	sadd.s32 $0x12C000, s2;
	s16 =	sadd.s32 $0x138800, s2;
	s4 =	sshll.u32 s0, $0x4  }
0x9: {  	_ =	strace $0x8000004D;
	s29 =	ssub.s32 $0x2, s0;
	p0 =	seq.s32 s0, $0x0  }
0xa: {  	s5 =	sor.u32 s3, s4;
	s4 =	sadd.s32 $0x1E600, s1;
	s8 =	sshrl.u32 s29, $0x1  }
0xb: {  	s31 =	sshrl.u32 s7, $0x2;
	s13 =	simm.s32 @!p0 $0x70000;
	p0 =	sne.s32 s0, $0x0  }
0xc: {  	s26 =	smul.u32 $0x4E2, s5;
	s5 =	sshll.u32 s5, $0xB;
	s11 =	ssub.s32 s29, s8  }
0xd: {  	s6 =	sadd.s32 s31, s2;
	s7 =	sadd.s32 s4, s12;
	s8 =	sadd.s32 $0x43E00, s1  }
0xe: {  	s0 =	sshll.u32 @p0 s3, $0x6;
	p2 =	seq.s32 @!p0 s3, $0xF;
	s10 =	sadd.s32 s5, s1  }
0xf: {  	s5 =	sadd.s32 $0x45800, s1;
	s11 =	smax.u32 s11, $0x1;
	p1 =	por !p2, p0  }
0x10: {  	p2 =	por p2, p0;
	s14 =	sshrl.u32 @p0 s6, $0x3;
	s9 =	sadd.s32 s26, s1  }
0x11: {  	s10 =	sadd.s32 $0xE600, s10;
	s1 =	sadd.s32 s13, s1;
	s13 =	sor.u32 @p0 $0x1C05, s0  }
0x12: {  	s15 =	sshrl.u32 @!p1 s15, $0x3;
	s0 =	sshll.u32 @!p2 s3, $0x6;
	s16 =	sshrl.u32 @!p1 s16, $0x3  }
0x13: {  	s18 =	sshrl.u32 @!p2 s6, $0x3;
	s26 =	simm.s32 $0x1;
	s9 =	sadd.s32 $0x4800, s9  }
0x14: {  	s12 =	sadd.s32 s1, s12;
	s17 =	sor.u32 @!p2 $0x1C05, s0;
	s0 =	simm.s32 $0x4  }
.LBB2_1:
0x15: {  	[spmem:s14], [sflag:s13] =	dma.local @p0 [hbm:s5], $0x2800  }
0x16: {  	s1 =	simm.s32 @p0 $0x5  }
0x17: {  	_ =	swait.ge @p0 [sflag:s1], $0x2800  }
0x18: {  	[sflag:s1] =	ssyncset.done @p0 $0x0  }
0x19: {  	s29 =	simm.s32 @!p1 $0x5;
	[sflag:s1] =	ssyncadd.s32 @p0 $0xFFFFD800;
	s1 =	simm.s32 @!p1 $0x1FC5  }
0x1a: {  	[spmem:s15], [sflag:s1] =	dma.local @!p1 [hbm:s8], $0x1900  }
0x1b: {  	_ =	swait.ge @!p1 [sflag:s29], $0x1900  }
0x1c: {  	[sflag:s29] =	ssyncset.done @!p1 $0x0  }
0x1d: {  	[sflag:s29] =	ssyncadd.s32 @!p1 $0xFFFFE700  }
0x1e: {  	[spmem:s16], [sflag:s1] =	dma.local @!p1 [hbm:s5], $0xF00  }
0x1f: {  	_ =	swait.ge @!p1 [sflag:s29], $0xF00  }
0x20: {  	[sflag:s29] =	ssyncset.done @!p1 $0x0  }
0x21: {  	s1 =	simm.s32 @!p2 $0x5;
	[sflag:s29] =	ssyncadd.s32 @!p1 $0xFFFFF100  }
0x22: {  	[spmem:s18], [sflag:s17] =	dma.local @!p2 [hbm:s7], $0x2800  }
0x23: {  	_ =	swait.ge @!p2 [sflag:s1], $0x2800  }
0x24: {  	[sflag:s1] =	ssyncset.done @!p2 $0x0  }
0x25: {  	s3 =	simm.s32 $0x0;
	[sflag:s1] =	ssyncadd.s32 @!p2 $0xFFFFD800  }
0x26: {  	[tilespmem:s19], [sflag:$0x5] =	stream.linear.gather [hbm4b:s9+s3], $0x2710, $0x38;
	[tilespmem:$0x1F780] =	vst v63  }
0x27: {  	_ =	swait.ge [sflag:s20], $0x2710  }
0x28: {  	[sflag:s20] =	ssyncset.done $0x0  }
0x29: {  	[sflag:s20] =	ssyncadd.s32 $0xFFFFD8F0  }
0x2a: {  	[tilespmem:s21], [sflag:$0x5] =	stream.linear.gather [hbm4b:s10+s3], $0x3E80, $0x38;
	[tilespmem:$0x1F780] =	vst v63  }
0x2b: {  	_ =	swait.ge [sflag:s20], $0x3E80  }
0x2c: {  	[sflag:s20] =	ssyncset.done $0x0  }
0x2d: {  	[sflag:s20] =	ssyncadd.s32 $0xFFFFC180  }
0x2e: {  	[bflag:$0x0] =	sbarrier.arrive $0xFFFF  }
0x2f: {  	[tilespmem:s23], [sflag:$0x1] =	stream.indirect.gather [hbm4b:s4+s22], $0x80, s19, s22, $0xb8;
	[tilespmem:$0x1F780] =	vst v63  }
0x30: {  	s3 =	simm.s32 $0x14050  }
0x31: {  	[tilespmem:s25], [sflag:$0x2] =	stream.indirect.gather [hbm4b:s4+s22], $0x80, s3, s22, $0xb8;
	[tilespmem:$0x1F780] =	vst v63  }
0x32: {  	_ =	swait.ge [sflag:s26], $0x2800  }
0x33: {  	[sflag:s26] =	ssyncset.done $0x0  }
0x34: {  	[sflag:s26] =	ssyncadd.s32 $0xFFFFD800  }
0x35: {  	[spmem:s2] =	stream.indirect.scatter.add.f32 [tilespmem:s23], [sflag:$0x3], $0x80, s21, s22, $0xb8;
	[tilespmem:$0x1F780] =	vst v63  }
0x36: {  	_ =	swait.ge [sflag:s28], $0x2800  }
0x37: {  	[sflag:s28] =	ssyncset.done $0x0  }
0x38: {  	s3 =	simm.s32 $0x140A0;
	[sflag:s28] =	ssyncadd.s32 $0xFFFFD800  }
0x39: {  	[tilespmem:s23], [sflag:$0x1] =	stream.indirect.gather [hbm4b:s4+s22], $0x80, s3, s22, $0xb8;
	[tilespmem:$0x1F780] =	vst v63  }
0x3a: {  	_ =	swait.ge [sflag:s30], $0x2800  }
0x3b: {  	[sflag:s30] =	ssyncset.done $0x0  }
0x3c: {  	s3 =	simm.s32 $0x16800;
	[sflag:s30] =	ssyncadd.s32 $0xFFFFD800  }
0x3d: {  	[spmem:s2] =	stream.indirect.scatter.add.f32 [tilespmem:s25], [sflag:$0x4], $0x80, s3, s22, $0xb8;
	[tilespmem:$0x1F780] =	vst v63  }
0x3e: {  	_ =	swait.ge [sflag:s0], $0x2800  }
0x3f: {  	[sflag:s0] =	ssyncset.done $0x0  }
0x40: {  	s3 =	simm.s32 $0x140F0;
	[sflag:s0] =	ssyncadd.s32 $0xFFFFD800  }
0x41: {  	[tilespmem:s25], [sflag:$0x2] =	stream.indirect.gather [hbm4b:s4+s22], $0x80, s3, s22, $0xb8;
	[tilespmem:$0x1F780] =	vst v63  }
0x42: {  	_ =	swait.ge [sflag:s26], $0x2800  }
0x43: {  	[sflag:s26] =	ssyncset.done $0x0  }
0x44: {  	s3 =	simm.s32 $0x16880;
	[sflag:s26] =	ssyncadd.s32 $0xFFFFD800  }
0x45: {  	[spmem:s2] =	stream.indirect.scatter.add.f32 [tilespmem:s23], [sflag:$0x3], $0x80, s3, s22, $0xb8;
	[tilespmem:$0x1F780] =	vst v63  }
0x46: {  	_ =	swait.ge [sflag:s28], $0x2800  }
0x47: {  	[sflag:s28] =	ssyncset.done $0x0  }
0x48: {  	s3 =	simm.s32 $0x14140;
	[sflag:s28] =	ssyncadd.s32 $0xFFFFD800  }
0x49: {  	[tilespmem:s23], [sflag:$0x1] =	stream.indirect.gather [hbm4b:s4+s22], $0x80, s3, s22, $0xb8;
	[tilespmem:$0x1F780] =	vst v63  }
0x4a: {  	_ =	swait.ge [sflag:s30], $0x2800  }
0x4b: {  	s31 =	simm.s32 $0x141E0;
	[sflag:s30] =	ssyncset.done $0x0  }
0x4c: {  	s29 =	simm.s32 $0xFFFF1000;
	s1 =	simm.s32 $0x16900;
	[sflag:s30] =	ssyncadd.s32 $0xFFFFD800  }
.LBB2_2:
0x4d: {  	[spmem:s2] =	stream.indirect.scatter.add.f32 [tilespmem:s25], [sflag:$0x4], $0x80, s1, s22, $0xb8;
	[tilespmem:$0x1F780] =	vst v63  }
0x4e: {  	s1 =	smov.u32 s29  }
0x4f: {  	p3 =	sne.s32 s29, $0xFFFFFC00;
	s29 =	sadd.s32 $0x400, s29;
	_ =	swait.ge [sflag:s0], $0x2800  }
0x50: {  	[sflag:s0] =	ssyncset.done $0x0  }
0x51: {  	s3 =	sadd.s32 $0xFFFFFFB0, s31;
	[sflag:s0] =	ssyncadd.s32 $0xFFFFD800  }
0x52: {  	[tilespmem:s25], [sflag:$0x2] =	stream.indirect.gather [hbm4b:s4+s22], $0x80, s3, s22, $0xb8;
	[tilespmem:$0x1F780] =	vst v63  }
0x53: {  	_ =	swait.ge [sflag:s26], $0x2800  }
0x54: {  	s1 =	sshra.s32 s1, $0x2;
	[sflag:s26] =	ssyncset.done $0x0  }
0x55: {  	s3 =	sadd.s32 $0x1A580, s1;
	[sflag:s26] =	ssyncadd.s32 $0xFFFFD800  }
0x56: {  	[spmem:s2] =	stream.indirect.scatter.add.f32 [tilespmem:s23], [sflag:$0x3], $0x80, s3, s22, $0xb8;
	[tilespmem:$0x1F780] =	vst v63  }
0x57: {  	_ =	swait.ge [sflag:s28], $0x2800  }
0x58: {  	[sflag:s28] =	ssyncset.done $0x0  }
.Ltmp0:
0x59: {  	[sflag:s28] =	ssyncadd.s32 $0xFFFFD800;
	(pc) =	sbr.rel @p3 .LBB2_2-.Ltmp0, $4  }
0x5a: {  	[tilespmem:s23], [sflag:$0x1] =	stream.indirect.gather [hbm4b:s4+s22], $0x80, s31, s22, $0xb8;
	[tilespmem:$0x1F780] =	vst v63  }
0x5b: {  	_ =	swait.ge [sflag:s30], $0x2800  }
0x5c: {  	[sflag:s30] =	ssyncset.done $0x0  }
0x5d: {  	s1 =	sadd.s32 $0x1A600, s1;
	s31 =	sadd.s32 $0xA0, s31;
	[sflag:s30] =	ssyncadd.s32 $0xFFFFD800  }
0x5e: {  	[spmem:s2] =	stream.indirect.scatter.add.f32 [tilespmem:s25], [sflag:$0x4], $0x80, s1, s22, $0xb8;
	[tilespmem:$0x1F780] =	vst v63  }
0x5f: {  	_ =	swait.ge [sflag:s26], $0x2800  }
0x60: {  	[sflag:s26] =	ssyncset.done $0x0  }
0x61: {  	s29 =	simm.s32 $0x1A580;
	[sflag:s26] =	ssyncadd.s32 $0xFFFFD800  }
0x62: {  	[spmem:s2] =	stream.indirect.scatter.add.f32 [tilespmem:s23], [sflag:$0x3], $0x80, s29, s22, $0xb8;
	[tilespmem:$0x1F780] =	vst v63  }
0x63: {  	_ =	swait.ge [sflag:s0], $0x2800  }
0x64: {  	[sflag:s0] =	ssyncset.done $0x0  }
0x65: {  	[sflag:s0] =	ssyncadd.s32 $0xFFFFD800  }
0x66: {  	s31 =	stileid.u32;
	_ =	swait.ge [sflag:s28], $0x2800  }
0x67: {  	s3 =	sshrl.u32 s6, $0x3;
	s24 =	sadd.s32 $0x1, s24;
	[sflag:s28] =	ssyncset.done $0x0  }
0x68: {  	s1 =	sshll.u32 s31, $0x6;
	p3 =	sne.s32 s24, s11;
	[sflag:s28] =	ssyncadd.s32 $0xFFFFD800  }
.Ltmp1:
0x69: {  	s1 =	sor.u32 $0x1C05, s1;
	[bflag:$0x0] =	sbarrier.arrive $0xFFFF;
	(pc) =	sbr.rel @p3 .LBB2_1-.Ltmp1, $4  }
0x6a: {  	[hbm:s12], [sflag:s1] =	dma.local [spmem:s3], $0x2800  }
0x6b: {  	_ =	swait.ge [sflag:s20], $0x2800  }
0x6c: {  	[sflag:s20] =	ssyncset.done $0x0  }
0x6d: {  	[sflag:s20] =	ssyncadd.s32 $0xFFFFD800  }
0x6e: {  	_ =	sfence.sel $0x180000  }
0x6f: {  	[bflag:$0x0] =	sbarrier.arrive $0xFFFF  }
0x70: {  	_ =	strace $0x9000004D  }
0x71: {  	s0 =	stileid.u32;
	[bflag:$0x2] =	sbarrier.arrive $0xFFFF  }
0x72: {  	p0 =	sne.s32 s0, $0x0;
	s0 =	rddreg [dreg:$0x2]  }
0x73: {  	s0 =	sadd.s32 @!p0 $0x100000, s0  }
0x74: {  	[sflag:s0] =	ssyncadd.tile.s32 @!p0 $0x1;
	_ =	shalt  }
.Lfunc_end2:
_tile_overlayer_lowered:
.L_overlay_start_2:
0x75: {  	(tag) =	ssettag $0x2  }
0x76: {  	s0 =	rddreg [dreg:$0x0];
	s2 =	stileid.u32  }
0x77: {  	s1 =	rddreg [dreg:$0x1];
	p0 =	sne.s32 s2, $0x0  }
0x78: {  	s3 =	rddreg [dreg:$0x2];
	[bflag:$0x3] =	sbarrier.arrive $0xFFFF;
	s2 =	simm.s32 @!p0 $0x1C05  }
0x79: {  	[timem:s3], [sflag:s2] =	dma.local @!p0 [hbm:s0], s1  }
0x7a: {  	s0 =	simm.s32 @!p0 $0x5  }
0x7b: {  	_ =	swait.ge @!p0 [sflag:s0], s1  }
0x7c: {  	s1 =	ssub.s32 @!p0 $0x0, s1;
	[sflag:s0] =	ssyncset.done @!p0 $0x0  }
0x7d: {  	[sflag:s0] =	ssyncadd.s32 @!p0 s1  }
0x7e: {  	[bflag:$0x3] =	sbarrier.arrive $0xFFFF  }
0x7f: {  	_ =	shalt  }

// kernel: kernel.19.cloned.1.call-start
scs
__scs_entry_jumppad:
0x0: {  	(pc) =	sbr.rel $0x88, $3  }
0x1: {  	(tag) =	ssettag $0x0;
	lr =	simm.s32 $0x1  }
0x2: {  	[smem:$0x3F96] =	sst lr;
	_ =	strace $0xD0000000  }
0x3: {  	_ = 	snop  }
0x4: {  	_ = 	snop  }
0x5: {  	_ = 	snop  }
0x6: {  	_ = 	snop  }
0x7: {  	_ = 	snop  }
__scs_overlays_trampoline_lowered:
0x8: {  	[smem:$0x3FA5] =	sst s0  }
0x9: {  	[smem:$0x3FA6] =	sst s1  }
0xa: {  	[smem:$0x3FA7] =	sst s2  }
0xb: {  	[smem:$0x3FA8] =	sst s3  }
0xc: {  	[smem:$0x3FA9] =	sst s4  }
0xd: {  	[smem:$0x3FAA] =	sst s5  }
0xe: {  	[smem:$0x3FAB] =	sst s6  }
0xf: {  	[smem:$0x3FAC] =	sst s7  }
0x10: {  	[smem:$0x3FAD] =	sst s8  }
0x11: {  	[smem:$0x3FAE] =	sst s9;
	s0 =	simm.s32 @!p0 $0x0  }
0x12: {  	s1 =	sld [smem:$0x3F94];
	s0 =	simm.s32 @p0 $0x1  }
0x13: {  	[smem:$0x3FAF] =	sst s0;
	s0 =	simm.s32 @!p1 $0x0  }
0x14: {  	s2 =	sld [smem:$0x3F93];
	s0 =	simm.s32 @p1 $0x1  }
0x15: {  	[smem:$0x3FB0] =	sst s0;
	s0 =	simm.s32 @!p2 $0x0  }
0x16: {  	s3 =	sld [smem:$0x3FDB];
	s0 =	simm.s32 @p2 $0x1  }
0x17: {  	s4 =	simm.s32 $0x1BF5;
	[smem:$0x3FB2] =	sst s0  }
0x18: {  	s0 =	sld [smem:$0x3F95];
	_ =	swait.ge [sflag:s4], $0x0  }
0x19: {  	s7 =	sld [smem:$0x3F96]  }
0x1a: {  	s8 =	sadd.s32 $0xFFFFE003, lr  }
0x1b: {  	s9 =	sadd.s32 $0xFFFFFEF7, lr;
	s5 =	simm.s32 $0xFFFFFFFF;
	p2 =	slt.u32 s8, $0xFFFFF086  }
0x1c: {  	p1 =	slt.u32 s9, $0xF7A;
	s5 =	simm.s32 @!p2 $0x0  }
0x1d: {  	s5 =	simm.s32 @p1 $0x1;
	p0 =	seq.s32 s7, s2  }
0x1e: {  	s7 =	smul.u32 @!p0 $0xF7A, s2;
	p2 =	seq.s32 @!p0 s5, $0x0  }
0x1f: {  	s9 =	smul.u32 $0xF7A, s1;
	s8 =	simm.s32 @!p0 $0x1BF5;
	p2 =	por !p2, p0  }
0x20: {  	[sflag:s8] =	ssyncset.s32 @!p0 $0xFFFFF086;
	s6 =	sadd.s32 @!p0 s3, s7;
	s7 =	simm.s32 @!p0 $0x108  }
0x21: {  	s3 =	sadd.s32 s3, s9;
	s6 =	sadd.s32 @!p0 $0x88, s6;
	s7 =	simm.s32 @p2 $0x1082  }
0x22: {  	[simem:s7], [sflag:s8] =	dma.local @!p0 [hbm:s6], $0xF7A  }
0x23: {  	s9 =	sor.u32 $0xD0000000, s2;
	s6 =	simm.s32 $0x108;
	_ =	swait.ge @!p0 [sflag:s8], $0x0  }
0x24: {  	s3 =	sadd.s32 $0x88, s3;
	s6 =	simm.s32 @!p1 $0x1082;
	[sflag:s4] =	ssyncset.s32 $0xFFFFF086  }
0x25: {  	[simem:s6], [sflag:s4] =	dma.local [hbm:s3], $0xF7A  }
0x26: {  	[smem:$0x3F96] =	sst s1;
	(tag) =	ssettag s2;
	_ =	strace s9  }
0x27: {  	s1 =	sld [smem:$0x3FA6]  }
0x28: {  	s2 =	sld [smem:$0x3FA7]  }
0x29: {  	s4 =	sld [smem:$0x3FA9]  }
0x2a: {  	p0 =	seq.s32 s5, $0x0;
	s5 =	sld [smem:$0x3FAA]  }
0x2b: {  	s6 =	sld [smem:$0x3FAB]  }
0x2c: {  	s7 =	sld [smem:$0x3FAC]  }
0x2d: {  	s3 =	simm.s32 $0x108;
	s8 =	sld [smem:$0x3FAD]  }
0x2e: {  	s3 =	simm.s32 @!p0 $0x1082;
	s9 =	sld [smem:$0x3FAE]  }
0x2f: {  	lr =	sadd.s32 s0, s3;
	s0 =	sld [smem:$0x3FA5]  }
0x30: {  	s3 =	sld [smem:$0x3FA8]  }
0x31: {  	[smem:$0x3FB1] =	sst s10  }
0x32: {  	s10 =	sld [smem:$0x3FAF];
	_ =	sdelay $0x3  }
0x33: {  	p0 =	seq.s32 s10, $0x1;
	s10 =	sld [smem:$0x3FB1];
	_ =	sdelay $0x3  }
0x34: {  	[smem:$0x3FB1] =	sst s10  }
0x35: {  	s10 =	sld [smem:$0x3FB0];
	_ =	sdelay $0x3  }
0x36: {  	p1 =	seq.s32 s10, $0x1;
	s10 =	sld [smem:$0x3FB1];
	_ =	sdelay $0x3  }
0x37: {  	[smem:$0x3FB1] =	sst s10  }
0x38: {  	s10 =	sld [smem:$0x3FB2]  }
0x39: {  	_ = 	snop;
	(pc) =	sbr.ind lr, $3  }
0x3a: {  	_ = 	snop  }
0x3b: {  	_ = 	snop  }
0x3c: {  	p2 =	seq.s32 s10, $0x1;
	s10 =	sld [smem:$0x3FB1]  }
0x3d: {  	_ =	shalt  }
0x3e: {  	_ =	shalt  }
0x3f: {  	_ =	shalt  }
0x40: {  	_ =	shalt  }
0x41: {  	_ =	shalt  }
0x42: {  	_ =	shalt  }
0x43: {  	_ =	shalt  }
0x44: {  	_ =	shalt  }
0x45: {  	_ =	shalt  }
0x46: {  	_ =	shalt  }
0x47: {  	_ =	shalt  }
0x48: {  	_ =	shalt  }
0x49: {  	_ =	shalt  }
0x4a: {  	_ =	shalt  }
0x4b: {  	_ =	shalt  }
0x4c: {  	_ =	shalt  }
0x4d: {  	_ =	shalt  }
0x4e: {  	_ =	shalt  }
0x4f: {  	_ =	shalt  }
0x50: {  	_ =	shalt  }
0x51: {  	_ =	shalt  }
0x52: {  	_ =	shalt  }
0x53: {  	_ =	shalt  }
0x54: {  	_ =	shalt  }
0x55: {  	_ =	shalt  }
0x56: {  	_ =	shalt  }
0x57: {  	_ =	shalt  }
0x58: {  	_ =	shalt  }
0x59: {  	_ =	shalt  }
0x5a: {  	_ =	shalt  }
0x5b: {  	_ =	shalt  }
0x5c: {  	_ =	shalt  }
0x5d: {  	_ =	shalt  }
0x5e: {  	_ =	shalt  }
0x5f: {  	_ =	shalt  }
0x60: {  	_ =	shalt  }
0x61: {  	_ =	shalt  }
0x62: {  	_ =	shalt  }
0x63: {  	_ =	shalt  }
0x64: {  	_ =	shalt  }
0x65: {  	_ =	shalt  }
0x66: {  	_ =	shalt  }
0x67: {  	_ =	shalt  }
0x68: {  	_ =	shalt  }
0x69: {  	_ =	shalt  }
0x6a: {  	_ =	shalt  }
0x6b: {  	_ =	shalt  }
0x6c: {  	_ =	shalt  }
0x6d: {  	_ =	shalt  }
0x6e: {  	_ =	shalt  }
0x6f: {  	_ =	shalt  }
0x70: {  	_ =	shalt  }
0x71: {  	_ =	shalt  }
0x72: {  	_ =	shalt  }
0x73: {  	_ =	shalt  }
0x74: {  	_ =	shalt  }
0x75: {  	_ =	shalt  }
0x76: {  	_ =	shalt  }
0x77: {  	_ =	shalt  }
0x78: {  	_ =	shalt  }
0x79: {  	_ =	shalt  }
0x7a: {  	_ =	shalt  }
0x7b: {  	_ =	shalt  }
0x7c: {  	_ =	shalt  }
0x7d: {  	_ =	shalt  }
0x7e: {  	_ =	shalt  }
0x7f: {  	_ =	shalt  }
0x80: {  	_ =	shalt  }
0x81: {  	_ =	shalt  }
0x82: {  	_ =	shalt  }
0x83: {  	_ =	shalt  }
0x84: {  	_ =	shalt  }
0x85: {  	_ =	shalt  }
0x86: {  	_ =	shalt  }
0x87: {  	_ =	shalt  }
.Lfunc_end0:
.L_simem_size_0:
called_computation.3_lowered:
.L_overlay_start_0:
0x88: {  	s2 =	sld [smem:$0x3FD9]  }
0x89: {  	s3 =	sld [smem:$0x3FFE];
	_ =	sdelay $0x1  }
0x8a: {  	s1 =	srdreg.scid  }
0x8b: {  	s0 =	sand.u32 $0x1, s1  }
0x8c: {  	s16 =	sshll.u32 s0, $0xA;
	s2 =	sadd.s32 s3, s2  }
0x8d: {  	s2 =	sadd.s32 s2, s16  }
0x8e: {  	[smem:$0x3FBD] =	sst s2  }
0x8f: {  	_ = 	snop  }
0x90: {  	(tm) =	ssettm $0x1  }
0x91: {  	s17 =	sld [smem:$0x3FFB];
	_ =	sdelay $0x3  }
0x92: {  	_ =	strace s17  }
0x93: {  	s2 =	sld [smem:$0x3FFC];
	_ =	sdelay $0x3  }
0x94: {  	_ =	strace s2  }
0x95: {  	s2 =	sld [smem:$0x3FFD];
	_ =	sdelay $0x3  }
0x96: {  	_ =	strace s2  }
0x97: {  	_ =	strace $0x8FFFFFFF  }
0x98: {  	s18 =	sld [smem:$0x3FDB];
	_ =	sdelay $0x1  }
0x99: {  	s19 =	simm.s32 $_scs_section_size  }
0x9a: {  	s4 =	simm.s32 $_size__tile_overlayer_lowered;
	s5 =	simm.s32 $_tile_overlayer_lowered  }
0x9b: {  	s22 =	simm.s32 $0x1BFF;
	s21 =	sshll.u32 s5, $0x1;
	s2 =	sadd.s32 s19, s18  }
0x9c: {  	s6 =	simm.s32 $0x0;
	s20 =	sshll.u32 s4, $0x1;
	s4 =	sadd.s32 s21, s2  }
0x9d: {  	[timem:s6], [sflag:s22] =	dma.local [hbm:s4], s20  }
0x9e: {  	_ =	swait.ge [sflag:s22], s20  }
0x9f: {  	s3 =	ssub.s32 $0x0, s20;
	[sflag:s22] =	ssyncset.done $0x0  }
0xa0: {  	[sflag:s22] =	ssyncadd.s32 s3;
	_ =	sdelay $0x1  }
0xa1: {  	s23 =	simm.s32 $0x1B8B  }
0xa2: {  	_ =	swait.ge [sflag:s23], $0x1  }
0xa3: {  	[sflag:s23] =	ssyncset.done $0x0  }
0xa4: {  	s25 =	simm.s32 $0x1B8E;
	s24 =	sld [smem:$0x3FFE];
	[sflag:s23] =	ssyncadd.s32 $0xFFFFFFFF  }
0xa5: {  	s26 =	simm.s32 $execute0_lowered;
	[smem:$0x3FD2] =	sst s25  }
0xa6: {  	s4 =	sshll.u32 s26, $0x1;
	_ =	strace $0x8000004F;
	[dreg:$0x1] =	wrdreg $0xFFFFFFFF  }
0xa7: {  	s28 =	simm.s32 $_size_execute0_lowered;
	s2 =	sadd.s32 s2, s4;
	[dreg:$0x0] =	wrdreg $0x0  }
0xa8: {  	s4 =	sshll.u32 s28, $0x1;
	[dreg:$0x2] =	wrdreg s2  }
0xa9: {  	[dreg:$0x3] =	wrdreg s4  }
0xaa: {  	[dreg:$0x4] =	wrdreg $0xC0  }
0xab: {  	_ =	task [dreg:s6], $0x5FFFF  }
0xac: {  	[dreg:$0x1] =	wrdreg $0xFFFFFFFF  }
0xad: {  	[dreg:$0x0] =	wrdreg $0x60  }
0xae: {  	[dreg:$0x2] =	wrdreg s24  }
0xaf: {  	[dreg:$0x3] =	wrdreg $0x0  }
0xb0: {  	[dreg:$0x4] =	wrdreg $0x9  }
0xb1: {  	_ =	task.clear_ibuf [dreg:s6], $0x5FFFF;
	_ =	strace $0x9000004F  }
0xb2: {  	s29 =	simm.s32 $0x9;
	_ =	strace $0x80000051  }
0xb3: {  	_ =	swait.ge [sflag:s29], $0x1  }
0xb4: {  	[sflag:s29] =	ssyncadd.s32 $0xFFFFFFFF  }
0xb5: {  	_ =	strace $0x90000051  }
0xb6: {  	_ =	sfence  }
0xb7: {  	s30 =	sld [smem:$0x0];
	_ =	sdelay $0x2  }
0xb8: {  	s31 =	sshll.u32 s1, $0xD;
	s1 =	sshrl.u32 s1, $0x2  }
0xb9: {  	s3 =	sand.u32 $0x4000, s31;
	s1 =	sadd.s32 s1, s30  }
0xba: {  	s0 =	sor.u32 s3, s0;
	s1 =	sshll.u32 s1, $0x11  }
0xbb: {  	s0 =	sor.u32 s1, s0  }
0xbc: {  	s0 =	sadd.s32 $0x8F2B, s0  }
0xbd: {  	[sflag:s0] =	ssyncadd.remote.s32 $0x1  }
0xbe: {  	_ =	sfence.sel $0xFFFF  }
0xbf: {  	[dreg:$0x0] =	wrdreg $0xFFFFFFFF;
	(pc) =	sbr.abs _section_cstart, $3  }
0xc0: {  	[dreg:$0x1] =	wrdreg $0xFFFFFFFF  }
0xc1: {  	_ =	task.clear_ibuf [dreg:s6], $0x2FFFF;
	_ =	strace $0x9FFFFFFF  }
0xc2: {  	(tm) =	ssettm $0x7FFFFFFF  }
0xc3: {  	_ =	shalt  }
tec
execute0_lowered:
.L_overlay_start_1:
0x0: {  	(tag) =	ssettag $0x1  }
0x1: {  	s0 =	srdreg.scid;
	s1 =	rddreg [dreg:$0x0]  }
0x2: {  	s2 =	rddreg [dreg:$0x1];
	s3 =	stileid.u32  }
0x3: {  	s6 =	simm.s32 $0x0;
	s13 =	simm.s32 $0x48000;
	s19 =	simm.s32 $0x14000  }
0x4: {  	s20 =	simm.s32 $0x5;
	s21 =	simm.s32 $0x16780;
	s22 =	simm.s32 $0x50  }
0x5: {  	s23 =	simm.s32 $0x1A780;
	s25 =	simm.s32 $0x1CF80;
	s28 =	simm.s32 $0x3  }
0x6: {  	s30 =	simm.s32 $0x2;
	s24 =	simm.s32 $0x0;
	s7 =	smul.u32 $0x50000, s3  }
0x7: {  	s0 =	sand.u32 $0x1, s0;
	[smem:$0x7FF] =	sst s6;
	s12 =	smul.u32 $0x2800, s3  }
0x8: {  	s15 =	sadd.s32 $0x12C000, s2;
	s16 =	sadd.s32 $0x138800, s2;
	s4 =	sshll.u32 s0, $0x4  }
0x9: {  	_ =	strace $0x80000050;
	s29 =	ssub.s32 $0x2, s0;
	p0 =	seq.s32 s0, $0x0  }
0xa: {  	s5 =	sor.u32 s3, s4;
	s4 =	sadd.s32 $0x1E600, s1;
	s8 =	sshrl.u32 s29, $0x1  }
0xb: {  	s31 =	sshrl.u32 s7, $0x2;
	s13 =	simm.s32 @!p0 $0x70000;
	p0 =	sne.s32 s0, $0x0  }
0xc: {  	s26 =	smul.u32 $0x4E2, s5;
	s5 =	sshll.u32 s5, $0xB;
	s11 =	ssub.s32 s29, s8  }
0xd: {  	s6 =	sadd.s32 s31, s2;
	s7 =	sadd.s32 s4, s12;
	s8 =	sadd.s32 $0x43E00, s1  }
0xe: {  	s0 =	sshll.u32 @p0 s3, $0x6;
	p2 =	seq.s32 @!p0 s3, $0xF;
	s10 =	sadd.s32 s5, s1  }
0xf: {  	s5 =	sadd.s32 $0x45800, s1;
	s11 =	smax.u32 s11, $0x1;
	p1 =	por !p2, p0  }
0x10: {  	p2 =	por p2, p0;
	s14 =	sshrl.u32 @p0 s6, $0x3;
	s9 =	sadd.s32 s26, s1  }
0x11: {  	s10 =	sadd.s32 $0xE600, s10;
	s1 =	sadd.s32 s13, s1;
	s13 =	sor.u32 @p0 $0x1C05, s0  }
0x12: {  	s15 =	sshrl.u32 @!p1 s15, $0x3;
	s0 =	sshll.u32 @!p2 s3, $0x6;
	s16 =	sshrl.u32 @!p1 s16, $0x3  }
0x13: {  	s18 =	sshrl.u32 @!p2 s6, $0x3;
	s26 =	simm.s32 $0x1;
	s9 =	sadd.s32 $0x4800, s9  }
0x14: {  	s12 =	sadd.s32 s1, s12;
	s17 =	sor.u32 @!p2 $0x1C05, s0;
	s0 =	simm.s32 $0x4  }
.LBB2_1:
0x15: {  	[spmem:s14], [sflag:s13] =	dma.local @p0 [hbm:s5], $0x2800  }
0x16: {  	s1 =	simm.s32 @p0 $0x5  }
0x17: {  	_ =	swait.ge @p0 [sflag:s1], $0x2800  }
0x18: {  	[sflag:s1] =	ssyncset.done @p0 $0x0  }
0x19: {  	s29 =	simm.s32 @!p1 $0x5;
	[sflag:s1] =	ssyncadd.s32 @p0 $0xFFFFD800;
	s1 =	simm.s32 @!p1 $0x1FC5  }
0x1a: {  	[spmem:s15], [sflag:s1] =	dma.local @!p1 [hbm:s8], $0x1900  }
0x1b: {  	_ =	swait.ge @!p1 [sflag:s29], $0x1900  }
0x1c: {  	[sflag:s29] =	ssyncset.done @!p1 $0x0  }
0x1d: {  	[sflag:s29] =	ssyncadd.s32 @!p1 $0xFFFFE700  }
0x1e: {  	[spmem:s16], [sflag:s1] =	dma.local @!p1 [hbm:s5], $0xF00  }
0x1f: {  	_ =	swait.ge @!p1 [sflag:s29], $0xF00  }
0x20: {  	[sflag:s29] =	ssyncset.done @!p1 $0x0  }
0x21: {  	s1 =	simm.s32 @!p2 $0x5;
	[sflag:s29] =	ssyncadd.s32 @!p1 $0xFFFFF100  }
0x22: {  	[spmem:s18], [sflag:s17] =	dma.local @!p2 [hbm:s7], $0x2800  }
0x23: {  	_ =	swait.ge @!p2 [sflag:s1], $0x2800  }
0x24: {  	[sflag:s1] =	ssyncset.done @!p2 $0x0  }
0x25: {  	s3 =	simm.s32 $0x0;
	[sflag:s1] =	ssyncadd.s32 @!p2 $0xFFFFD800  }
0x26: {  	[tilespmem:s19], [sflag:$0x5] =	stream.linear.gather [hbm4b:s9+s3], $0x2710, $0x38;
	[tilespmem:$0x1F780] =	vst v63  }
0x27: {  	_ =	swait.ge [sflag:s20], $0x2710  }
0x28: {  	[sflag:s20] =	ssyncset.done $0x0  }
0x29: {  	[sflag:s20] =	ssyncadd.s32 $0xFFFFD8F0  }
0x2a: {  	[tilespmem:s21], [sflag:$0x5] =	stream.linear.gather [hbm4b:s10+s3], $0x3E80, $0x38;
	[tilespmem:$0x1F780] =	vst v63  }
0x2b: {  	_ =	swait.ge [sflag:s20], $0x3E80  }
0x2c: {  	[sflag:s20] =	ssyncset.done $0x0  }
0x2d: {  	[sflag:s20] =	ssyncadd.s32 $0xFFFFC180  }
0x2e: {  	[bflag:$0x0] =	sbarrier.arrive $0xFFFF  }
0x2f: {  	[tilespmem:s23], [sflag:$0x1] =	stream.indirect.gather [hbm4b:s4+s22], $0x80, s19, s22, $0xb8;
	[tilespmem:$0x1F780] =	vst v63  }
0x30: {  	s3 =	simm.s32 $0x14050  }
0x31: {  	[tilespmem:s25], [sflag:$0x2] =	stream.indirect.gather [hbm4b:s4+s22], $0x80, s3, s22, $0xb8;
	[tilespmem:$0x1F780] =	vst v63  }
0x32: {  	_ =	swait.ge [sflag:s26], $0x2800  }
0x33: {  	[sflag:s26] =	ssyncset.done $0x0  }
0x34: {  	[sflag:s26] =	ssyncadd.s32 $0xFFFFD800  }
0x35: {  	[spmem:s2] =	stream.indirect.scatter.add.f32 [tilespmem:s23], [sflag:$0x3], $0x80, s21, s22, $0xb8;
	[tilespmem:$0x1F780] =	vst v63  }
0x36: {  	_ =	swait.ge [sflag:s28], $0x2800  }
0x37: {  	[sflag:s28] =	ssyncset.done $0x0  }
0x38: {  	s3 =	simm.s32 $0x140A0;
	[sflag:s28] =	ssyncadd.s32 $0xFFFFD800  }
0x39: {  	[tilespmem:s23], [sflag:$0x1] =	stream.indirect.gather [hbm4b:s4+s22], $0x80, s3, s22, $0xb8;
	[tilespmem:$0x1F780] =	vst v63  }
0x3a: {  	_ =	swait.ge [sflag:s30], $0x2800  }
0x3b: {  	[sflag:s30] =	ssyncset.done $0x0  }
0x3c: {  	s3 =	simm.s32 $0x16800;
	[sflag:s30] =	ssyncadd.s32 $0xFFFFD800  }
0x3d: {  	[spmem:s2] =	stream.indirect.scatter.add.f32 [tilespmem:s25], [sflag:$0x4], $0x80, s3, s22, $0xb8;
	[tilespmem:$0x1F780] =	vst v63  }
0x3e: {  	_ =	swait.ge [sflag:s0], $0x2800  }
0x3f: {  	[sflag:s0] =	ssyncset.done $0x0  }
0x40: {  	s3 =	simm.s32 $0x140F0;
	[sflag:s0] =	ssyncadd.s32 $0xFFFFD800  }
0x41: {  	[tilespmem:s25], [sflag:$0x2] =	stream.indirect.gather [hbm4b:s4+s22], $0x80, s3, s22, $0xb8;
	[tilespmem:$0x1F780] =	vst v63  }
0x42: {  	_ =	swait.ge [sflag:s26], $0x2800  }
0x43: {  	[sflag:s26] =	ssyncset.done $0x0  }
0x44: {  	s3 =	simm.s32 $0x16880;
	[sflag:s26] =	ssyncadd.s32 $0xFFFFD800  }
0x45: {  	[spmem:s2] =	stream.indirect.scatter.add.f32 [tilespmem:s23], [sflag:$0x3], $0x80, s3, s22, $0xb8;
	[tilespmem:$0x1F780] =	vst v63  }
0x46: {  	_ =	swait.ge [sflag:s28], $0x2800  }
0x47: {  	[sflag:s28] =	ssyncset.done $0x0  }
0x48: {  	s3 =	simm.s32 $0x14140;
	[sflag:s28] =	ssyncadd.s32 $0xFFFFD800  }
0x49: {  	[tilespmem:s23], [sflag:$0x1] =	stream.indirect.gather [hbm4b:s4+s22], $0x80, s3, s22, $0xb8;
	[tilespmem:$0x1F780] =	vst v63  }
0x4a: {  	_ =	swait.ge [sflag:s30], $0x2800  }
0x4b: {  	s31 =	simm.s32 $0x141E0;
	[sflag:s30] =	ssyncset.done $0x0  }
0x4c: {  	s29 =	simm.s32 $0xFFFF1000;
	s1 =	simm.s32 $0x16900;
	[sflag:s30] =	ssyncadd.s32 $0xFFFFD800  }
.LBB2_2:
0x4d: {  	[spmem:s2] =	stream.indirect.scatter.add.f32 [tilespmem:s25], [sflag:$0x4], $0x80, s1, s22, $0xb8;
	[tilespmem:$0x1F780] =	vst v63  }
0x4e: {  	s1 =	smov.u32 s29  }
0x4f: {  	p3 =	sne.s32 s29, $0xFFFFFC00;
	s29 =	sadd.s32 $0x400, s29;
	_ =	swait.ge [sflag:s0], $0x2800  }
0x50: {  	[sflag:s0] =	ssyncset.done $0x0  }
0x51: {  	s3 =	sadd.s32 $0xFFFFFFB0, s31;
	[sflag:s0] =	ssyncadd.s32 $0xFFFFD800  }
0x52: {  	[tilespmem:s25], [sflag:$0x2] =	stream.indirect.gather [hbm4b:s4+s22], $0x80, s3, s22, $0xb8;
	[tilespmem:$0x1F780] =	vst v63  }
0x53: {  	_ =	swait.ge [sflag:s26], $0x2800  }
0x54: {  	s1 =	sshra.s32 s1, $0x2;
	[sflag:s26] =	ssyncset.done $0x0  }
0x55: {  	s3 =	sadd.s32 $0x1A580, s1;
	[sflag:s26] =	ssyncadd.s32 $0xFFFFD800  }
0x56: {  	[spmem:s2] =	stream.indirect.scatter.add.f32 [tilespmem:s23], [sflag:$0x3], $0x80, s3, s22, $0xb8;
	[tilespmem:$0x1F780] =	vst v63  }
0x57: {  	_ =	swait.ge [sflag:s28], $0x2800  }
0x58: {  	[sflag:s28] =	ssyncset.done $0x0  }
.Ltmp0:
0x59: {  	[sflag:s28] =	ssyncadd.s32 $0xFFFFD800;
	(pc) =	sbr.rel @p3 .LBB2_2-.Ltmp0, $4  }
0x5a: {  	[tilespmem:s23], [sflag:$0x1] =	stream.indirect.gather [hbm4b:s4+s22], $0x80, s31, s22, $0xb8;
	[tilespmem:$0x1F780] =	vst v63  }
0x5b: {  	_ =	swait.ge [sflag:s30], $0x2800  }
0x5c: {  	[sflag:s30] =	ssyncset.done $0x0  }
0x5d: {  	s1 =	sadd.s32 $0x1A600, s1;
	s31 =	sadd.s32 $0xA0, s31;
	[sflag:s30] =	ssyncadd.s32 $0xFFFFD800  }
0x5e: {  	[spmem:s2] =	stream.indirect.scatter.add.f32 [tilespmem:s25], [sflag:$0x4], $0x80, s1, s22, $0xb8;
	[tilespmem:$0x1F780] =	vst v63  }
0x5f: {  	_ =	swait.ge [sflag:s26], $0x2800  }
0x60: {  	[sflag:s26] =	ssyncset.done $0x0  }
0x61: {  	s29 =	simm.s32 $0x1A580;
	[sflag:s26] =	ssyncadd.s32 $0xFFFFD800  }
0x62: {  	[spmem:s2] =	stream.indirect.scatter.add.f32 [tilespmem:s23], [sflag:$0x3], $0x80, s29, s22, $0xb8;
	[tilespmem:$0x1F780] =	vst v63  }
0x63: {  	_ =	swait.ge [sflag:s0], $0x2800  }
0x64: {  	[sflag:s0] =	ssyncset.done $0x0  }
0x65: {  	[sflag:s0] =	ssyncadd.s32 $0xFFFFD800  }
0x66: {  	s31 =	stileid.u32;
	_ =	swait.ge [sflag:s28], $0x2800  }
0x67: {  	s3 =	sshrl.u32 s6, $0x3;
	s24 =	sadd.s32 $0x1, s24;
	[sflag:s28] =	ssyncset.done $0x0  }
0x68: {  	s1 =	sshll.u32 s31, $0x6;
	p3 =	sne.s32 s24, s11;
	[sflag:s28] =	ssyncadd.s32 $0xFFFFD800  }
.Ltmp1:
0x69: {  	s1 =	sor.u32 $0x1C05, s1;
	[bflag:$0x0] =	sbarrier.arrive $0xFFFF;
	(pc) =	sbr.rel @p3 .LBB2_1-.Ltmp1, $4  }
0x6a: {  	[hbm:s12], [sflag:s1] =	dma.local [spmem:s3], $0x2800  }
0x6b: {  	_ =	swait.ge [sflag:s20], $0x2800  }
0x6c: {  	[sflag:s20] =	ssyncset.done $0x0  }
0x6d: {  	[sflag:s20] =	ssyncadd.s32 $0xFFFFD800  }
0x6e: {  	_ =	sfence.sel $0x180000  }
0x6f: {  	[bflag:$0x0] =	sbarrier.arrive $0xFFFF  }
0x70: {  	_ =	strace $0x90000050  }
0x71: {  	s0 =	stileid.u32;
	[bflag:$0x2] =	sbarrier.arrive $0xFFFF  }
0x72: {  	p0 =	sne.s32 s0, $0x0;
	s0 =	rddreg [dreg:$0x2]  }
0x73: {  	s0 =	sadd.s32 @!p0 $0x100000, s0  }
0x74: {  	[sflag:s0] =	ssyncadd.tile.s32 @!p0 $0x1;
	_ =	shalt  }
.Lfunc_end2:
_tile_overlayer_lowered:
.L_overlay_start_2:
0x75: {  	(tag) =	ssettag $0x2  }
0x76: {  	s0 =	rddreg [dreg:$0x0];
	s2 =	stileid.u32  }
0x77: {  	s1 =	rddreg [dreg:$0x1];
	p0 =	sne.s32 s2, $0x0  }
0x78: {  	s3 =	rddreg [dreg:$0x2];
	[bflag:$0x3] =	sbarrier.arrive $0xFFFF;
	s2 =	simm.s32 @!p0 $0x1C05  }
0x79: {  	[timem:s3], [sflag:s2] =	dma.local @!p0 [hbm:s0], s1  }
0x7a: {  	s0 =	simm.s32 @!p0 $0x5  }
0x7b: {  	_ =	swait.ge @!p0 [sflag:s0], s1  }
0x7c: {  	s1 =	ssub.s32 @!p0 $0x0, s1;
	[sflag:s0] =	ssyncset.done @!p0 $0x0  }
0x7d: {  	[sflag:s0] =	ssyncadd.s32 @!p0 s1  }
0x7e: {  	[bflag:$0x3] =	sbarrier.arrive $0xFFFF  }
0x7f: {  	_ =	shalt  }

</sc_bundles>
